<compile_context>
chip_gen: v7x
topology: tpu7x:2x2x1
jax: 0.10.2.dev20260603
libtpu: 0.0.44.dev20260713+nightly
codegen_flags: <defaults>
</compile_context>

<pallas_src>
import functools

import jax
import jax.numpy as jnp
from jax import lax
from jax.experimental import pallas as pl
from jax.experimental.pallas import tpu as pltpu
from jax.experimental.pallas import tpu_sc as plsc

_VOCAB = 30522
_HIDDEN = 768
_MAX_POS = 512
_TYPE_VOCAB = 2
_BATCH = 10

_NC = 2
_NS = 16
_NW = _NC * _NS
_CHUNK = 32
_CPW = 5
_NSL = _HIDDEN // 16
_LANES = 16


def _emb_body(idx_hbm, seg_hbm, word_hbm, pos_hbm, type_hbm, gam_hbm, bet_hbm,
              out_hbm, idx_v, seg_v, wrows0, wrows1, prows, trows, gam_v,
              bet_v, isem, gsem0, gsem1, osem0, osem1):
    wid = lax.axis_index("s") * _NC + lax.axis_index("c")
    p0 = (wid % _NS) * _CHUNK
    b0 = (wid // _NS) * _CPW

    id_descs = []
    for j in range(_CPW):
        base_j = (b0 + j) * _MAX_POS + p0
        id_descs.append(pltpu.async_copy(
            idx_hbm.at[pl.ds(base_j, _CHUNK)], idx_v.at[j], isem))
        id_descs.append(pltpu.async_copy(
            seg_hbm.at[pl.ds(base_j, _CHUNK)],
            seg_v.at[j, pl.ds(0, _CHUNK)], isem))
    pltpu.sync_copy(pos_hbm.at[pl.ds(p0, _CHUNK)], prows)
    pltpu.sync_copy(type_hbm, trows)
    pltpu.sync_copy(gam_hbm, gam_v)
    pltpu.sync_copy(bet_hbm, bet_v)
    for d in id_descs:
        d.wait()

    bufs = ((wrows0, gsem0, osem0), (wrows1, gsem1, osem1))

    def compute_chunk(j, wrows):
        def tok_body(u, carry2):
            ta = 2 * u
            tb = ta + 1
            sv = seg_v[j, pl.ds(ta, _LANES)]
            sfa = sv[0].astype(jnp.float32)
            sfb = sv[1].astype(jnp.float32)

            zero = jnp.zeros((_LANES,), jnp.float32)

            @plsc.parallel_loop(0, _HIDDEN, _LANES, unroll=4,
                                carry=(zero,) * 4)
            def p1_cf(i, carry):
                sl = pl.ds(i, _LANES)
                t0 = trows[0, sl]
                t1 = trows[1, sl]
                d = t1 - t0
                wa = wrows[ta, sl]
                pa = prows[ta, sl]
                ea = wa + pa + t0 + sfa * d
                wb = wrows[tb, sl]
                pb = prows[tb, sl]
                eb = wb + pb + t0 + sfb * d
                wrows[ta, sl] = ea
                wrows[tb, sl] = eb
                return (carry[0] + ea, carry[1] + ea * ea,
                        carry[2] + eb, carry[3] + eb * eb)

            mean_a = jnp.sum(p1_cf[0]) * (1.0 / _HIDDEN)
            ex2_a = jnp.sum(p1_cf[1]) * (1.0 / _HIDDEN)
            mean_b = jnp.sum(p1_cf[2]) * (1.0 / _HIDDEN)
            ex2_b = jnp.sum(p1_cf[3]) * (1.0 / _HIDDEN)
            va = ex2_a - mean_a * mean_a + 1e-5
            vb = ex2_b - mean_b * mean_b + 1e-5

            xa = jnp.full((_LANES,), va, jnp.float32)
            xb = jnp.full((_LANES,), vb, jnp.float32)
            magic = jnp.full((_LANES,), 0x5F3759DF, jnp.int32)
            ya = plsc.bitcast(magic - (plsc.bitcast(xa, jnp.int32) >> 1),
                              jnp.float32)
            yb = plsc.bitcast(magic - (plsc.bitcast(xb, jnp.int32) >> 1),
                              jnp.float32)
            hxa = 0.5 * xa
            hxb = 0.5 * xb
            for _ in range(4):
                ya = ya * (1.5 - hxa * ya * ya)
                yb = yb * (1.5 - hxb * yb * yb)
            ma = jnp.full((_LANES,), mean_a, jnp.float32)
            mb = jnp.full((_LANES,), mean_b, jnp.float32)

            @plsc.parallel_loop(0, _HIDDEN, _LANES, unroll=4)
            def _p2(i):
                sl = pl.ds(i, _LANES)
                g = gam_v[sl]
                b = bet_v[sl]
                ea = wrows[ta, sl]
                eb = wrows[tb, sl]
                wrows[ta, sl] = (ea - ma) * ya * g + b
                wrows[tb, sl] = (eb - mb) * yb * g + b
            return carry2

        lax.fori_loop(0, _CHUNK // 2, tok_body, 0)

    gather_desc = [None] * _CPW
    out_desc = [None] * _CPW
    gather_desc[0] = pltpu.async_copy(word_hbm.at[idx_v.at[0]], wrows0,
                                      gsem0)
    for j in range(_CPW):
        wr, _, os_ = bufs[j % 2]
        if j + 1 < _CPW:
            nwr, ngs, _ = bufs[(j + 1) % 2]
            if j >= 1:
                out_desc[j - 1].wait()
            gather_desc[j + 1] = pltpu.async_copy(
                word_hbm.at[idx_v.at[j + 1]], nwr, ngs)
        gather_desc[j].wait()
        compute_chunk(j, wr)
        out_base = (b0 + j) * _MAX_POS + p0
        out_desc[j] = pltpu.async_copy(
            wr, out_hbm.at[pl.ds(out_base, _CHUNK)], os_)
    out_desc[_CPW - 2].wait()
    out_desc[_CPW - 1].wait()


@jax.jit
def _emb_call(batch_idx, batch_seg_idx, word_table, pos_table, type_table,
              ln_gamma, ln_beta):
    mesh = plsc.VectorSubcoreMesh(core_axis_name="c", subcore_axis_name="s")
    return pl.kernel(
        _emb_body,
        out_type=jax.ShapeDtypeStruct((_BATCH * _MAX_POS, _HIDDEN),
                                      jnp.float32),
        mesh=mesh,
        compiler_params=pltpu.CompilerParams(needs_layout_passes=False),
        scratch_types=[
            pltpu.VMEM((_CPW, _CHUNK), jnp.int32),
            pltpu.VMEM((_CPW, 2 * _CHUNK), jnp.int32),
            pltpu.VMEM((_CHUNK, _HIDDEN), jnp.float32),
            pltpu.VMEM((_CHUNK, _HIDDEN), jnp.float32),
            pltpu.VMEM((_CHUNK, _HIDDEN), jnp.float32),
            pltpu.VMEM((_TYPE_VOCAB, _HIDDEN), jnp.float32),
            pltpu.VMEM((_HIDDEN,), jnp.float32),
            pltpu.VMEM((_HIDDEN,), jnp.float32),
            pltpu.SemaphoreType.DMA,
            pltpu.SemaphoreType.DMA,
            pltpu.SemaphoreType.DMA,
            pltpu.SemaphoreType.DMA,
            pltpu.SemaphoreType.DMA,
        ],
    )(batch_idx, batch_seg_idx, word_table, pos_table, type_table, ln_gamma,
      ln_beta)


def kernel(batch_idx, batch_seg_idx, word_table, pos_table, type_table,
           ln_gamma, ln_beta):
    idx_flat = batch_idx.reshape(-1).astype(jnp.int32)
    seg_flat = batch_seg_idx.reshape(-1).astype(jnp.int32)
    out = _emb_call(idx_flat, seg_flat, word_table, pos_table, type_table,
                    ln_gamma, ln_beta)
    return out.reshape(_BATCH, _MAX_POS, _HIDDEN)

# --- scband reference (transcript-rebuilt; emitter-appended) ---
"""Pipeline reference for scband-bert-embeddding-16844861735730 (READ-ONLY COPY).

The authoritative reference and input builder live on the scoring server;
editing this copy changes nothing except your own understanding.
"""

import jax, jax.numpy as jnp
import numpy as np

VOCAB = 30522
HIDDEN = 768
MAX_POS = 512
TYPE_VOCAB = 2
BATCH = 10

def setup_inputs(seed: int = 0) -> dict:
    key = jax.random.key(seed)
    k1, k2, k3, k4, k5 = jax.random.split(key, 5)
    batch_idx = jax.random.randint(k1, (BATCH, MAX_POS), 0, VOCAB, dtype=jnp.int64 if jax.config.jax_enable_x64 else jnp.int32)
    batch_seg_idx = jax.random.randint(k2, (BATCH, MAX_POS), 0, TYPE_VOCAB, dtype=jnp.int64 if jax.config.jax_enable_x64 else jnp.int32)
    word_table = jax.random.normal(k3, (VOCAB, HIDDEN), dtype=jnp.float32) * 0.02
    pos_table = jax.random.normal(k4, (MAX_POS, HIDDEN), dtype=jnp.float32) * 0.02
    type_table = jax.random.normal(k5, (TYPE_VOCAB, HIDDEN), dtype=jnp.float32) * 0.02
    ln_gamma = jnp.ones((HIDDEN,), dtype=jnp.float32)
    ln_beta = jnp.zeros((HIDDEN,), dtype=jnp.float32)
    return {"batch_idx": batch_idx, "batch_seg_idx": batch_seg_idx,
            "word_table": word_table, "pos_table": pos_table,
            "type_table": type_table, "ln_gamma": ln_gamma, "ln_beta": ln_beta}

def _layer_norm(x, gamma, beta, eps=1e-5):
    mean = jnp.mean(x, axis=-1, keepdims=True)
    var = jnp.mean(jnp.square(x - mean), axis=-1, keepdims=True)
    return (x - mean) / jnp.sqrt(var + eps) * gamma + beta

def reference(batch_idx, batch_seg_idx, word_table, pos_table, type_table, ln_gamma, ln_beta):
    word_emb = jnp.take(word_table, batch_idx, axis=0)
    pos_idx = jnp.tile(jnp.arange(pos_table.shape[0])[None, :], (10, 1))
    pos_emb = jnp.take(pos_table, pos_idx, axis=0)
    token_emb = jnp.take(type_table, batch_seg_idx, axis=0)
    emb = word_emb + pos_emb + token_emb
    emb = _layer_norm(emb, ln_gamma, ln_beta)
    # dropout is identity at inference
    return emb

if __name__ == "__main__":
    import jax
    _d = setup_inputs()
    print(jax.jit(kernel)(*tuple(_d.values())))

</pallas_src>

<mosaic_0001>
#map = affine_map<(d0, d1) -> (0)>
#map1 = affine_map<(d0, d1) -> (0, 0)>
module attributes {stable_mosaic.version = 14 : i64} {
  func.func @_emb_body(%arg0: i32, %arg1: i32, %arg2: memref<5120xi32, #tpu.memory_space<hbm>>, %arg3: memref<5120xi32, #tpu.memory_space<hbm>>, %arg4: memref<30522x768xf32, #tpu.memory_space<hbm>>, %arg5: memref<512x768xf32, #tpu.memory_space<hbm>>, %arg6: memref<2x768xf32, #tpu.memory_space<hbm>>, %arg7: memref<768xf32, #tpu.memory_space<hbm>>, %arg8: memref<768xf32, #tpu.memory_space<hbm>>, %arg9: memref<5120x768xf32, #tpu.memory_space<hbm>>, %arg10: memref<5x32xi32, #tpu.memory_space<vmem>>, %arg11: memref<5x64xi32, #tpu.memory_space<vmem>>, %arg12: memref<32x768xf32, #tpu.memory_space<vmem>>, %arg13: memref<32x768xf32, #tpu.memory_space<vmem>>, %arg14: memref<32x768xf32, #tpu.memory_space<vmem>>, %arg15: memref<2x768xf32, #tpu.memory_space<vmem>>, %arg16: memref<768xf32, #tpu.memory_space<vmem>>, %arg17: memref<768xf32, #tpu.memory_space<vmem>>, %arg18: memref<!tpu.dma_semaphore, #tpu.memory_space<semaphore_mem>>, %arg19: memref<!tpu.dma_semaphore, #tpu.memory_space<semaphore_mem>>, %arg20: memref<!tpu.dma_semaphore, #tpu.memory_space<semaphore_mem>>, %arg21: memref<!tpu.dma_semaphore, #tpu.memory_space<semaphore_mem>>, %arg22: memref<!tpu.dma_semaphore, #tpu.memory_space<semaphore_mem>>) attributes {dimension_semantics = [#tpu.dimension_semantics<core_parallel>, #tpu.dimension_semantics<subcore_parallel>], iteration_bounds = array<i64: 2, 16>, scalar_prefetch = 0 : i64, scratch_operands = 13 : i64, tpu.core_type = #tpu.core_type<sc_vector_subcore>, window_params = [{transform_indices = #map}, {transform_indices = #map}, {transform_indices = #map1}, {transform_indices = #map1}, {transform_indices = #map1}, {transform_indices = #map}, {transform_indices = #map}, {transform_indices = #map1}]} {
    %mul3A = arith.constant 2 : i32
    %mul3A_0 = arith.muli %arg1, %mul3A : i32
    %add3A = arith.addi %mul3A_0, %arg0 : i32
    %jit3A = arith.constant 16 : i32
    %eq3A = arith.constant 0 : i32
    %eq3A_1 = arith.cmpi eq, %jit3A, %eq3A : i32
    %jit3A_2 = arith.constant 1 : i32
    %select_n3A = arith.select %eq3A_1, %jit3A_2, %jit3A : i32
    %rem3A = arith.remsi %add3A, %select_n3A : i32
    %ne3A = arith.constant 0 : i32
    %ne3A_3 = arith.cmpi ne, %rem3A, %ne3A : i32
    %lt3A = arith.constant 0 : i32
    %lt3A_4 = arith.cmpi slt, %rem3A, %lt3A : i32
    %lt3A_5 = arith.constant 0 : i32
    %lt3A_6 = arith.cmpi slt, %select_n3A, %lt3A_5 : i32
    %ne3A_7 = arith.xori %lt3A_4, %lt3A_6 : i1
    %and3A = arith.andi %ne3A_7, %ne3A_3 : i1
    %add3A_8 = arith.addi %rem3A, %select_n3A : i32
    %select_n3A_9 = arith.select %and3A, %add3A_8, %rem3A : i32
    %mul3A_10 = arith.constant 32 : i32
    %mul3A_11 = arith.muli %select_n3A_9, %mul3A_10 : i32
    %jit3A_12 = arith.constant 16 : i32
    %div3A = arith.divsi %add3A, %jit3A_12 : i32
    %sign3A = arith.constant 0 : i32
    %sign3A_13 = arith.cmpi sgt, %add3A, %sign3A : i32
    %sign3A_14 = arith.extui %sign3A_13 : i1 to i32
    %sign3A_15 = arith.constant 0 : i32
    %sign3A_16 = arith.cmpi slt, %add3A, %sign3A_15 : i32
    %sign3A_17 = arith.extui %sign3A_16 : i1 to i32
    %sign3A_18 = arith.subi %sign3A_14, %sign3A_17 : i32
    %sign3A_19 = arith.constant 0 : i32
    %sign3A_20 = arith.cmpi sgt, %jit3A_12, %sign3A_19 : i32
    %sign3A_21 = arith.extui %sign3A_20 : i1 to i32
    %sign3A_22 = arith.constant 0 : i32
    %sign3A_23 = arith.cmpi slt, %jit3A_12, %sign3A_22 : i32
    %sign3A_24 = arith.extui %sign3A_23 : i1 to i32
    %sign3A_25 = arith.subi %sign3A_21, %sign3A_24 : i32
    %ne3A_26 = arith.cmpi ne, %sign3A_18, %sign3A_25 : i32
    %rem3A_27 = arith.remsi %add3A, %jit3A_12 : i32
    %ne3A_28 = arith.constant 0 : i32
    %ne3A_29 = arith.cmpi ne, %rem3A_27, %ne3A_28 : i32
    %and3A_30 = arith.andi %ne3A_26, %ne3A_29 : i1
    %sub3A = arith.constant 1 : i32
    %sub3A_31 = arith.subi %div3A, %sub3A : i32
    %select_n3A_32 = arith.select %and3A_30, %sub3A_31, %div3A : i32
    %mul3A_33 = arith.constant 5 : i32
    %mul3A_34 = arith.muli %select_n3A_32, %mul3A_33 : i32
    %add3A_35 = arith.constant 0 : i32
    %add3A_36 = arith.addi %mul3A_34, %add3A_35 : i32
    %mul3A_37 = arith.constant 512 : i32
    %mul3A_38 = arith.muli %add3A_36, %mul3A_37 : i32
    %add3A_39 = arith.addi %mul3A_38, %mul3A_11 : i32
    %dma_start3A = arith.constant 0 : i32
    %dma_start3A_40 = arith.constant 0 : i32
    %dma_start3A_41 = tpu.memref_slice %arg10[%dma_start3A, %dma_start3A_40] : memref<5x32xi32, #tpu.memory_space<vmem>> -> memref<1x32xi32, #tpu.memory_space<vmem>>
    %dma_start3A_42 = tpu.memref_squeeze %dma_start3A_41 : memref<1x32xi32, #tpu.memory_space<vmem>> -> memref<32xi32, #tpu.memory_space<vmem>>
    %dma_start3A_43 = tpu.memref_slice %arg2[%add3A_39] : memref<5120xi32, #tpu.memory_space<hbm>> -> memref<32xi32, #tpu.memory_space<hbm>>
    %dma_start3A_44 = arith.constant 0 : i32
    %dma_start3A_45 = tpu.memref_slice %arg10[%dma_start3A, %dma_start3A_44] : memref<5x32xi32, #tpu.memory_space<vmem>> -> memref<1x32xi32, #tpu.memory_space<vmem>>
    %dma_start3A_46 = tpu.memref_squeeze %dma_start3A_45 : memref<1x32xi32, #tpu.memory_space<vmem>> -> memref<32xi32, #tpu.memory_space<vmem>>
    %dma_start3A_47 = tpu.memref_slice %arg2[%add3A_39] : memref<5120xi32, #tpu.memory_space<hbm>> -> memref<32xi32, #tpu.memory_space<hbm>>
    tpu.enqueue_dma source(%dma_start3A_47 : memref<32xi32, #tpu.memory_space<hbm>>) target(%dma_start3A_46 : memref<32xi32, #tpu.memory_space<vmem>>) target_semaphore(%arg18 : memref<!tpu.dma_semaphore, #tpu.memory_space<semaphore_mem>>)
    %dma_start3A_48 = arith.constant 0 : i32
    %dma_start3A_49 = arith.constant 0 : i32
    %dma_start3A_50 = tpu.memref_slice %arg11[%dma_start3A_48, %dma_start3A_49] : memref<5x64xi32, #tpu.memory_space<vmem>> -> memref<1x32xi32, #tpu.memory_space<vmem>>
    %dma_start3A_51 = tpu.memref_squeeze %dma_start3A_50 : memref<1x32xi32, #tpu.memory_space<vmem>> -> memref<32xi32, #tpu.memory_space<vmem>>
    %dma_start3A_52 = tpu.memref_slice %arg3[%add3A_39] : memref<5120xi32, #tpu.memory_space<hbm>> -> memref<32xi32, #tpu.memory_space<hbm>>
    %dma_start3A_53 = arith.constant 0 : i32
    %dma_start3A_54 = tpu.memref_slice %arg11[%dma_start3A_48, %dma_start3A_53] : memref<5x64xi32, #tpu.memory_space<vmem>> -> memref<1x32xi32, #tpu.memory_space<vmem>>
    %dma_start3A_55 = tpu.memref_squeeze %dma_start3A_54 : memref<1x32xi32, #tpu.memory_space<vmem>> -> memref<32xi32, #tpu.memory_space<vmem>>
    %dma_start3A_56 = tpu.memref_slice %arg3[%add3A_39] : memref<5120xi32, #tpu.memory_space<hbm>> -> memref<32xi32, #tpu.memory_space<hbm>>
    tpu.enqueue_dma source(%dma_start3A_56 : memref<32xi32, #tpu.memory_space<hbm>>) target(%dma_start3A_55 : memref<32xi32, #tpu.memory_space<vmem>>) target_semaphore(%arg18 : memref<!tpu.dma_semaphore, #tpu.memory_space<semaphore_mem>>)
    %add3A_57 = arith.constant 1 : i32
    %add3A_58 = arith.addi %mul3A_34, %add3A_57 : i32
    %mul3A_59 = arith.constant 512 : i32
    %mul3A_60 = arith.muli %add3A_58, %mul3A_59 : i32
    %add3A_61 = arith.addi %mul3A_60, %mul3A_11 : i32
    %dma_start3A_62 = arith.constant 1 : i32
    %dma_start3A_63 = arith.constant 0 : i32
    %dma_start3A_64 = tpu.memref_slice %arg10[%dma_start3A_62, %dma_start3A_63] : memref<5x32xi32, #tpu.memory_space<vmem>> -> memref<1x32xi32, #tpu.memory_space<vmem>>
    %dma_start3A_65 = tpu.memref_squeeze %dma_start3A_64 : memref<1x32xi32, #tpu.memory_space<vmem>> -> memref<32xi32, #tpu.memory_space<vmem>>
    %dma_start3A_66 = tpu.memref_slice %arg2[%add3A_61] : memref<5120xi32, #tpu.memory_space<hbm>> -> memref<32xi32, #tpu.memory_space<hbm>>
    %dma_start3A_67 = arith.constant 0 : i32
    %dma_start3A_68 = tpu.memref_slice %arg10[%dma_start3A_62, %dma_start3A_67] : memref<5x32xi32, #tpu.memory_space<vmem>> -> memref<1x32xi32, #tpu.memory_space<vmem>>
    %dma_start3A_69 = tpu.memref_squeeze %dma_start3A_68 : memref<1x32xi32, #tpu.memory_space<vmem>> -> memref<32xi32, #tpu.memory_space<vmem>>
    %dma_start3A_70 = tpu.memref_slice %arg2[%add3A_61] : memref<5120xi32, #tpu.memory_space<hbm>> -> memref<32xi32, #tpu.memory_space<hbm>>
    tpu.enqueue_dma source(%dma_start3A_70 : memref<32xi32, #tpu.memory_space<hbm>>) target(%dma_start3A_69 : memref<32xi32, #tpu.memory_space<vmem>>) target_semaphore(%arg18 : memref<!tpu.dma_semaphore, #tpu.memory_space<semaphore_mem>>)
    %dma_start3A_71 = arith.constant 1 : i32
    %dma_start3A_72 = arith.constant 0 : i32
    %dma_start3A_73 = tpu.memref_slice %arg11[%dma_start3A_71, %dma_start3A_72] : memref<5x64xi32, #tpu.memory_space<vmem>> -> memref<1x32xi32, #tpu.memory_space<vmem>>
    %dma_start3A_74 = tpu.memref_squeeze %dma_start3A_73 : memref<1x32xi32, #tpu.memory_space<vmem>> -> memref<32xi32, #tpu.memory_space<vmem>>
    %dma_start3A_75 = tpu.memref_slice %arg3[%add3A_61] : memref<5120xi32, #tpu.memory_space<hbm>> -> memref<32xi32, #tpu.memory_space<hbm>>
    %dma_start3A_76 = arith.constant 0 : i32
    %dma_start3A_77 = tpu.memref_slice %arg11[%dma_start3A_71, %dma_start3A_76] : memref<5x64xi32, #tpu.memory_space<vmem>> -> memref<1x32xi32, #tpu.memory_space<vmem>>
    %dma_start3A_78 = tpu.memref_squeeze %dma_start3A_77 : memref<1x32xi32, #tpu.memory_space<vmem>> -> memref<32xi32, #tpu.memory_space<vmem>>
    %dma_start3A_79 = tpu.memref_slice %arg3[%add3A_61] : memref<5120xi32, #tpu.memory_space<hbm>> -> memref<32xi32, #tpu.memory_space<hbm>>
    tpu.enqueue_dma source(%dma_start3A_79 : memref<32xi32, #tpu.memory_space<hbm>>) target(%dma_start3A_78 : memref<32xi32, #tpu.memory_space<vmem>>) target_semaphore(%arg18 : memref<!tpu.dma_semaphore, #tpu.memory_space<semaphore_mem>>)
    %add3A_80 = arith.constant 2 : i32
    %add3A_81 = arith.addi %mul3A_34, %add3A_80 : i32
    %mul3A_82 = arith.constant 512 : i32
    %mul3A_83 = arith.muli %add3A_81, %mul3A_82 : i32
    %add3A_84 = arith.addi %mul3A_83, %mul3A_11 : i32
    %dma_start3A_85 = arith.constant 2 : i32
    %dma_start3A_86 = arith.constant 0 : i32
    %dma_start3A_87 = tpu.memref_slice %arg10[%dma_start3A_85, %dma_start3A_86] : memref<5x32xi32, #tpu.memory_space<vmem>> -> memref<1x32xi32, #tpu.memory_space<vmem>>
    %dma_start3A_88 = tpu.memref_squeeze %dma_start3A_87 : memref<1x32xi32, #tpu.memory_space<vmem>> -> memref<32xi32, #tpu.memory_space<vmem>>
    %dma_start3A_89 = tpu.memref_slice %arg2[%add3A_84] : memref<5120xi32, #tpu.memory_space<hbm>> -> memref<32xi32, #tpu.memory_space<hbm>>
    %dma_start3A_90 = arith.constant 0 : i32
    %dma_start3A_91 = tpu.memref_slice %arg10[%dma_start3A_85, %dma_start3A_90] : memref<5x32xi32, #tpu.memory_space<vmem>> -> memref<1x32xi32, #tpu.memory_space<vmem>>
    %dma_start3A_92 = tpu.memref_squeeze %dma_start3A_91 : memref<1x32xi32, #tpu.memory_space<vmem>> -> memref<32xi32, #tpu.memory_space<vmem>>
    %dma_start3A_93 = tpu.memref_slice %arg2[%add3A_84] : memref<5120xi32, #tpu.memory_space<hbm>> -> memref<32xi32, #tpu.memory_space<hbm>>
    tpu.enqueue_dma source(%dma_start3A_93 : memref<32xi32, #tpu.memory_space<hbm>>) target(%dma_start3A_92 : memref<32xi32, #tpu.memory_space<vmem>>) target_semaphore(%arg18 : memref<!tpu.dma_semaphore, #tpu.memory_space<semaphore_mem>>)
    %dma_start3A_94 = arith.constant 2 : i32
    %dma_start3A_95 = arith.constant 0 : i32
    %dma_start3A_96 = tpu.memref_slice %arg11[%dma_start3A_94, %dma_start3A_95] : memref<5x64xi32, #tpu.memory_space<vmem>> -> memref<1x32xi32, #tpu.memory_space<vmem>>
    %dma_start3A_97 = tpu.memref_squeeze %dma_start3A_96 : memref<1x32xi32, #tpu.memory_space<vmem>> -> memref<32xi32, #tpu.memory_space<vmem>>
    %dma_start3A_98 = tpu.memref_slice %arg3[%add3A_84] : memref<5120xi32, #tpu.memory_space<hbm>> -> memref<32xi32, #tpu.memory_space<hbm>>
    %dma_start3A_99 = arith.constant 0 : i32
    %dma_start3A_100 = tpu.memref_slice %arg11[%dma_start3A_94, %dma_start3A_99] : memref<5x64xi32, #tpu.memory_space<vmem>> -> memref<1x32xi32, #tpu.memory_space<vmem>>
    %dma_start3A_101 = tpu.memref_squeeze %dma_start3A_100 : memref<1x32xi32, #tpu.memory_space<vmem>> -> memref<32xi32, #tpu.memory_space<vmem>>
    %dma_start3A_102 = tpu.memref_slice %arg3[%add3A_84] : memref<5120xi32, #tpu.memory_space<hbm>> -> memref<32xi32, #tpu.memory_space<hbm>>
    tpu.enqueue_dma source(%dma_start3A_102 : memref<32xi32, #tpu.memory_space<hbm>>) target(%dma_start3A_101 : memref<32xi32, #tpu.memory_space<vmem>>) target_semaphore(%arg18 : memref<!tpu.dma_semaphore, #tpu.memory_space<semaphore_mem>>)
    %add3A_103 = arith.constant 3 : i32
    %add3A_104 = arith.addi %mul3A_34, %add3A_103 : i32
    %mul3A_105 = arith.constant 512 : i32
    %mul3A_106 = arith.muli %add3A_104, %mul3A_105 : i32
    %add3A_107 = arith.addi %mul3A_106, %mul3A_11 : i32
    %dma_start3A_108 = arith.constant 3 : i32
    %dma_start3A_109 = arith.constant 0 : i32
    %dma_start3A_110 = tpu.memref_slice %arg10[%dma_start3A_108, %dma_start3A_109] : memref<5x32xi32, #tpu.memory_space<vmem>> -> memref<1x32xi32, #tpu.memory_space<vmem>>
    %dma_start3A_111 = tpu.memref_squeeze %dma_start3A_110 : memref<1x32xi32, #tpu.memory_space<vmem>> -> memref<32xi32, #tpu.memory_space<vmem>>
    %dma_start3A_112 = tpu.memref_slice %arg2[%add3A_107] : memref<5120xi32, #tpu.memory_space<hbm>> -> memref<32xi32, #tpu.memory_space<hbm>>
    %dma_start3A_113 = arith.constant 0 : i32
    %dma_start3A_114 = tpu.memref_slice %arg10[%dma_start3A_108, %dma_start3A_113] : memref<5x32xi32, #tpu.memory_space<vmem>> -> memref<1x32xi32, #tpu.memory_space<vmem>>
    %dma_start3A_115 = tpu.memref_squeeze %dma_start3A_114 : memref<1x32xi32, #tpu.memory_space<vmem>> -> memref<32xi32, #tpu.memory_space<vmem>>
    %dma_start3A_116 = tpu.memref_slice %arg2[%add3A_107] : memref<5120xi32, #tpu.memory_space<hbm>> -> memref<32xi32, #tpu.memory_space<hbm>>
    tpu.enqueue_dma source(%dma_start3A_116 : memref<32xi32, #tpu.memory_space<hbm>>) target(%dma_start3A_115 : memref<32xi32, #tpu.memory_space<vmem>>) target_semaphore(%arg18 : memref<!tpu.dma_semaphore, #tpu.memory_space<semaphore_mem>>)
    %dma_start3A_117 = arith.constant 3 : i32
    %dma_start3A_118 = arith.constant 0 : i32
    %dma_start3A_119 = tpu.memref_slice %arg11[%dma_start3A_117, %dma_start3A_118] : memref<5x64xi32, #tpu.memory_space<vmem>> -> memref<1x32xi32, #tpu.memory_space<vmem>>
    %dma_start3A_120 = tpu.memref_squeeze %dma_start3A_119 : memref<1x32xi32, #tpu.memory_space<vmem>> -> memref<32xi32, #tpu.memory_space<vmem>>
    %dma_start3A_121 = tpu.memref_slice %arg3[%add3A_107] : memref<5120xi32, #tpu.memory_space<hbm>> -> memref<32xi32, #tpu.memory_space<hbm>>
    %dma_start3A_122 = arith.constant 0 : i32
    %dma_start3A_123 = tpu.memref_slice %arg11[%dma_start3A_117, %dma_start3A_122] : memref<5x64xi32, #tpu.memory_space<vmem>> -> memref<1x32xi32, #tpu.memory_space<vmem>>
    %dma_start3A_124 = tpu.memref_squeeze %dma_start3A_123 : memref<1x32xi32, #tpu.memory_space<vmem>> -> memref<32xi32, #tpu.memory_space<vmem>>
    %dma_start3A_125 = tpu.memref_slice %arg3[%add3A_107] : memref<5120xi32, #tpu.memory_space<hbm>> -> memref<32xi32, #tpu.memory_space<hbm>>
    tpu.enqueue_dma source(%dma_start3A_125 : memref<32xi32, #tpu.memory_space<hbm>>) target(%dma_start3A_124 : memref<32xi32, #tpu.memory_space<vmem>>) target_semaphore(%arg18 : memref<!tpu.dma_semaphore, #tpu.memory_space<semaphore_mem>>)
    %add3A_126 = arith.constant 4 : i32
    %add3A_127 = arith.addi %mul3A_34, %add3A_126 : i32
    %mul3A_128 = arith.constant 512 : i32
    %mul3A_129 = arith.muli %add3A_127, %mul3A_128 : i32
    %add3A_130 = arith.addi %mul3A_129, %mul3A_11 : i32
    %dma_start3A_131 = arith.constant 4 : i32
    %dma_start3A_132 = arith.constant 0 : i32
    %dma_start3A_133 = tpu.memref_slice %arg10[%dma_start3A_131, %dma_start3A_132] : memref<5x32xi32, #tpu.memory_space<vmem>> -> memref<1x32xi32, #tpu.memory_space<vmem>>
    %dma_start3A_134 = tpu.memref_squeeze %dma_start3A_133 : memref<1x32xi32, #tpu.memory_space<vmem>> -> memref<32xi32, #tpu.memory_space<vmem>>
    %dma_start3A_135 = tpu.memref_slice %arg2[%add3A_130] : memref<5120xi32, #tpu.memory_space<hbm>> -> memref<32xi32, #tpu.memory_space<hbm>>
    %dma_start3A_136 = arith.constant 0 : i32
    %dma_start3A_137 = tpu.memref_slice %arg10[%dma_start3A_131, %dma_start3A_136] : memref<5x32xi32, #tpu.memory_space<vmem>> -> memref<1x32xi32, #tpu.memory_space<vmem>>
    %dma_start3A_138 = tpu.memref_squeeze %dma_start3A_137 : memref<1x32xi32, #tpu.memory_space<vmem>> -> memref<32xi32, #tpu.memory_space<vmem>>
    %dma_start3A_139 = tpu.memref_slice %arg2[%add3A_130] : memref<5120xi32, #tpu.memory_space<hbm>> -> memref<32xi32, #tpu.memory_space<hbm>>
    tpu.enqueue_dma source(%dma_start3A_139 : memref<32xi32, #tpu.memory_space<hbm>>) target(%dma_start3A_138 : memref<32xi32, #tpu.memory_space<vmem>>) target_semaphore(%arg18 : memref<!tpu.dma_semaphore, #tpu.memory_space<semaphore_mem>>)
    %dma_start3A_140 = arith.constant 4 : i32
    %dma_start3A_141 = arith.constant 0 : i32
    %dma_start3A_142 = tpu.memref_slice %arg11[%dma_start3A_140, %dma_start3A_141] : memref<5x64xi32, #tpu.memory_space<vmem>> -> memref<1x32xi32, #tpu.memory_space<vmem>>
    %dma_start3A_143 = tpu.memref_squeeze %dma_start3A_142 : memref<1x32xi32, #tpu.memory_space<vmem>> -> memref<32xi32, #tpu.memory_space<vmem>>
    %dma_start3A_144 = tpu.memref_slice %arg3[%add3A_130] : memref<5120xi32, #tpu.memory_space<hbm>> -> memref<32xi32, #tpu.memory_space<hbm>>
    %dma_start3A_145 = arith.constant 0 : i32
    %dma_start3A_146 = tpu.memref_slice %arg11[%dma_start3A_140, %dma_start3A_145] : memref<5x64xi32, #tpu.memory_space<vmem>> -> memref<1x32xi32, #tpu.memory_space<vmem>>
    %dma_start3A_147 = tpu.memref_squeeze %dma_start3A_146 : memref<1x32xi32, #tpu.memory_space<vmem>> -> memref<32xi32, #tpu.memory_space<vmem>>
    %dma_start3A_148 = tpu.memref_slice %arg3[%add3A_130] : memref<5120xi32, #tpu.memory_space<hbm>> -> memref<32xi32, #tpu.memory_space<hbm>>
    tpu.enqueue_dma source(%dma_start3A_148 : memref<32xi32, #tpu.memory_space<hbm>>) target(%dma_start3A_147 : memref<32xi32, #tpu.memory_space<vmem>>) target_semaphore(%arg18 : memref<!tpu.dma_semaphore, #tpu.memory_space<semaphore_mem>>)
    "tpu.region"() ({
      %run_scoped3A = tpu.sem_alloc : memref<!tpu.dma_semaphore, #tpu.memory_space<semaphore_mem>>
      %dma_start3A_402 = arith.constant 0 : i32
      %dma_start3A_403 = tpu.memref_slice %arg5[%mul3A_11, %dma_start3A_402] : memref<512x768xf32, #tpu.memory_space<hbm>> -> memref<32x768xf32, #tpu.memory_space<hbm>>
      %dma_start3A_404 = arith.constant 0 : i32
      %dma_start3A_405 = tpu.memref_slice %arg5[%mul3A_11, %dma_start3A_404] : memref<512x768xf32, #tpu.memory_space<hbm>> -> memref<32x768xf32, #tpu.memory_space<hbm>>
      tpu.enqueue_dma source(%dma_start3A_405 : memref<32x768xf32, #tpu.memory_space<hbm>>) target(%arg14 : memref<32x768xf32, #tpu.memory_space<vmem>>) target_semaphore(%run_scoped3A : memref<!tpu.dma_semaphore, #tpu.memory_space<semaphore_mem>>)
      %dma_wait3A_406 = arith.constant 0 : i32
      %dma_wait3A_407 = tpu.memref_slice %arg5[%mul3A_11, %dma_wait3A_406] : memref<512x768xf32, #tpu.memory_space<hbm>> -> memref<32x768xf32, #tpu.memory_space<hbm>>
      %dma_wait3A_408 = arith.constant 0 : i32
      %dma_wait3A_409 = tpu.memref_slice %arg5[%mul3A_11, %dma_wait3A_408] : memref<512x768xf32, #tpu.memory_space<hbm>> -> memref<32x768xf32, #tpu.memory_space<hbm>>
      tpu.wait_dma2 semaphore(%run_scoped3A : memref<!tpu.dma_semaphore, #tpu.memory_space<semaphore_mem>>) src(%dma_wait3A_409 : memref<32x768xf32, #tpu.memory_space<hbm>>) dst(%arg14 : memref<32x768xf32, #tpu.memory_space<vmem>>)
      tpu.yield
    }) : () -> ()
    "tpu.region"() ({
      %run_scoped3A = tpu.sem_alloc : memref<!tpu.dma_semaphore, #tpu.memory_space<semaphore_mem>>
      tpu.enqueue_dma source(%arg6 : memref<2x768xf32, #tpu.memory_space<hbm>>) target(%arg15 : memref<2x768xf32, #tpu.memory_space<vmem>>) target_semaphore(%run_scoped3A : memref<!tpu.dma_semaphore, #tpu.memory_space<semaphore_mem>>)
      tpu.wait_dma2 semaphore(%run_scoped3A : memref<!tpu.dma_semaphore, #tpu.memory_space<semaphore_mem>>) src(%arg6 : memref<2x768xf32, #tpu.memory_space<hbm>>) dst(%arg15 : memref<2x768xf32, #tpu.memory_space<vmem>>)
      tpu.yield
    }) : () -> ()
    "tpu.region"() ({
      %run_scoped3A = tpu.sem_alloc : memref<!tpu.dma_semaphore, #tpu.memory_space<semaphore_mem>>
      tpu.enqueue_dma source(%arg7 : memref<768xf32, #tpu.memory_space<hbm>>) target(%arg16 : memref<768xf32, #tpu.memory_space<vmem>>) target_semaphore(%run_scoped3A : memref<!tpu.dma_semaphore, #tpu.memory_space<semaphore_mem>>)
      tpu.wait_dma2 semaphore(%run_scoped3A : memref<!tpu.dma_semaphore, #tpu.memory_space<semaphore_mem>>) src(%arg7 : memref<768xf32, #tpu.memory_space<hbm>>) dst(%arg16 : memref<768xf32, #tpu.memory_space<vmem>>)
      tpu.yield
    }) : () -> ()
    "tpu.region"() ({
      %run_scoped3A = tpu.sem_alloc : memref<!tpu.dma_semaphore, #tpu.memory_space<semaphore_mem>>
      tpu.enqueue_dma source(%arg8 : memref<768xf32, #tpu.memory_space<hbm>>) target(%arg17 : memref<768xf32, #tpu.memory_space<vmem>>) target_semaphore(%run_scoped3A : memref<!tpu.dma_semaphore, #tpu.memory_space<semaphore_mem>>)
      tpu.wait_dma2 semaphore(%run_scoped3A : memref<!tpu.dma_semaphore, #tpu.memory_space<semaphore_mem>>) src(%arg8 : memref<768xf32, #tpu.memory_space<hbm>>) dst(%arg17 : memref<768xf32, #tpu.memory_space<vmem>>)
      tpu.yield
    }) : () -> ()
    %dma_wait3A = arith.constant 0 : i32
    %dma_wait3A_149 = arith.constant 0 : i32
    %dma_wait3A_150 = tpu.memref_slice %arg10[%dma_wait3A, %dma_wait3A_149] : memref<5x32xi32, #tpu.memory_space<vmem>> -> memref<1x32xi32, #tpu.memory_space<vmem>>
    %dma_wait3A_151 = tpu.memref_squeeze %dma_wait3A_150 : memref<1x32xi32, #tpu.memory_space<vmem>> -> memref<32xi32, #tpu.memory_space<vmem>>
    %dma_wait3A_152 = tpu.memref_slice %arg2[%add3A_39] : memref<5120xi32, #tpu.memory_space<hbm>> -> memref<32xi32, #tpu.memory_space<hbm>>
    %dma_wait3A_153 = arith.constant 0 : i32
    %dma_wait3A_154 = tpu.memref_slice %arg10[%dma_wait3A, %dma_wait3A_153] : memref<5x32xi32, #tpu.memory_space<vmem>> -> memref<1x32xi32, #tpu.memory_space<vmem>>
    %dma_wait3A_155 = tpu.memref_squeeze %dma_wait3A_154 : memref<1x32xi32, #tpu.memory_space<vmem>> -> memref<32xi32, #tpu.memory_space<vmem>>
    %dma_wait3A_156 = tpu.memref_slice %arg2[%add3A_39] : memref<5120xi32, #tpu.memory_space<hbm>> -> memref<32xi32, #tpu.memory_space<hbm>>
    tpu.wait_dma2 semaphore(%arg18 : memref<!tpu.dma_semaphore, #tpu.memory_space<semaphore_mem>>) src(%dma_wait3A_156 : memref<32xi32, #tpu.memory_space<hbm>>) dst(%dma_wait3A_155 : memref<32xi32, #tpu.memory_space<vmem>>)
    %dma_wait3A_157 = arith.constant 0 : i32
    %dma_wait3A_158 = arith.constant 0 : i32
    %dma_wait3A_159 = tpu.memref_slice %arg11[%dma_wait3A_157, %dma_wait3A_158] : memref<5x64xi32, #tpu.memory_space<vmem>> -> memref<1x32xi32, #tpu.memory_space<vmem>>
    %dma_wait3A_160 = tpu.memref_squeeze %dma_wait3A_159 : memref<1x32xi32, #tpu.memory_space<vmem>> -> memref<32xi32, #tpu.memory_space<vmem>>
    %dma_wait3A_161 = tpu.memref_slice %arg3[%add3A_39] : memref<5120xi32, #tpu.memory_space<hbm>> -> memref<32xi32, #tpu.memory_space<hbm>>
    %dma_wait3A_162 = arith.constant 0 : i32
    %dma_wait3A_163 = tpu.memref_slice %arg11[%dma_wait3A_157, %dma_wait3A_162] : memref<5x64xi32, #tpu.memory_space<vmem>> -> memref<1x32xi32, #tpu.memory_space<vmem>>
    %dma_wait3A_164 = tpu.memref_squeeze %dma_wait3A_163 : memref<1x32xi32, #tpu.memory_space<vmem>> -> memref<32xi32, #tpu.memory_space<vmem>>
    %dma_wait3A_165 = tpu.memref_slice %arg3[%add3A_39] : memref<5120xi32, #tpu.memory_space<hbm>> -> memref<32xi32, #tpu.memory_space<hbm>>
    tpu.wait_dma2 semaphore(%arg18 : memref<!tpu.dma_semaphore, #tpu.memory_space<semaphore_mem>>) src(%dma_wait3A_165 : memref<32xi32, #tpu.memory_space<hbm>>) dst(%dma_wait3A_164 : memref<32xi32, #tpu.memory_space<vmem>>)
    %dma_wait3A_166 = arith.constant 1 : i32
    %dma_wait3A_167 = arith.constant 0 : i32
    %dma_wait3A_168 = tpu.memref_slice %arg10[%dma_wait3A_166, %dma_wait3A_167] : memref<5x32xi32, #tpu.memory_space<vmem>> -> memref<1x32xi32, #tpu.memory_space<vmem>>
    %dma_wait3A_169 = tpu.memref_squeeze %dma_wait3A_168 : memref<1x32xi32, #tpu.memory_space<vmem>> -> memref<32xi32, #tpu.memory_space<vmem>>
    %dma_wait3A_170 = tpu.memref_slice %arg2[%add3A_61] : memref<5120xi32, #tpu.memory_space<hbm>> -> memref<32xi32, #tpu.memory_space<hbm>>
    %dma_wait3A_171 = arith.constant 0 : i32
    %dma_wait3A_172 = tpu.memref_slice %arg10[%dma_wait3A_166, %dma_wait3A_171] : memref<5x32xi32, #tpu.memory_space<vmem>> -> memref<1x32xi32, #tpu.memory_space<vmem>>
    %dma_wait3A_173 = tpu.memref_squeeze %dma_wait3A_172 : memref<1x32xi32, #tpu.memory_space<vmem>> -> memref<32xi32, #tpu.memory_space<vmem>>
    %dma_wait3A_174 = tpu.memref_slice %arg2[%add3A_61] : memref<5120xi32, #tpu.memory_space<hbm>> -> memref<32xi32, #tpu.memory_space<hbm>>
    tpu.wait_dma2 semaphore(%arg18 : memref<!tpu.dma_semaphore, #tpu.memory_space<semaphore_mem>>) src(%dma_wait3A_174 : memref<32xi32, #tpu.memory_space<hbm>>) dst(%dma_wait3A_173 : memref<32xi32, #tpu.memory_space<vmem>>)
    %dma_wait3A_175 = arith.constant 1 : i32
    %dma_wait3A_176 = arith.constant 0 : i32
    %dma_wait3A_177 = tpu.memref_slice %arg11[%dma_wait3A_175, %dma_wait3A_176] : memref<5x64xi32, #tpu.memory_space<vmem>> -> memref<1x32xi32, #tpu.memory_space<vmem>>
    %dma_wait3A_178 = tpu.memref_squeeze %dma_wait3A_177 : memref<1x32xi32, #tpu.memory_space<vmem>> -> memref<32xi32, #tpu.memory_space<vmem>>
    %dma_wait3A_179 = tpu.memref_slice %arg3[%add3A_61] : memref<5120xi32, #tpu.memory_space<hbm>> -> memref<32xi32, #tpu.memory_space<hbm>>
    %dma_wait3A_180 = arith.constant 0 : i32
    %dma_wait3A_181 = tpu.memref_slice %arg11[%dma_wait3A_175, %dma_wait3A_180] : memref<5x64xi32, #tpu.memory_space<vmem>> -> memref<1x32xi32, #tpu.memory_space<vmem>>
    %dma_wait3A_182 = tpu.memref_squeeze %dma_wait3A_181 : memref<1x32xi32, #tpu.memory_space<vmem>> -> memref<32xi32, #tpu.memory_space<vmem>>
    %dma_wait3A_183 = tpu.memref_slice %arg3[%add3A_61] : memref<5120xi32, #tpu.memory_space<hbm>> -> memref<32xi32, #tpu.memory_space<hbm>>
    tpu.wait_dma2 semaphore(%arg18 : memref<!tpu.dma_semaphore, #tpu.memory_space<semaphore_mem>>) src(%dma_wait3A_183 : memref<32xi32, #tpu.memory_space<hbm>>) dst(%dma_wait3A_182 : memref<32xi32, #tpu.memory_space<vmem>>)
    %dma_wait3A_184 = arith.constant 2 : i32
    %dma_wait3A_185 = arith.constant 0 : i32
    %dma_wait3A_186 = tpu.memref_slice %arg10[%dma_wait3A_184, %dma_wait3A_185] : memref<5x32xi32, #tpu.memory_space<vmem>> -> memref<1x32xi32, #tpu.memory_space<vmem>>
    %dma_wait3A_187 = tpu.memref_squeeze %dma_wait3A_186 : memref<1x32xi32, #tpu.memory_space<vmem>> -> memref<32xi32, #tpu.memory_space<vmem>>
    %dma_wait3A_188 = tpu.memref_slice %arg2[%add3A_84] : memref<5120xi32, #tpu.memory_space<hbm>> -> memref<32xi32, #tpu.memory_space<hbm>>
    %dma_wait3A_189 = arith.constant 0 : i32
    %dma_wait3A_190 = tpu.memref_slice %arg10[%dma_wait3A_184, %dma_wait3A_189] : memref<5x32xi32, #tpu.memory_space<vmem>> -> memref<1x32xi32, #tpu.memory_space<vmem>>
    %dma_wait3A_191 = tpu.memref_squeeze %dma_wait3A_190 : memref<1x32xi32, #tpu.memory_space<vmem>> -> memref<32xi32, #tpu.memory_space<vmem>>
    %dma_wait3A_192 = tpu.memref_slice %arg2[%add3A_84] : memref<5120xi32, #tpu.memory_space<hbm>> -> memref<32xi32, #tpu.memory_space<hbm>>
    tpu.wait_dma2 semaphore(%arg18 : memref<!tpu.dma_semaphore, #tpu.memory_space<semaphore_mem>>) src(%dma_wait3A_192 : memref<32xi32, #tpu.memory_space<hbm>>) dst(%dma_wait3A_191 : memref<32xi32, #tpu.memory_space<vmem>>)
    %dma_wait3A_193 = arith.constant 2 : i32
    %dma_wait3A_194 = arith.constant 0 : i32
    %dma_wait3A_195 = tpu.memref_slice %arg11[%dma_wait3A_193, %dma_wait3A_194] : memref<5x64xi32, #tpu.memory_space<vmem>> -> memref<1x32xi32, #tpu.memory_space<vmem>>
    %dma_wait3A_196 = tpu.memref_squeeze %dma_wait3A_195 : memref<1x32xi32, #tpu.memory_space<vmem>> -> memref<32xi32, #tpu.memory_space<vmem>>
    %dma_wait3A_197 = tpu.memref_slice %arg3[%add3A_84] : memref<5120xi32, #tpu.memory_space<hbm>> -> memref<32xi32, #tpu.memory_space<hbm>>
    %dma_wait3A_198 = arith.constant 0 : i32
    %dma_wait3A_199 = tpu.memref_slice %arg11[%dma_wait3A_193, %dma_wait3A_198] : memref<5x64xi32, #tpu.memory_space<vmem>> -> memref<1x32xi32, #tpu.memory_space<vmem>>
    %dma_wait3A_200 = tpu.memref_squeeze %dma_wait3A_199 : memref<1x32xi32, #tpu.memory_space<vmem>> -> memref<32xi32, #tpu.memory_space<vmem>>
    %dma_wait3A_201 = tpu.memref_slice %arg3[%add3A_84] : memref<5120xi32, #tpu.memory_space<hbm>> -> memref<32xi32, #tpu.memory_space<hbm>>
    tpu.wait_dma2 semaphore(%arg18 : memref<!tpu.dma_semaphore, #tpu.memory_space<semaphore_mem>>) src(%dma_wait3A_201 : memref<32xi32, #tpu.memory_space<hbm>>) dst(%dma_wait3A_200 : memref<32xi32, #tpu.memory_space<vmem>>)
    %dma_wait3A_202 = arith.constant 3 : i32
    %dma_wait3A_203 = arith.constant 0 : i32
    %dma_wait3A_204 = tpu.memref_slice %arg10[%dma_wait3A_202, %dma_wait3A_203] : memref<5x32xi32, #tpu.memory_space<vmem>> -> memref<1x32xi32, #tpu.memory_space<vmem>>
    %dma_wait3A_205 = tpu.memref_squeeze %dma_wait3A_204 : memref<1x32xi32, #tpu.memory_space<vmem>> -> memref<32xi32, #tpu.memory_space<vmem>>
    %dma_wait3A_206 = tpu.memref_slice %arg2[%add3A_107] : memref<5120xi32, #tpu.memory_space<hbm>> -> memref<32xi32, #tpu.memory_space<hbm>>
    %dma_wait3A_207 = arith.constant 0 : i32
    %dma_wait3A_208 = tpu.memref_slice %arg10[%dma_wait3A_202, %dma_wait3A_207] : memref<5x32xi32, #tpu.memory_space<vmem>> -> memref<1x32xi32, #tpu.memory_space<vmem>>
    %dma_wait3A_209 = tpu.memref_squeeze %dma_wait3A_208 : memref<1x32xi32, #tpu.memory_space<vmem>> -> memref<32xi32, #tpu.memory_space<vmem>>
    %dma_wait3A_210 = tpu.memref_slice %arg2[%add3A_107] : memref<5120xi32, #tpu.memory_space<hbm>> -> memref<32xi32, #tpu.memory_space<hbm>>
    tpu.wait_dma2 semaphore(%arg18 : memref<!tpu.dma_semaphore, #tpu.memory_space<semaphore_mem>>) src(%dma_wait3A_210 : memref<32xi32, #tpu.memory_space<hbm>>) dst(%dma_wait3A_209 : memref<32xi32, #tpu.memory_space<vmem>>)
    %dma_wait3A_211 = arith.constant 3 : i32
    %dma_wait3A_212 = arith.constant 0 : i32
    %dma_wait3A_213 = tpu.memref_slice %arg11[%dma_wait3A_211, %dma_wait3A_212] : memref<5x64xi32, #tpu.memory_space<vmem>> -> memref<1x32xi32, #tpu.memory_space<vmem>>
    %dma_wait3A_214 = tpu.memref_squeeze %dma_wait3A_213 : memref<1x32xi32, #tpu.memory_space<vmem>> -> memref<32xi32, #tpu.memory_space<vmem>>
    %dma_wait3A_215 = tpu.memref_slice %arg3[%add3A_107] : memref<5120xi32, #tpu.memory_space<hbm>> -> memref<32xi32, #tpu.memory_space<hbm>>
    %dma_wait3A_216 = arith.constant 0 : i32
    %dma_wait3A_217 = tpu.memref_slice %arg11[%dma_wait3A_211, %dma_wait3A_216] : memref<5x64xi32, #tpu.memory_space<vmem>> -> memref<1x32xi32, #tpu.memory_space<vmem>>
    %dma_wait3A_218 = tpu.memref_squeeze %dma_wait3A_217 : memref<1x32xi32, #tpu.memory_space<vmem>> -> memref<32xi32, #tpu.memory_space<vmem>>
    %dma_wait3A_219 = tpu.memref_slice %arg3[%add3A_107] : memref<5120xi32, #tpu.memory_space<hbm>> -> memref<32xi32, #tpu.memory_space<hbm>>
    tpu.wait_dma2 semaphore(%arg18 : memref<!tpu.dma_semaphore, #tpu.memory_space<semaphore_mem>>) src(%dma_wait3A_219 : memref<32xi32, #tpu.memory_space<hbm>>) dst(%dma_wait3A_218 : memref<32xi32, #tpu.memory_space<vmem>>)
    %dma_wait3A_220 = arith.constant 4 : i32
    %dma_wait3A_221 = arith.constant 0 : i32
    %dma_wait3A_222 = tpu.memref_slice %arg10[%dma_wait3A_220, %dma_wait3A_221] : memref<5x32xi32, #tpu.memory_space<vmem>> -> memref<1x32xi32, #tpu.memory_space<vmem>>
    %dma_wait3A_223 = tpu.memref_squeeze %dma_wait3A_222 : memref<1x32xi32, #tpu.memory_space<vmem>> -> memref<32xi32, #tpu.memory_space<vmem>>
    %dma_wait3A_224 = tpu.memref_slice %arg2[%add3A_130] : memref<5120xi32, #tpu.memory_space<hbm>> -> memref<32xi32, #tpu.memory_space<hbm>>
    %dma_wait3A_225 = arith.constant 0 : i32
    %dma_wait3A_226 = tpu.memref_slice %arg10[%dma_wait3A_220, %dma_wait3A_225] : memref<5x32xi32, #tpu.memory_space<vmem>> -> memref<1x32xi32, #tpu.memory_space<vmem>>
    %dma_wait3A_227 = tpu.memref_squeeze %dma_wait3A_226 : memref<1x32xi32, #tpu.memory_space<vmem>> -> memref<32xi32, #tpu.memory_space<vmem>>
    %dma_wait3A_228 = tpu.memref_slice %arg2[%add3A_130] : memref<5120xi32, #tpu.memory_space<hbm>> -> memref<32xi32, #tpu.memory_space<hbm>>
    tpu.wait_dma2 semaphore(%arg18 : memref<!tpu.dma_semaphore, #tpu.memory_space<semaphore_mem>>) src(%dma_wait3A_228 : memref<32xi32, #tpu.memory_space<hbm>>) dst(%dma_wait3A_227 : memref<32xi32, #tpu.memory_space<vmem>>)
    %dma_wait3A_229 = arith.constant 4 : i32
    %dma_wait3A_230 = arith.constant 0 : i32
    %dma_wait3A_231 = tpu.memref_slice %arg11[%dma_wait3A_229, %dma_wait3A_230] : memref<5x64xi32, #tpu.memory_space<vmem>> -> memref<1x32xi32, #tpu.memory_space<vmem>>
    %dma_wait3A_232 = tpu.memref_squeeze %dma_wait3A_231 : memref<1x32xi32, #tpu.memory_space<vmem>> -> memref<32xi32, #tpu.memory_space<vmem>>
    %dma_wait3A_233 = tpu.memref_slice %arg3[%add3A_130] : memref<5120xi32, #tpu.memory_space<hbm>> -> memref<32xi32, #tpu.memory_space<hbm>>
    %dma_wait3A_234 = arith.constant 0 : i32
    %dma_wait3A_235 = tpu.memref_slice %arg11[%dma_wait3A_229, %dma_wait3A_234] : memref<5x64xi32, #tpu.memory_space<vmem>> -> memref<1x32xi32, #tpu.memory_space<vmem>>
    %dma_wait3A_236 = tpu.memref_squeeze %dma_wait3A_235 : memref<1x32xi32, #tpu.memory_space<vmem>> -> memref<32xi32, #tpu.memory_space<vmem>>
    %dma_wait3A_237 = tpu.memref_slice %arg3[%add3A_130] : memref<5120xi32, #tpu.memory_space<hbm>> -> memref<32xi32, #tpu.memory_space<hbm>>
    tpu.wait_dma2 semaphore(%arg18 : memref<!tpu.dma_semaphore, #tpu.memory_space<semaphore_mem>>) src(%dma_wait3A_237 : memref<32xi32, #tpu.memory_space<hbm>>) dst(%dma_wait3A_236 : memref<32xi32, #tpu.memory_space<vmem>>)
    %dma_start3A_238 = arith.constant 0 : i32
    %dma_start3A_239 = arith.constant 0 : i32
    %dma_start3A_240 = tpu.memref_slice %arg10[%dma_start3A_238, %dma_start3A_239] : memref<5x32xi32, #tpu.memory_space<vmem>> -> memref<1x32xi32, #tpu.memory_space<vmem>>
    %dma_start3A_241 = tpu.memref_squeeze %dma_start3A_240 : memref<1x32xi32, #tpu.memory_space<vmem>> -> memref<32xi32, #tpu.memory_space<vmem>>
    %dma_start3A_242 = arith.constant 0 : i32
    %dma_start3A_243 = arith.constant 0 : i32
    %dma_start3A_244 = tpu.memref_slice %arg4[%dma_start3A_242, %dma_start3A_243] : memref<30522x768xf32, #tpu.memory_space<hbm>> -> memref<30522x768xf32, #tpu.memory_space<hbm>>
    tpu.enqueue_indirect_dma source(%dma_start3A_244 : memref<30522x768xf32, #tpu.memory_space<hbm>>) target(%arg12 : memref<32x768xf32, #tpu.memory_space<vmem>>) offsets(%dma_start3A_241 : memref<32xi32, #tpu.memory_space<vmem>>) semaphore(%arg19 : memref<!tpu.dma_semaphore, #tpu.memory_space<semaphore_mem>>)
    %dma_start3A_245 = arith.constant 1 : i32
    %dma_start3A_246 = arith.constant 0 : i32
    %dma_start3A_247 = tpu.memref_slice %arg10[%dma_start3A_245, %dma_start3A_246] : memref<5x32xi32, #tpu.memory_space<vmem>> -> memref<1x32xi32, #tpu.memory_space<vmem>>
    %dma_start3A_248 = tpu.memref_squeeze %dma_start3A_247 : memref<1x32xi32, #tpu.memory_space<vmem>> -> memref<32xi32, #tpu.memory_space<vmem>>
    %dma_start3A_249 = arith.constant 0 : i32
    %dma_start3A_250 = arith.constant 0 : i32
    %dma_start3A_251 = tpu.memref_slice %arg4[%dma_start3A_249, %dma_start3A_250] : memref<30522x768xf32, #tpu.memory_space<hbm>> -> memref<30522x768xf32, #tpu.memory_space<hbm>>
    tpu.enqueue_indirect_dma source(%dma_start3A_251 : memref<30522x768xf32, #tpu.memory_space<hbm>>) target(%arg13 : memref<32x768xf32, #tpu.memory_space<vmem>>) offsets(%dma_start3A_248 : memref<32xi32, #tpu.memory_space<vmem>>) semaphore(%arg20 : memref<!tpu.dma_semaphore, #tpu.memory_space<semaphore_mem>>)
    %dma_wait3A_252 = arith.constant 0 : i32
    %dma_wait3A_253 = arith.constant 0 : i32
    %dma_wait3A_254 = tpu.memref_slice %arg10[%dma_wait3A_252, %dma_wait3A_253] : memref<5x32xi32, #tpu.memory_space<vmem>> -> memref<1x32xi32, #tpu.memory_space<vmem>>
    %dma_wait3A_255 = tpu.memref_squeeze %dma_wait3A_254 : memref<1x32xi32, #tpu.memory_space<vmem>> -> memref<32xi32, #tpu.memory_space<vmem>>
    %dma_wait3A_256 = arith.constant 0 : i32
    %dma_wait3A_257 = arith.constant 0 : i32
    %dma_wait3A_258 = tpu.memref_slice %arg4[%dma_wait3A_256, %dma_wait3A_257] : memref<30522x768xf32, #tpu.memory_space<hbm>> -> memref<30522x768xf32, #tpu.memory_space<hbm>>
    tpu.wait_indirect_dma semaphore(%arg19 : memref<!tpu.dma_semaphore, #tpu.memory_space<semaphore_mem>>) src(%dma_wait3A_258 : memref<30522x768xf32, #tpu.memory_space<hbm>>) dst(%arg12 : memref<32x768xf32, #tpu.memory_space<vmem>>)
    %scan3A = arith.constant 0 : i32
    %scan3A_259 = arith.constant 0 : i32
    %scan3A_260 = arith.constant 16 : i32
    %scan3A_261 = arith.addi %scan3A_259, %scan3A_260 : i32
    %scan3A_262 = arith.constant 1 : i32
    scf.for %scan3A_402 = %scan3A_259 to %scan3A_261 step %scan3A_262  : i32 {
      %mul3A_403 = arith.constant 2 : i32
      %mul3A_404 = arith.muli %mul3A_403, %scan3A_402 : i32
      %add3A_405 = arith.constant 1 : i32
      %add3A_406 = arith.addi %mul3A_404, %add3A_405 : i32
      %get3A = arith.constant 0 : i32
      %get3A_407 = arith.index_cast %get3A : i32 to index
      %get3A_408 = arith.index_cast %mul3A_404 : i32 to index
      %get3A_409 = tpu.vector_load %arg11[%get3A_407, %get3A_408] {strides = array<i32>} : memref<5x64xi32, #tpu.memory_space<vmem>>, vector<16xi32>,
      %slice3A = vector.extract_strided_slice %get3A_409 {offsets = [0], sizes = [1], strides = [1]} : vector<16xi32> to vector<1xi32>
      %squeeze3A = vector.extract %slice3A[0] : i32 from vector<1xi32>
      %convert_element_type3A = arith.sitofp %squeeze3A : i32 to f32
      %slice3A_410 = vector.extract_strided_slice %get3A_409 {offsets = [1], sizes = [1], strides = [1]} : vector<16xi32> to vector<1xi32>
      %squeeze3A_411 = vector.extract %slice3A_410[0] : i32 from vector<1xi32>
      %convert_element_type3A_412 = arith.sitofp %squeeze3A_411 : i32 to f32
      %broadcast_in_dim3A = arith.constant 0.000000e+00 : f32
      %broadcast_in_dim3A_413 = vector.broadcast %broadcast_in_dim3A : f32 to vector<16xf32>
      %parallel_loop3A = arith.constant 0 : i32
      %parallel_loop3A_414 = arith.constant 768 : i32
      %parallel_loop3A_415 = arith.constant 16 : i32
      %parallel_loop3A_416:4 = scf.for %parallel_loop3A_521 = %parallel_loop3A to %parallel_loop3A_414 step %parallel_loop3A_415 iter_args(%parallel_loop3A_522 = %broadcast_in_dim3A_413, %parallel_loop3A_523 = %broadcast_in_dim3A_413, %parallel_loop3A_524 = %broadcast_in_dim3A_413, %parallel_loop3A_525 = %broadcast_in_dim3A_413) -> (vector<16xf32>, vector<16xf32>, vector<16xf32>, vector<16xf32>)  : i32 {
        %parallel_loop3A_526 = arith.constant 0 : i32
        %parallel_loop3A_527 = arith.index_cast %parallel_loop3A_526 : i32 to index
        %parallel_loop3A_528 = arith.index_cast %parallel_loop3A_521 : i32 to index
        %parallel_loop3A_529 = tpu.vector_load %arg15[%parallel_loop3A_527, %parallel_loop3A_528] {strides = array<i32>} : memref<2x768xf32, #tpu.memory_space<vmem>>, vector<16xf32>,
        %parallel_loop3A_530 = arith.constant 1 : i32
        %parallel_loop3A_531 = arith.index_cast %parallel_loop3A_530 : i32 to index
        %parallel_loop3A_532 = arith.index_cast %parallel_loop3A_521 : i32 to index
        %parallel_loop3A_533 = tpu.vector_load %arg15[%parallel_loop3A_531, %parallel_loop3A_532] {strides = array<i32>} : memref<2x768xf32, #tpu.memory_space<vmem>>, vector<16xf32>,
        %parallel_loop3A_534 = arith.subf %parallel_loop3A_533, %parallel_loop3A_529 : vector<16xf32>
        %parallel_loop3A_535 = arith.index_cast %mul3A_404 : i32 to index
        %parallel_loop3A_536 = arith.index_cast %parallel_loop3A_521 : i32 to index
        %parallel_loop3A_537 = tpu.vector_load %arg12[%parallel_loop3A_535, %parallel_loop3A_536] {strides = array<i32>} : memref<32x768xf32, #tpu.memory_space<vmem>>, vector<16xf32>,
        %parallel_loop3A_538 = arith.index_cast %mul3A_404 : i32 to index
        %parallel_loop3A_539 = arith.index_cast %parallel_loop3A_521 : i32 to index
        %parallel_loop3A_540 = tpu.vector_load %arg14[%parallel_loop3A_538, %parallel_loop3A_539] {strides = array<i32>} : memref<32x768xf32, #tpu.memory_space<vmem>>, vector<16xf32>,
        %parallel_loop3A_541 = arith.addf %parallel_loop3A_537, %parallel_loop3A_540 : vector<16xf32>
        %parallel_loop3A_542 = arith.addf %parallel_loop3A_541, %parallel_loop3A_529 : vector<16xf32>
        %parallel_loop3A_543 = vector.broadcast %convert_element_type3A : f32 to vector<16xf32>
        %parallel_loop3A_544 = arith.mulf %parallel_loop3A_543, %parallel_loop3A_534 : vector<16xf32>
        %parallel_loop3A_545 = arith.addf %parallel_loop3A_542, %parallel_loop3A_544 : vector<16xf32>
        %parallel_loop3A_546 = arith.index_cast %add3A_406 : i32 to index
        %parallel_loop3A_547 = arith.index_cast %parallel_loop3A_521 : i32 to index
        %parallel_loop3A_548 = tpu.vector_load %arg12[%parallel_loop3A_546, %parallel_loop3A_547] {strides = array<i32>} : memref<32x768xf32, #tpu.memory_space<vmem>>, vector<16xf32>,
        %parallel_loop3A_549 = arith.index_cast %add3A_406 : i32 to index
        %parallel_loop3A_550 = arith.index_cast %parallel_loop3A_521 : i32 to index
        %parallel_loop3A_551 = tpu.vector_load %arg14[%parallel_loop3A_549, %parallel_loop3A_550] {strides = array<i32>} : memref<32x768xf32, #tpu.memory_space<vmem>>, vector<16xf32>,
        %parallel_loop3A_552 = arith.addf %parallel_loop3A_548, %parallel_loop3A_551 : vector<16xf32>
        %parallel_loop3A_553 = arith.addf %parallel_loop3A_552, %parallel_loop3A_529 : vector<16xf32>
        %parallel_loop3A_554 = vector.broadcast %convert_element_type3A_412 : f32 to vector<16xf32>
        %parallel_loop3A_555 = arith.mulf %parallel_loop3A_554, %parallel_loop3A_534 : vector<16xf32>
        %parallel_loop3A_556 = arith.addf %parallel_loop3A_553, %parallel_loop3A_555 : vector<16xf32>
        %parallel_loop3A_557 = arith.index_cast %mul3A_404 : i32 to index
        %parallel_loop3A_558 = arith.index_cast %parallel_loop3A_521 : i32 to index
        %parallel_loop3A_559 = tpu.vector_load %arg12[%parallel_loop3A_557, %parallel_loop3A_558] {strides = array<i32>} : memref<32x768xf32, #tpu.memory_space<vmem>>, vector<16xf32>,
        tpu.vector_store %arg12[%parallel_loop3A_557, %parallel_loop3A_558], %parallel_loop3A_545 {strides = array<i32>} : memref<32x768xf32, #tpu.memory_space<vmem>>, vector<16xf32>,
        %parallel_loop3A_560 = arith.index_cast %add3A_406 : i32 to index
        %parallel_loop3A_561 = arith.index_cast %parallel_loop3A_521 : i32 to index
        %parallel_loop3A_562 = tpu.vector_load %arg12[%parallel_loop3A_560, %parallel_loop3A_561] {strides = array<i32>} : memref<32x768xf32, #tpu.memory_space<vmem>>, vector<16xf32>,
        tpu.vector_store %arg12[%parallel_loop3A_560, %parallel_loop3A_561], %parallel_loop3A_556 {strides = array<i32>} : memref<32x768xf32, #tpu.memory_space<vmem>>, vector<16xf32>,
        %parallel_loop3A_563 = arith.addf %parallel_loop3A_522, %parallel_loop3A_545 : vector<16xf32>
        %parallel_loop3A_564 = arith.mulf %parallel_loop3A_545, %parallel_loop3A_545 : vector<16xf32>
        %parallel_loop3A_565 = arith.addf %parallel_loop3A_523, %parallel_loop3A_564 : vector<16xf32>
        %parallel_loop3A_566 = arith.addf %parallel_loop3A_524, %parallel_loop3A_556 : vector<16xf32>
        %parallel_loop3A_567 = arith.mulf %parallel_loop3A_556, %parallel_loop3A_556 : vector<16xf32>
        %parallel_loop3A_568 = arith.addf %parallel_loop3A_525, %parallel_loop3A_567 : vector<16xf32>
        scf.yield %parallel_loop3A_563, %parallel_loop3A_565, %parallel_loop3A_566, %parallel_loop3A_568 : vector<16xf32>, vector<16xf32>, vector<16xf32>, vector<16xf32>
      } {sc.loop_unroll_factor = 4 : i64, sc.parallel_access}
      %reduce_sum3A = arith.constant true
      %reduce_sum3A_417 = vector.broadcast %reduce_sum3A : i1 to vector<16xi1>
      %reduce_sum3A_418 = tpu.scan <sum>, %parallel_loop3A_416#0 masked %reduce_sum3A_417 : vector<16xf32>, vector<16xi1> -> vector<16xf32>
      %reduce_sum3A_419 = vector.extract %reduce_sum3A_418[15] : f32 from vector<16xf32>
      %mul3A_420 = arith.constant 0.00130208337 : f32
      %mul3A_421 = arith.mulf %reduce_sum3A_419, %mul3A_420 : f32
      %reduce_sum3A_422 = arith.constant true
      %reduce_sum3A_423 = vector.broadcast %reduce_sum3A_422 : i1 to vector<16xi1>
      %reduce_sum3A_424 = tpu.scan <sum>, %parallel_loop3A_416#1 masked %reduce_sum3A_423 : vector<16xf32>, vector<16xi1> -> vector<16xf32>
      %reduce_sum3A_425 = vector.extract %reduce_sum3A_424[15] : f32 from vector<16xf32>
      %mul3A_426 = arith.constant 0.00130208337 : f32
      %mul3A_427 = arith.mulf %reduce_sum3A_425, %mul3A_426 : f32
      %reduce_sum3A_428 = arith.constant true
      %reduce_sum3A_429 = vector.broadcast %reduce_sum3A_428 : i1 to vector<16xi1>
      %reduce_sum3A_430 = tpu.scan <sum>, %parallel_loop3A_416#2 masked %reduce_sum3A_429 : vector<16xf32>, vector<16xi1> -> vector<16xf32>
      %reduce_sum3A_431 = vector.extract %reduce_sum3A_430[15] : f32 from vector<16xf32>
      %mul3A_432 = arith.constant 0.00130208337 : f32
      %mul3A_433 = arith.mulf %reduce_sum3A_431, %mul3A_432 : f32
      %reduce_sum3A_434 = arith.constant true
      %reduce_sum3A_435 = vector.broadcast %reduce_sum3A_434 : i1 to vector<16xi1>
      %reduce_sum3A_436 = tpu.scan <sum>, %parallel_loop3A_416#3 masked %reduce_sum3A_435 : vector<16xf32>, vector<16xi1> -> vector<16xf32>
      %reduce_sum3A_437 = vector.extract %reduce_sum3A_436[15] : f32 from vector<16xf32>
      %mul3A_438 = arith.constant 0.00130208337 : f32
      %mul3A_439 = arith.mulf %reduce_sum3A_437, %mul3A_438 : f32
      %mul3A_440 = arith.mulf %mul3A_421, %mul3A_421 : f32
      %sub3A_441 = arith.subf %mul3A_427, %mul3A_440 : f32
      %add3A_442 = arith.constant 9.99999974E-6 : f32
      %add3A_443 = arith.addf %sub3A_441, %add3A_442 : f32
      %mul3A_444 = arith.mulf %mul3A_433, %mul3A_433 : f32
      %sub3A_445 = arith.subf %mul3A_439, %mul3A_444 : f32
      %add3A_446 = arith.constant 9.99999974E-6 : f32
      %add3A_447 = arith.addf %sub3A_445, %add3A_446 : f32
      %broadcast_in_dim3A_448 = vector.broadcast %add3A_443 : f32 to vector<16xf32>
      %broadcast_in_dim3A_449 = vector.broadcast %add3A_447 : f32 to vector<16xf32>
      %broadcast_in_dim3A_450 = arith.constant 1597463007 : i32
      %broadcast_in_dim3A_451 = vector.broadcast %broadcast_in_dim3A_450 : i32 to vector<16xi32>
      %bitcast3A = vector.bitcast %broadcast_in_dim3A_448 : vector<16xf32> to vector<16xi32>
      %shift_right_arithmetic3A = arith.constant 1 : i32
      %shift_right_arithmetic3A_452 = vector.broadcast %shift_right_arithmetic3A : i32 to vector<16xi32>
      %shift_right_arithmetic3A_453 = arith.shrsi %bitcast3A, %shift_right_arithmetic3A_452 : vector<16xi32>
      %sub3A_454 = arith.subi %broadcast_in_dim3A_451, %shift_right_arithmetic3A_453 : vector<16xi32>
      %bitcast3A_455 = vector.bitcast %sub3A_454 : vector<16xi32> to vector<16xf32>
      %bitcast3A_456 = vector.bitcast %broadcast_in_dim3A_449 : vector<16xf32> to vector<16xi32>
      %shift_right_arithmetic3A_457 = arith.constant 1 : i32
      %shift_right_arithmetic3A_458 = vector.broadcast %shift_right_arithmetic3A_457 : i32 to vector<16xi32>
      %shift_right_arithmetic3A_459 = arith.shrsi %bitcast3A_456, %shift_right_arithmetic3A_458 : vector<16xi32>
      %sub3A_460 = arith.subi %broadcast_in_dim3A_451, %shift_right_arithmetic3A_459 : vector<16xi32>
      %bitcast3A_461 = vector.bitcast %sub3A_460 : vector<16xi32> to vector<16xf32>
      %mul3A_462 = arith.constant 5.000000e-01 : f32
      %mul3A_463 = vector.broadcast %mul3A_462 : f32 to vector<16xf32>
      %mul3A_464 = arith.mulf %mul3A_463, %broadcast_in_dim3A_448 : vector<16xf32>
      %mul3A_465 = arith.constant 5.000000e-01 : f32
      %mul3A_466 = vector.broadcast %mul3A_465 : f32 to vector<16xf32>
      %mul3A_467 = arith.mulf %mul3A_466, %broadcast_in_dim3A_449 : vector<16xf32>
      %mul3A_468 = arith.mulf %mul3A_464, %bitcast3A_455 : vector<16xf32>
      %mul3A_469 = arith.mulf %mul3A_468, %bitcast3A_455 : vector<16xf32>
      %sub3A_470 = arith.constant 1.500000e+00 : f32
      %sub3A_471 = vector.broadcast %sub3A_470 : f32 to vector<16xf32>
      %sub3A_472 = arith.subf %sub3A_471, %mul3A_469 : vector<16xf32>
      %mul3A_473 = arith.mulf %bitcast3A_455, %sub3A_472 : vector<16xf32>
      %mul3A_474 = arith.mulf %mul3A_467, %bitcast3A_461 : vector<16xf32>
      %mul3A_475 = arith.mulf %mul3A_474, %bitcast3A_461 : vector<16xf32>
      %sub3A_476 = arith.constant 1.500000e+00 : f32
      %sub3A_477 = vector.broadcast %sub3A_476 : f32 to vector<16xf32>
      %sub3A_478 = arith.subf %sub3A_477, %mul3A_475 : vector<16xf32>
      %mul3A_479 = arith.mulf %bitcast3A_461, %sub3A_478 : vector<16xf32>
      %mul3A_480 = arith.mulf %mul3A_464, %mul3A_473 : vector<16xf32>
      %mul3A_481 = arith.mulf %mul3A_480, %mul3A_473 : vector<16xf32>
      %sub3A_482 = arith.constant 1.500000e+00 : f32
      %sub3A_483 = vector.broadcast %sub3A_482 : f32 to vector<16xf32>
      %sub3A_484 = arith.subf %sub3A_483, %mul3A_481 : vector<16xf32>
      %mul3A_485 = arith.mulf %mul3A_473, %sub3A_484 : vector<16xf32>
      %mul3A_486 = arith.mulf %mul3A_467, %mul3A_479 : vector<16xf32>
      %mul3A_487 = arith.mulf %mul3A_486, %mul3A_479 : vector<16xf32>
      %sub3A_488 = arith.constant 1.500000e+00 : f32
      %sub3A_489 = vector.broadcast %sub3A_488 : f32 to vector<16xf32>
      %sub3A_490 = arith.subf %sub3A_489, %mul3A_487 : vector<16xf32>
      %mul3A_491 = arith.mulf %mul3A_479, %sub3A_490 : vector<16xf32>
      %mul3A_492 = arith.mulf %mul3A_464, %mul3A_485 : vector<16xf32>
      %mul3A_493 = arith.mulf %mul3A_492, %mul3A_485 : vector<16xf32>
      %sub3A_494 = arith.constant 1.500000e+00 : f32
      %sub3A_495 = vector.broadcast %sub3A_494 : f32 to vector<16xf32>
      %sub3A_496 = arith.subf %sub3A_495, %mul3A_493 : vector<16xf32>
      %mul3A_497 = arith.mulf %mul3A_485, %sub3A_496 : vector<16xf32>
      %mul3A_498 = arith.mulf %mul3A_467, %mul3A_491 : vector<16xf32>
      %mul3A_499 = arith.mulf %mul3A_498, %mul3A_491 : vector<16xf32>
      %sub3A_500 = arith.constant 1.500000e+00 : f32
      %sub3A_501 = vector.broadcast %sub3A_500 : f32 to vector<16xf32>
      %sub3A_502 = arith.subf %sub3A_501, %mul3A_499 : vector<16xf32>
      %mul3A_503 = arith.mulf %mul3A_491, %sub3A_502 : vector<16xf32>
      %mul3A_504 = arith.mulf %mul3A_464, %mul3A_497 : vector<16xf32>
      %mul3A_505 = arith.mulf %mul3A_504, %mul3A_497 : vector<16xf32>
      %sub3A_506 = arith.constant 1.500000e+00 : f32
      %sub3A_507 = vector.broadcast %sub3A_506 : f32 to vector<16xf32>
      %sub3A_508 = arith.subf %sub3A_507, %mul3A_505 : vector<16xf32>
      %mul3A_509 = arith.mulf %mul3A_497, %sub3A_508 : vector<16xf32>
      %mul3A_510 = arith.mulf %mul3A_467, %mul3A_503 : vector<16xf32>
      %mul3A_511 = arith.mulf %mul3A_510, %mul3A_503 : vector<16xf32>
      %sub3A_512 = arith.constant 1.500000e+00 : f32
      %sub3A_513 = vector.broadcast %sub3A_512 : f32 to vector<16xf32>
      %sub3A_514 = arith.subf %sub3A_513, %mul3A_511 : vector<16xf32>
      %mul3A_515 = arith.mulf %mul3A_503, %sub3A_514 : vector<16xf32>
      %broadcast_in_dim3A_516 = vector.broadcast %mul3A_421 : f32 to vector<16xf32>
      %broadcast_in_dim3A_517 = vector.broadcast %mul3A_433 : f32 to vector<16xf32>
      %parallel_loop3A_518 = arith.constant 0 : i32
      %parallel_loop3A_519 = arith.constant 768 : i32
      %parallel_loop3A_520 = arith.constant 16 : i32
      scf.for %parallel_loop3A_521 = %parallel_loop3A_518 to %parallel_loop3A_519 step %parallel_loop3A_520  : i32 {
        %parallel_loop3A_522 = arith.index_cast %parallel_loop3A_521 : i32 to index
        %parallel_loop3A_523 = tpu.vector_load %arg16[%parallel_loop3A_522] {strides = array<i32>} : memref<768xf32, #tpu.memory_space<vmem>>, vector<16xf32>,
        %parallel_loop3A_524 = arith.index_cast %parallel_loop3A_521 : i32 to index
        %parallel_loop3A_525 = tpu.vector_load %arg17[%parallel_loop3A_524] {strides = array<i32>} : memref<768xf32, #tpu.memory_space<vmem>>, vector<16xf32>,
        %parallel_loop3A_526 = arith.index_cast %mul3A_404 : i32 to index
        %parallel_loop3A_527 = arith.index_cast %parallel_loop3A_521 : i32 to index
        %parallel_loop3A_528 = tpu.vector_load %arg12[%parallel_loop3A_526, %parallel_loop3A_527] {strides = array<i32>} : memref<32x768xf32, #tpu.memory_space<vmem>>, vector<16xf32>,
        %parallel_loop3A_529 = arith.index_cast %add3A_406 : i32 to index
        %parallel_loop3A_530 = arith.index_cast %parallel_loop3A_521 : i32 to index
        %parallel_loop3A_531 = tpu.vector_load %arg12[%parallel_loop3A_529, %parallel_loop3A_530] {strides = array<i32>} : memref<32x768xf32, #tpu.memory_space<vmem>>, vector<16xf32>,
        %parallel_loop3A_532 = arith.subf %parallel_loop3A_528, %broadcast_in_dim3A_516 : vector<16xf32>
        %parallel_loop3A_533 = arith.mulf %parallel_loop3A_532, %mul3A_509 : vector<16xf32>
        %parallel_loop3A_534 = arith.mulf %parallel_loop3A_533, %parallel_loop3A_523 : vector<16xf32>
        %parallel_loop3A_535 = arith.addf %parallel_loop3A_534, %parallel_loop3A_525 : vector<16xf32>
        %parallel_loop3A_536 = arith.index_cast %mul3A_404 : i32 to index
        %parallel_loop3A_537 = arith.index_cast %parallel_loop3A_521 : i32 to index
        %parallel_loop3A_538 = tpu.vector_load %arg12[%parallel_loop3A_536, %parallel_loop3A_537] {strides = array<i32>} : memref<32x768xf32, #tpu.memory_space<vmem>>, vector<16xf32>,
        tpu.vector_store %arg12[%parallel_loop3A_536, %parallel_loop3A_537], %parallel_loop3A_535 {strides = array<i32>} : memref<32x768xf32, #tpu.memory_space<vmem>>, vector<16xf32>,
        %parallel_loop3A_539 = arith.subf %parallel_loop3A_531, %broadcast_in_dim3A_517 : vector<16xf32>
        %parallel_loop3A_540 = arith.mulf %parallel_loop3A_539, %mul3A_515 : vector<16xf32>
        %parallel_loop3A_541 = arith.mulf %parallel_loop3A_540, %parallel_loop3A_523 : vector<16xf32>
        %parallel_loop3A_542 = arith.addf %parallel_loop3A_541, %parallel_loop3A_525 : vector<16xf32>
        %parallel_loop3A_543 = arith.index_cast %add3A_406 : i32 to index
        %parallel_loop3A_544 = arith.index_cast %parallel_loop3A_521 : i32 to index
        %parallel_loop3A_545 = tpu.vector_load %arg12[%parallel_loop3A_543, %parallel_loop3A_544] {strides = array<i32>} : memref<32x768xf32, #tpu.memory_space<vmem>>, vector<16xf32>,
        tpu.vector_store %arg12[%parallel_loop3A_543, %parallel_loop3A_544], %parallel_loop3A_542 {strides = array<i32>} : memref<32x768xf32, #tpu.memory_space<vmem>>, vector<16xf32>,
      } {sc.loop_unroll_factor = 4 : i64, sc.parallel_access}
    }
    %scan3A_263 = arith.constant 16 : i32
    %add3A_264 = arith.constant 0 : i32
    %add3A_265 = arith.addi %mul3A_34, %add3A_264 : i32
    %mul3A_266 = arith.constant 512 : i32
    %mul3A_267 = arith.muli %add3A_265, %mul3A_266 : i32
    %add3A_268 = arith.addi %mul3A_267, %mul3A_11 : i32
    %dma_start3A_269 = arith.constant 0 : i32
    %dma_start3A_270 = tpu.memref_slice %arg9[%add3A_268, %dma_start3A_269] : memref<5120x768xf32, #tpu.memory_space<hbm>> -> memref<32x768xf32, #tpu.memory_space<hbm>>
    %dma_start3A_271 = arith.constant 0 : i32
    %dma_start3A_272 = tpu.memref_slice %arg9[%add3A_268, %dma_start3A_271] : memref<5120x768xf32, #tpu.memory_space<hbm>> -> memref<32x768xf32, #tpu.memory_space<hbm>>
    tpu.enqueue_dma source(%arg12 : memref<32x768xf32, #tpu.memory_space<vmem>>) target(%dma_start3A_272 : memref<32x768xf32, #tpu.memory_space<hbm>>) target_semaphore(%arg21 : memref<!tpu.dma_semaphore, #tpu.memory_space<semaphore_mem>>)
    %dma_wait3A_273 = arith.constant 0 : i32
    %dma_wait3A_274 = tpu.memref_slice %arg9[%add3A_268, %dma_wait3A_273] : memref<5120x768xf32, #tpu.memory_space<hbm>> -> memref<32x768xf32, #tpu.memory_space<hbm>>
    %dma_wait3A_275 = arith.constant 0 : i32
    %dma_wait3A_276 = tpu.memref_slice %arg9[%add3A_268, %dma_wait3A_275] : memref<5120x768xf32, #tpu.memory_space<hbm>> -> memref<32x768xf32, #tpu.memory_space<hbm>>
    tpu.wait_dma2 semaphore(%arg21 : memref<!tpu.dma_semaphore, #tpu.memory_space<semaphore_mem>>) src(%arg12 : memref<32x768xf32, #tpu.memory_space<vmem>>) dst(%dma_wait3A_276 : memref<32x768xf32, #tpu.memory_space<hbm>>)
    %dma_start3A_277 = arith.constant 2 : i32
    %dma_start3A_278 = arith.constant 0 : i32
    %dma_start3A_279 = tpu.memref_slice %arg10[%dma_start3A_277, %dma_start3A_278] : memref<5x32xi32, #tpu.memory_space<vmem>> -> memref<1x32xi32, #tpu.memory_space<vmem>>
    %dma_start3A_280 = tpu.memref_squeeze %dma_start3A_279 : memref<1x32xi32, #tpu.memory_space<vmem>> -> memref<32xi32, #tpu.memory_space<vmem>>
    %dma_start3A_281 = arith.constant 0 : i32
    %dma_start3A_282 = arith.constant 0 : i32
    %dma_start3A_283 = tpu.memref_slice %arg4[%dma_start3A_281, %dma_start3A_282] : memref<30522x768xf32, #tpu.memory_space<hbm>> -> memref<30522x768xf32, #tpu.memory_space<hbm>>
    tpu.enqueue_indirect_dma source(%dma_start3A_283 : memref<30522x768xf32, #tpu.memory_space<hbm>>) target(%arg12 : memref<32x768xf32, #tpu.memory_space<vmem>>) offsets(%dma_start3A_280 : memref<32xi32, #tpu.memory_space<vmem>>) semaphore(%arg19 : memref<!tpu.dma_semaphore, #tpu.memory_space<semaphore_mem>>)
    %dma_wait3A_284 = arith.constant 1 : i32
    %dma_wait3A_285 = arith.constant 0 : i32
    %dma_wait3A_286 = tpu.memref_slice %arg10[%dma_wait3A_284, %dma_wait3A_285] : memref<5x32xi32, #tpu.memory_space<vmem>> -> memref<1x32xi32, #tpu.memory_space<vmem>>
    %dma_wait3A_287 = tpu.memref_squeeze %dma_wait3A_286 : memref<1x32xi32, #tpu.memory_space<vmem>> -> memref<32xi32, #tpu.memory_space<vmem>>
    %dma_wait3A_288 = arith.constant 0 : i32
    %dma_wait3A_289 = arith.constant 0 : i32
    %dma_wait3A_290 = tpu.memref_slice %arg4[%dma_wait3A_288, %dma_wait3A_289] : memref<30522x768xf32, #tpu.memory_space<hbm>> -> memref<30522x768xf32, #tpu.memory_space<hbm>>
    tpu.wait_indirect_dma semaphore(%arg20 : memref<!tpu.dma_semaphore, #tpu.memory_space<semaphore_mem>>) src(%dma_wait3A_290 : memref<30522x768xf32, #tpu.memory_space<hbm>>) dst(%arg13 : memref<32x768xf32, #tpu.memory_space<vmem>>)
    %scan3A_291 = arith.constant 0 : i32
    %scan3A_292 = arith.constant 0 : i32
    %scan3A_293 = arith.constant 16 : i32
    %scan3A_294 = arith.addi %scan3A_292, %scan3A_293 : i32
    %scan3A_295 = arith.constant 1 : i32
    scf.for %scan3A_402 = %scan3A_292 to %scan3A_294 step %scan3A_295  : i32 {
      %mul3A_403 = arith.constant 2 : i32
      %mul3A_404 = arith.muli %mul3A_403, %scan3A_402 : i32
      %add3A_405 = arith.constant 1 : i32
      %add3A_406 = arith.addi %mul3A_404, %add3A_405 : i32
      %get3A = arith.constant 1 : i32
      %get3A_407 = arith.index_cast %get3A : i32 to index
      %get3A_408 = arith.index_cast %mul3A_404 : i32 to index
      %get3A_409 = tpu.vector_load %arg11[%get3A_407, %get3A_408] {strides = array<i32>} : memref<5x64xi32, #tpu.memory_space<vmem>>, vector<16xi32>,
      %slice3A = vector.extract_strided_slice %get3A_409 {offsets = [0], sizes = [1], strides = [1]} : vector<16xi32> to vector<1xi32>
      %squeeze3A = vector.extract %slice3A[0] : i32 from vector<1xi32>
      %convert_element_type3A = arith.sitofp %squeeze3A : i32 to f32
      %slice3A_410 = vector.extract_strided_slice %get3A_409 {offsets = [1], sizes = [1], strides = [1]} : vector<16xi32> to vector<1xi32>
      %squeeze3A_411 = vector.extract %slice3A_410[0] : i32 from vector<1xi32>
      %convert_element_type3A_412 = arith.sitofp %squeeze3A_411 : i32 to f32
      %broadcast_in_dim3A = arith.constant 0.000000e+00 : f32
      %broadcast_in_dim3A_413 = vector.broadcast %broadcast_in_dim3A : f32 to vector<16xf32>
      %parallel_loop3A = arith.constant 0 : i32
      %parallel_loop3A_414 = arith.constant 768 : i32
      %parallel_loop3A_415 = arith.constant 16 : i32
      %parallel_loop3A_416:4 = scf.for %parallel_loop3A_521 = %parallel_loop3A to %parallel_loop3A_414 step %parallel_loop3A_415 iter_args(%parallel_loop3A_522 = %broadcast_in_dim3A_413, %parallel_loop3A_523 = %broadcast_in_dim3A_413, %parallel_loop3A_524 = %broadcast_in_dim3A_413, %parallel_loop3A_525 = %broadcast_in_dim3A_413) -> (vector<16xf32>, vector<16xf32>, vector<16xf32>, vector<16xf32>)  : i32 {
        %parallel_loop3A_526 = arith.constant 0 : i32
        %parallel_loop3A_527 = arith.index_cast %parallel_loop3A_526 : i32 to index
        %parallel_loop3A_528 = arith.index_cast %parallel_loop3A_521 : i32 to index
        %parallel_loop3A_529 = tpu.vector_load %arg15[%parallel_loop3A_527, %parallel_loop3A_528] {strides = array<i32>} : memref<2x768xf32, #tpu.memory_space<vmem>>, vector<16xf32>,
        %parallel_loop3A_530 = arith.constant 1 : i32
        %parallel_loop3A_531 = arith.index_cast %parallel_loop3A_530 : i32 to index
        %parallel_loop3A_532 = arith.index_cast %parallel_loop3A_521 : i32 to index
        %parallel_loop3A_533 = tpu.vector_load %arg15[%parallel_loop3A_531, %parallel_loop3A_532] {strides = array<i32>} : memref<2x768xf32, #tpu.memory_space<vmem>>, vector<16xf32>,
        %parallel_loop3A_534 = arith.subf %parallel_loop3A_533, %parallel_loop3A_529 : vector<16xf32>
        %parallel_loop3A_535 = arith.index_cast %mul3A_404 : i32 to index
        %parallel_loop3A_536 = arith.index_cast %parallel_loop3A_521 : i32 to index
        %parallel_loop3A_537 = tpu.vector_load %arg13[%parallel_loop3A_535, %parallel_loop3A_536] {strides = array<i32>} : memref<32x768xf32, #tpu.memory_space<vmem>>, vector<16xf32>,
        %parallel_loop3A_538 = arith.index_cast %mul3A_404 : i32 to index
        %parallel_loop3A_539 = arith.index_cast %parallel_loop3A_521 : i32 to index
        %parallel_loop3A_540 = tpu.vector_load %arg14[%parallel_loop3A_538, %parallel_loop3A_539] {strides = array<i32>} : memref<32x768xf32, #tpu.memory_space<vmem>>, vector<16xf32>,
        %parallel_loop3A_541 = arith.addf %parallel_loop3A_537, %parallel_loop3A_540 : vector<16xf32>
        %parallel_loop3A_542 = arith.addf %parallel_loop3A_541, %parallel_loop3A_529 : vector<16xf32>
        %parallel_loop3A_543 = vector.broadcast %convert_element_type3A : f32 to vector<16xf32>
        %parallel_loop3A_544 = arith.mulf %parallel_loop3A_543, %parallel_loop3A_534 : vector<16xf32>
        %parallel_loop3A_545 = arith.addf %parallel_loop3A_542, %parallel_loop3A_544 : vector<16xf32>
        %parallel_loop3A_546 = arith.index_cast %add3A_406 : i32 to index
        %parallel_loop3A_547 = arith.index_cast %parallel_loop3A_521 : i32 to index
        %parallel_loop3A_548 = tpu.vector_load %arg13[%parallel_loop3A_546, %parallel_loop3A_547] {strides = array<i32>} : memref<32x768xf32, #tpu.memory_space<vmem>>, vector<16xf32>,
        %parallel_loop3A_549 = arith.index_cast %add3A_406 : i32 to index
        %parallel_loop3A_550 = arith.index_cast %parallel_loop3A_521 : i32 to index
        %parallel_loop3A_551 = tpu.vector_load %arg14[%parallel_loop3A_549, %parallel_loop3A_550] {strides = array<i32>} : memref<32x768xf32, #tpu.memory_space<vmem>>, vector<16xf32>,
        %parallel_loop3A_552 = arith.addf %parallel_loop3A_548, %parallel_loop3A_551 : vector<16xf32>
        %parallel_loop3A_553 = arith.addf %parallel_loop3A_552, %parallel_loop3A_529 : vector<16xf32>
        %parallel_loop3A_554 = vector.broadcast %convert_element_type3A_412 : f32 to vector<16xf32>
        %parallel_loop3A_555 = arith.mulf %parallel_loop3A_554, %parallel_loop3A_534 : vector<16xf32>
        %parallel_loop3A_556 = arith.addf %parallel_loop3A_553, %parallel_loop3A_555 : vector<16xf32>
        %parallel_loop3A_557 = arith.index_cast %mul3A_404 : i32 to index
        %parallel_loop3A_558 = arith.index_cast %parallel_loop3A_521 : i32 to index
        %parallel_loop3A_559 = tpu.vector_load %arg13[%parallel_loop3A_557, %parallel_loop3A_558] {strides = array<i32>} : memref<32x768xf32, #tpu.memory_space<vmem>>, vector<16xf32>,
        tpu.vector_store %arg13[%parallel_loop3A_557, %parallel_loop3A_558], %parallel_loop3A_545 {strides = array<i32>} : memref<32x768xf32, #tpu.memory_space<vmem>>, vector<16xf32>,
        %parallel_loop3A_560 = arith.index_cast %add3A_406 : i32 to index
        %parallel_loop3A_561 = arith.index_cast %parallel_loop3A_521 : i32 to index
        %parallel_loop3A_562 = tpu.vector_load %arg13[%parallel_loop3A_560, %parallel_loop3A_561] {strides = array<i32>} : memref<32x768xf32, #tpu.memory_space<vmem>>, vector<16xf32>,
        tpu.vector_store %arg13[%parallel_loop3A_560, %parallel_loop3A_561], %parallel_loop3A_556 {strides = array<i32>} : memref<32x768xf32, #tpu.memory_space<vmem>>, vector<16xf32>,
        %parallel_loop3A_563 = arith.addf %parallel_loop3A_522, %parallel_loop3A_545 : vector<16xf32>
        %parallel_loop3A_564 = arith.mulf %parallel_loop3A_545, %parallel_loop3A_545 : vector<16xf32>
        %parallel_loop3A_565 = arith.addf %parallel_loop3A_523, %parallel_loop3A_564 : vector<16xf32>
        %parallel_loop3A_566 = arith.addf %parallel_loop3A_524, %parallel_loop3A_556 : vector<16xf32>
        %parallel_loop3A_567 = arith.mulf %parallel_loop3A_556, %parallel_loop3A_556 : vector<16xf32>
        %parallel_loop3A_568 = arith.addf %parallel_loop3A_525, %parallel_loop3A_567 : vector<16xf32>
        scf.yield %parallel_loop3A_563, %parallel_loop3A_565, %parallel_loop3A_566, %parallel_loop3A_568 : vector<16xf32>, vector<16xf32>, vector<16xf32>, vector<16xf32>
      } {sc.loop_unroll_factor = 4 : i64, sc.parallel_access}
      %reduce_sum3A = arith.constant true
      %reduce_sum3A_417 = vector.broadcast %reduce_sum3A : i1 to vector<16xi1>
      %reduce_sum3A_418 = tpu.scan <sum>, %parallel_loop3A_416#0 masked %reduce_sum3A_417 : vector<16xf32>, vector<16xi1> -> vector<16xf32>
      %reduce_sum3A_419 = vector.extract %reduce_sum3A_418[15] : f32 from vector<16xf32>
      %mul3A_420 = arith.constant 0.00130208337 : f32
      %mul3A_421 = arith.mulf %reduce_sum3A_419, %mul3A_420 : f32
      %reduce_sum3A_422 = arith.constant true
      %reduce_sum3A_423 = vector.broadcast %reduce_sum3A_422 : i1 to vector<16xi1>
      %reduce_sum3A_424 = tpu.scan <sum>, %parallel_loop3A_416#1 masked %reduce_sum3A_423 : vector<16xf32>, vector<16xi1> -> vector<16xf32>
      %reduce_sum3A_425 = vector.extract %reduce_sum3A_424[15] : f32 from vector<16xf32>
      %mul3A_426 = arith.constant 0.00130208337 : f32
      %mul3A_427 = arith.mulf %reduce_sum3A_425, %mul3A_426 : f32
      %reduce_sum3A_428 = arith.constant true
      %reduce_sum3A_429 = vector.broadcast %reduce_sum3A_428 : i1 to vector<16xi1>
      %reduce_sum3A_430 = tpu.scan <sum>, %parallel_loop3A_416#2 masked %reduce_sum3A_429 : vector<16xf32>, vector<16xi1> -> vector<16xf32>
      %reduce_sum3A_431 = vector.extract %reduce_sum3A_430[15] : f32 from vector<16xf32>
      %mul3A_432 = arith.constant 0.00130208337 : f32
      %mul3A_433 = arith.mulf %reduce_sum3A_431, %mul3A_432 : f32
      %reduce_sum3A_434 = arith.constant true
      %reduce_sum3A_435 = vector.broadcast %reduce_sum3A_434 : i1 to vector<16xi1>
      %reduce_sum3A_436 = tpu.scan <sum>, %parallel_loop3A_416#3 masked %reduce_sum3A_435 : vector<16xf32>, vector<16xi1> -> vector<16xf32>
      %reduce_sum3A_437 = vector.extract %reduce_sum3A_436[15] : f32 from vector<16xf32>
      %mul3A_438 = arith.constant 0.00130208337 : f32
      %mul3A_439 = arith.mulf %reduce_sum3A_437, %mul3A_438 : f32
      %mul3A_440 = arith.mulf %mul3A_421, %mul3A_421 : f32
      %sub3A_441 = arith.subf %mul3A_427, %mul3A_440 : f32
      %add3A_442 = arith.constant 9.99999974E-6 : f32
      %add3A_443 = arith.addf %sub3A_441, %add3A_442 : f32
      %mul3A_444 = arith.mulf %mul3A_433, %mul3A_433 : f32
      %sub3A_445 = arith.subf %mul3A_439, %mul3A_444 : f32
      %add3A_446 = arith.constant 9.99999974E-6 : f32
      %add3A_447 = arith.addf %sub3A_445, %add3A_446 : f32
      %broadcast_in_dim3A_448 = vector.broadcast %add3A_443 : f32 to vector<16xf32>
      %broadcast_in_dim3A_449 = vector.broadcast %add3A_447 : f32 to vector<16xf32>
      %broadcast_in_dim3A_450 = arith.constant 1597463007 : i32
      %broadcast_in_dim3A_451 = vector.broadcast %broadcast_in_dim3A_450 : i32 to vector<16xi32>
      %bitcast3A = vector.bitcast %broadcast_in_dim3A_448 : vector<16xf32> to vector<16xi32>
      %shift_right_arithmetic3A = arith.constant 1 : i32
      %shift_right_arithmetic3A_452 = vector.broadcast %shift_right_arithmetic3A : i32 to vector<16xi32>
      %shift_right_arithmetic3A_453 = arith.shrsi %bitcast3A, %shift_right_arithmetic3A_452 : vector<16xi32>
      %sub3A_454 = arith.subi %broadcast_in_dim3A_451, %shift_right_arithmetic3A_453 : vector<16xi32>
      %bitcast3A_455 = vector.bitcast %sub3A_454 : vector<16xi32> to vector<16xf32>
      %bitcast3A_456 = vector.bitcast %broadcast_in_dim3A_449 : vector<16xf32> to vector<16xi32>
      %shift_right_arithmetic3A_457 = arith.constant 1 : i32
      %shift_right_arithmetic3A_458 = vector.broadcast %shift_right_arithmetic3A_457 : i32 to vector<16xi32>
      %shift_right_arithmetic3A_459 = arith.shrsi %bitcast3A_456, %shift_right_arithmetic3A_458 : vector<16xi32>
      %sub3A_460 = arith.subi %broadcast_in_dim3A_451, %shift_right_arithmetic3A_459 : vector<16xi32>
      %bitcast3A_461 = vector.bitcast %sub3A_460 : vector<16xi32> to vector<16xf32>
      %mul3A_462 = arith.constant 5.000000e-01 : f32
      %mul3A_463 = vector.broadcast %mul3A_462 : f32 to vector<16xf32>
      %mul3A_464 = arith.mulf %mul3A_463, %broadcast_in_dim3A_448 : vector<16xf32>
      %mul3A_465 = arith.constant 5.000000e-01 : f32
      %mul3A_466 = vector.broadcast %mul3A_465 : f32 to vector<16xf32>
      %mul3A_467 = arith.mulf %mul3A_466, %broadcast_in_dim3A_449 : vector<16xf32>
      %mul3A_468 = arith.mulf %mul3A_464, %bitcast3A_455 : vector<16xf32>
      %mul3A_469 = arith.mulf %mul3A_468, %bitcast3A_455 : vector<16xf32>
      %sub3A_470 = arith.constant 1.500000e+00 : f32
      %sub3A_471 = vector.broadcast %sub3A_470 : f32 to vector<16xf32>
      %sub3A_472 = arith.subf %sub3A_471, %mul3A_469 : vector<16xf32>
      %mul3A_473 = arith.mulf %bitcast3A_455, %sub3A_472 : vector<16xf32>
      %mul3A_474 = arith.mulf %mul3A_467, %bitcast3A_461 : vector<16xf32>
      %mul3A_475 = arith.mulf %mul3A_474, %bitcast3A_461 : vector<16xf32>
      %sub3A_476 = arith.constant 1.500000e+00 : f32
      %sub3A_477 = vector.broadcast %sub3A_476 : f32 to vector<16xf32>
      %sub3A_478 = arith.subf %sub3A_477, %mul3A_475 : vector<16xf32>
      %mul3A_479 = arith.mulf %bitcast3A_461, %sub3A_478 : vector<16xf32>
      %mul3A_480 = arith.mulf %mul3A_464, %mul3A_473 : vector<16xf32>
      %mul3A_481 = arith.mulf %mul3A_480, %mul3A_473 : vector<16xf32>
      %sub3A_482 = arith.constant 1.500000e+00 : f32
      %sub3A_483 = vector.broadcast %sub3A_482 : f32 to vector<16xf32>
      %sub3A_484 = arith.subf %sub3A_483, %mul3A_481 : vector<16xf32>
      %mul3A_485 = arith.mulf %mul3A_473, %sub3A_484 : vector<16xf32>
      %mul3A_486 = arith.mulf %mul3A_467, %mul3A_479 : vector<16xf32>
      %mul3A_487 = arith.mulf %mul3A_486, %mul3A_479 : vector<16xf32>
      %sub3A_488 = arith.constant 1.500000e+00 : f32
      %sub3A_489 = vector.broadcast %sub3A_488 : f32 to vector<16xf32>
      %sub3A_490 = arith.subf %sub3A_489, %mul3A_487 : vector<16xf32>
      %mul3A_491 = arith.mulf %mul3A_479, %sub3A_490 : vector<16xf32>
      %mul3A_492 = arith.mulf %mul3A_464, %mul3A_485 : vector<16xf32>
      %mul3A_493 = arith.mulf %mul3A_492, %mul3A_485 : vector<16xf32>
      %sub3A_494 = arith.constant 1.500000e+00 : f32
      %sub3A_495 = vector.broadcast %sub3A_494 : f32 to vector<16xf32>
      %sub3A_496 = arith.subf %sub3A_495, %mul3A_493 : vector<16xf32>
      %mul3A_497 = arith.mulf %mul3A_485, %sub3A_496 : vector<16xf32>
      %mul3A_498 = arith.mulf %mul3A_467, %mul3A_491 : vector<16xf32>
      %mul3A_499 = arith.mulf %mul3A_498, %mul3A_491 : vector<16xf32>
      %sub3A_500 = arith.constant 1.500000e+00 : f32
      %sub3A_501 = vector.broadcast %sub3A_500 : f32 to vector<16xf32>
      %sub3A_502 = arith.subf %sub3A_501, %mul3A_499 : vector<16xf32>
      %mul3A_503 = arith.mulf %mul3A_491, %sub3A_502 : vector<16xf32>
      %mul3A_504 = arith.mulf %mul3A_464, %mul3A_497 : vector<16xf32>
      %mul3A_505 = arith.mulf %mul3A_504, %mul3A_497 : vector<16xf32>
      %sub3A_506 = arith.constant 1.500000e+00 : f32
      %sub3A_507 = vector.broadcast %sub3A_506 : f32 to vector<16xf32>
      %sub3A_508 = arith.subf %sub3A_507, %mul3A_505 : vector<16xf32>
      %mul3A_509 = arith.mulf %mul3A_497, %sub3A_508 : vector<16xf32>
      %mul3A_510 = arith.mulf %mul3A_467, %mul3A_503 : vector<16xf32>
      %mul3A_511 = arith.mulf %mul3A_510, %mul3A_503 : vector<16xf32>
      %sub3A_512 = arith.constant 1.500000e+00 : f32
      %sub3A_513 = vector.broadcast %sub3A_512 : f32 to vector<16xf32>
      %sub3A_514 = arith.subf %sub3A_513, %mul3A_511 : vector<16xf32>
      %mul3A_515 = arith.mulf %mul3A_503, %sub3A_514 : vector<16xf32>
      %broadcast_in_dim3A_516 = vector.broadcast %mul3A_421 : f32 to vector<16xf32>
      %broadcast_in_dim3A_517 = vector.broadcast %mul3A_433 : f32 to vector<16xf32>
      %parallel_loop3A_518 = arith.constant 0 : i32
      %parallel_loop3A_519 = arith.constant 768 : i32
      %parallel_loop3A_520 = arith.constant 16 : i32
      scf.for %parallel_loop3A_521 = %parallel_loop3A_518 to %parallel_loop3A_519 step %parallel_loop3A_520  : i32 {
        %parallel_loop3A_522 = arith.index_cast %parallel_loop3A_521 : i32 to index
        %parallel_loop3A_523 = tpu.vector_load %arg16[%parallel_loop3A_522] {strides = array<i32>} : memref<768xf32, #tpu.memory_space<vmem>>, vector<16xf32>,
        %parallel_loop3A_524 = arith.index_cast %parallel_loop3A_521 : i32 to index
        %parallel_loop3A_525 = tpu.vector_load %arg17[%parallel_loop3A_524] {strides = array<i32>} : memref<768xf32, #tpu.memory_space<vmem>>, vector<16xf32>,
        %parallel_loop3A_526 = arith.index_cast %mul3A_404 : i32 to index
        %parallel_loop3A_527 = arith.index_cast %parallel_loop3A_521 : i32 to index
        %parallel_loop3A_528 = tpu.vector_load %arg13[%parallel_loop3A_526, %parallel_loop3A_527] {strides = array<i32>} : memref<32x768xf32, #tpu.memory_space<vmem>>, vector<16xf32>,
        %parallel_loop3A_529 = arith.index_cast %add3A_406 : i32 to index
        %parallel_loop3A_530 = arith.index_cast %parallel_loop3A_521 : i32 to index
        %parallel_loop3A_531 = tpu.vector_load %arg13[%parallel_loop3A_529, %parallel_loop3A_530] {strides = array<i32>} : memref<32x768xf32, #tpu.memory_space<vmem>>, vector<16xf32>,
        %parallel_loop3A_532 = arith.subf %parallel_loop3A_528, %broadcast_in_dim3A_516 : vector<16xf32>
        %parallel_loop3A_533 = arith.mulf %parallel_loop3A_532, %mul3A_509 : vector<16xf32>
        %parallel_loop3A_534 = arith.mulf %parallel_loop3A_533, %parallel_loop3A_523 : vector<16xf32>
        %parallel_loop3A_535 = arith.addf %parallel_loop3A_534, %parallel_loop3A_525 : vector<16xf32>
        %parallel_loop3A_536 = arith.index_cast %mul3A_404 : i32 to index
        %parallel_loop3A_537 = arith.index_cast %parallel_loop3A_521 : i32 to index
        %parallel_loop3A_538 = tpu.vector_load %arg13[%parallel_loop3A_536, %parallel_loop3A_537] {strides = array<i32>} : memref<32x768xf32, #tpu.memory_space<vmem>>, vector<16xf32>,
        tpu.vector_store %arg13[%parallel_loop3A_536, %parallel_loop3A_537], %parallel_loop3A_535 {strides = array<i32>} : memref<32x768xf32, #tpu.memory_space<vmem>>, vector<16xf32>,
        %parallel_loop3A_539 = arith.subf %parallel_loop3A_531, %broadcast_in_dim3A_517 : vector<16xf32>
        %parallel_loop3A_540 = arith.mulf %parallel_loop3A_539, %mul3A_515 : vector<16xf32>
        %parallel_loop3A_541 = arith.mulf %parallel_loop3A_540, %parallel_loop3A_523 : vector<16xf32>
        %parallel_loop3A_542 = arith.addf %parallel_loop3A_541, %parallel_loop3A_525 : vector<16xf32>
        %parallel_loop3A_543 = arith.index_cast %add3A_406 : i32 to index
        %parallel_loop3A_544 = arith.index_cast %parallel_loop3A_521 : i32 to index
        %parallel_loop3A_545 = tpu.vector_load %arg13[%parallel_loop3A_543, %parallel_loop3A_544] {strides = array<i32>} : memref<32x768xf32, #tpu.memory_space<vmem>>, vector<16xf32>,
        tpu.vector_store %arg13[%parallel_loop3A_543, %parallel_loop3A_544], %parallel_loop3A_542 {strides = array<i32>} : memref<32x768xf32, #tpu.memory_space<vmem>>, vector<16xf32>,
      } {sc.loop_unroll_factor = 4 : i64, sc.parallel_access}
    }
    %scan3A_296 = arith.constant 16 : i32
    %add3A_297 = arith.constant 1 : i32
    %add3A_298 = arith.addi %mul3A_34, %add3A_297 : i32
    %mul3A_299 = arith.constant 512 : i32
    %mul3A_300 = arith.muli %add3A_298, %mul3A_299 : i32
    %add3A_301 = arith.addi %mul3A_300, %mul3A_11 : i32
    %dma_start3A_302 = arith.constant 0 : i32
    %dma_start3A_303 = tpu.memref_slice %arg9[%add3A_301, %dma_start3A_302] : memref<5120x768xf32, #tpu.memory_space<hbm>> -> memref<32x768xf32, #tpu.memory_space<hbm>>
    %dma_start3A_304 = arith.constant 0 : i32
    %dma_start3A_305 = tpu.memref_slice %arg9[%add3A_301, %dma_start3A_304] : memref<5120x768xf32, #tpu.memory_space<hbm>> -> memref<32x768xf32, #tpu.memory_space<hbm>>
    tpu.enqueue_dma source(%arg13 : memref<32x768xf32, #tpu.memory_space<vmem>>) target(%dma_start3A_305 : memref<32x768xf32, #tpu.memory_space<hbm>>) target_semaphore(%arg22 : memref<!tpu.dma_semaphore, #tpu.memory_space<semaphore_mem>>)
    %dma_wait3A_306 = arith.constant 0 : i32
    %dma_wait3A_307 = tpu.memref_slice %arg9[%add3A_301, %dma_wait3A_306] : memref<5120x768xf32, #tpu.memory_space<hbm>> -> memref<32x768xf32, #tpu.memory_space<hbm>>
    %dma_wait3A_308 = arith.constant 0 : i32
    %dma_wait3A_309 = tpu.memref_slice %arg9[%add3A_301, %dma_wait3A_308] : memref<5120x768xf32, #tpu.memory_space<hbm>> -> memref<32x768xf32, #tpu.memory_space<hbm>>
    tpu.wait_dma2 semaphore(%arg22 : memref<!tpu.dma_semaphore, #tpu.memory_space<semaphore_mem>>) src(%arg13 : memref<32x768xf32, #tpu.memory_space<vmem>>) dst(%dma_wait3A_309 : memref<32x768xf32, #tpu.memory_space<hbm>>)
    %dma_start3A_310 = arith.constant 3 : i32
    %dma_start3A_311 = arith.constant 0 : i32
    %dma_start3A_312 = tpu.memref_slice %arg10[%dma_start3A_310, %dma_start3A_311] : memref<5x32xi32, #tpu.memory_space<vmem>> -> memref<1x32xi32, #tpu.memory_space<vmem>>
    %dma_start3A_313 = tpu.memref_squeeze %dma_start3A_312 : memref<1x32xi32, #tpu.memory_space<vmem>> -> memref<32xi32, #tpu.memory_space<vmem>>
    %dma_start3A_314 = arith.constant 0 : i32
    %dma_start3A_315 = arith.constant 0 : i32
    %dma_start3A_316 = tpu.memref_slice %arg4[%dma_start3A_314, %dma_start3A_315] : memref<30522x768xf32, #tpu.memory_space<hbm>> -> memref<30522x768xf32, #tpu.memory_space<hbm>>
    tpu.enqueue_indirect_dma source(%dma_start3A_316 : memref<30522x768xf32, #tpu.memory_space<hbm>>) target(%arg13 : memref<32x768xf32, #tpu.memory_space<vmem>>) offsets(%dma_start3A_313 : memref<32xi32, #tpu.memory_space<vmem>>) semaphore(%arg20 : memref<!tpu.dma_semaphore, #tpu.memory_space<semaphore_mem>>)
    %dma_wait3A_317 = arith.constant 2 : i32
    %dma_wait3A_318 = arith.constant 0 : i32
    %dma_wait3A_319 = tpu.memref_slice %arg10[%dma_wait3A_317, %dma_wait3A_318] : memref<5x32xi32, #tpu.memory_space<vmem>> -> memref<1x32xi32, #tpu.memory_space<vmem>>
    %dma_wait3A_320 = tpu.memref_squeeze %dma_wait3A_319 : memref<1x32xi32, #tpu.memory_space<vmem>> -> memref<32xi32, #tpu.memory_space<vmem>>
    %dma_wait3A_321 = arith.constant 0 : i32
    %dma_wait3A_322 = arith.constant 0 : i32
    %dma_wait3A_323 = tpu.memref_slice %arg4[%dma_wait3A_321, %dma_wait3A_322] : memref<30522x768xf32, #tpu.memory_space<hbm>> -> memref<30522x768xf32, #tpu.memory_space<hbm>>
    tpu.wait_indirect_dma semaphore(%arg19 : memref<!tpu.dma_semaphore, #tpu.memory_space<semaphore_mem>>) src(%dma_wait3A_323 : memref<30522x768xf32, #tpu.memory_space<hbm>>) dst(%arg12 : memref<32x768xf32, #tpu.memory_space<vmem>>)
    %scan3A_324 = arith.constant 0 : i32
    %scan3A_325 = arith.constant 0 : i32
    %scan3A_326 = arith.constant 16 : i32
    %scan3A_327 = arith.addi %scan3A_325, %scan3A_326 : i32
    %scan3A_328 = arith.constant 1 : i32
    scf.for %scan3A_402 = %scan3A_325 to %scan3A_327 step %scan3A_328  : i32 {
      %mul3A_403 = arith.constant 2 : i32
      %mul3A_404 = arith.muli %mul3A_403, %scan3A_402 : i32
      %add3A_405 = arith.constant 1 : i32
      %add3A_406 = arith.addi %mul3A_404, %add3A_405 : i32
      %get3A = arith.constant 2 : i32
      %get3A_407 = arith.index_cast %get3A : i32 to index
      %get3A_408 = arith.index_cast %mul3A_404 : i32 to index
      %get3A_409 = tpu.vector_load %arg11[%get3A_407, %get3A_408] {strides = array<i32>} : memref<5x64xi32, #tpu.memory_space<vmem>>, vector<16xi32>,
      %slice3A = vector.extract_strided_slice %get3A_409 {offsets = [0], sizes = [1], strides = [1]} : vector<16xi32> to vector<1xi32>
      %squeeze3A = vector.extract %slice3A[0] : i32 from vector<1xi32>
      %convert_element_type3A = arith.sitofp %squeeze3A : i32 to f32
      %slice3A_410 = vector.extract_strided_slice %get3A_409 {offsets = [1], sizes = [1], strides = [1]} : vector<16xi32> to vector<1xi32>
      %squeeze3A_411 = vector.extract %slice3A_410[0] : i32 from vector<1xi32>
      %convert_element_type3A_412 = arith.sitofp %squeeze3A_411 : i32 to f32
      %broadcast_in_dim3A = arith.constant 0.000000e+00 : f32
      %broadcast_in_dim3A_413 = vector.broadcast %broadcast_in_dim3A : f32 to vector<16xf32>
      %parallel_loop3A = arith.constant 0 : i32
      %parallel_loop3A_414 = arith.constant 768 : i32
      %parallel_loop3A_415 = arith.constant 16 : i32
      %parallel_loop3A_416:4 = scf.for %parallel_loop3A_521 = %parallel_loop3A to %parallel_loop3A_414 step %parallel_loop3A_415 iter_args(%parallel_loop3A_522 = %broadcast_in_dim3A_413, %parallel_loop3A_523 = %broadcast_in_dim3A_413, %parallel_loop3A_524 = %broadcast_in_dim3A_413, %parallel_loop3A_525 = %broadcast_in_dim3A_413) -> (vector<16xf32>, vector<16xf32>, vector<16xf32>, vector<16xf32>)  : i32 {
        %parallel_loop3A_526 = arith.constant 0 : i32
        %parallel_loop3A_527 = arith.index_cast %parallel_loop3A_526 : i32 to index
        %parallel_loop3A_528 = arith.index_cast %parallel_loop3A_521 : i32 to index
        %parallel_loop3A_529 = tpu.vector_load %arg15[%parallel_loop3A_527, %parallel_loop3A_528] {strides = array<i32>} : memref<2x768xf32, #tpu.memory_space<vmem>>, vector<16xf32>,
        %parallel_loop3A_530 = arith.constant 1 : i32
        %parallel_loop3A_531 = arith.index_cast %parallel_loop3A_530 : i32 to index
        %parallel_loop3A_532 = arith.index_cast %parallel_loop3A_521 : i32 to index
        %parallel_loop3A_533 = tpu.vector_load %arg15[%parallel_loop3A_531, %parallel_loop3A_532] {strides = array<i32>} : memref<2x768xf32, #tpu.memory_space<vmem>>, vector<16xf32>,
        %parallel_loop3A_534 = arith.subf %parallel_loop3A_533, %parallel_loop3A_529 : vector<16xf32>
        %parallel_loop3A_535 = arith.index_cast %mul3A_404 : i32 to index
        %parallel_loop3A_536 = arith.index_cast %parallel_loop3A_521 : i32 to index
        %parallel_loop3A_537 = tpu.vector_load %arg12[%parallel_loop3A_535, %parallel_loop3A_536] {strides = array<i32>} : memref<32x768xf32, #tpu.memory_space<vmem>>, vector<16xf32>,
        %parallel_loop3A_538 = arith.index_cast %mul3A_404 : i32 to index
        %parallel_loop3A_539 = arith.index_cast %parallel_loop3A_521 : i32 to index
        %parallel_loop3A_540 = tpu.vector_load %arg14[%parallel_loop3A_538, %parallel_loop3A_539] {strides = array<i32>} : memref<32x768xf32, #tpu.memory_space<vmem>>, vector<16xf32>,
        %parallel_loop3A_541 = arith.addf %parallel_loop3A_537, %parallel_loop3A_540 : vector<16xf32>
        %parallel_loop3A_542 = arith.addf %parallel_loop3A_541, %parallel_loop3A_529 : vector<16xf32>
        %parallel_loop3A_543 = vector.broadcast %convert_element_type3A : f32 to vector<16xf32>
        %parallel_loop3A_544 = arith.mulf %parallel_loop3A_543, %parallel_loop3A_534 : vector<16xf32>
        %parallel_loop3A_545 = arith.addf %parallel_loop3A_542, %parallel_loop3A_544 : vector<16xf32>
        %parallel_loop3A_546 = arith.index_cast %add3A_406 : i32 to index
        %parallel_loop3A_547 = arith.index_cast %parallel_loop3A_521 : i32 to index
        %parallel_loop3A_548 = tpu.vector_load %arg12[%parallel_loop3A_546, %parallel_loop3A_547] {strides = array<i32>} : memref<32x768xf32, #tpu.memory_space<vmem>>, vector<16xf32>,
        %parallel_loop3A_549 = arith.index_cast %add3A_406 : i32 to index
        %parallel_loop3A_550 = arith.index_cast %parallel_loop3A_521 : i32 to index
        %parallel_loop3A_551 = tpu.vector_load %arg14[%parallel_loop3A_549, %parallel_loop3A_550] {strides = array<i32>} : memref<32x768xf32, #tpu.memory_space<vmem>>, vector<16xf32>,
        %parallel_loop3A_552 = arith.addf %parallel_loop3A_548, %parallel_loop3A_551 : vector<16xf32>
        %parallel_loop3A_553 = arith.addf %parallel_loop3A_552, %parallel_loop3A_529 : vector<16xf32>
        %parallel_loop3A_554 = vector.broadcast %convert_element_type3A_412 : f32 to vector<16xf32>
        %parallel_loop3A_555 = arith.mulf %parallel_loop3A_554, %parallel_loop3A_534 : vector<16xf32>
        %parallel_loop3A_556 = arith.addf %parallel_loop3A_553, %parallel_loop3A_555 : vector<16xf32>
        %parallel_loop3A_557 = arith.index_cast %mul3A_404 : i32 to index
        %parallel_loop3A_558 = arith.index_cast %parallel_loop3A_521 : i32 to index
        %parallel_loop3A_559 = tpu.vector_load %arg12[%parallel_loop3A_557, %parallel_loop3A_558] {strides = array<i32>} : memref<32x768xf32, #tpu.memory_space<vmem>>, vector<16xf32>,
        tpu.vector_store %arg12[%parallel_loop3A_557, %parallel_loop3A_558], %parallel_loop3A_545 {strides = array<i32>} : memref<32x768xf32, #tpu.memory_space<vmem>>, vector<16xf32>,
        %parallel_loop3A_560 = arith.index_cast %add3A_406 : i32 to index
        %parallel_loop3A_561 = arith.index_cast %parallel_loop3A_521 : i32 to index
        %parallel_loop3A_562 = tpu.vector_load %arg12[%parallel_loop3A_560, %parallel_loop3A_561] {strides = array<i32>} : memref<32x768xf32, #tpu.memory_space<vmem>>, vector<16xf32>,
        tpu.vector_store %arg12[%parallel_loop3A_560, %parallel_loop3A_561], %parallel_loop3A_556 {strides = array<i32>} : memref<32x768xf32, #tpu.memory_space<vmem>>, vector<16xf32>,
        %parallel_loop3A_563 = arith.addf %parallel_loop3A_522, %parallel_loop3A_545 : vector<16xf32>
        %parallel_loop3A_564 = arith.mulf %parallel_loop3A_545, %parallel_loop3A_545 : vector<16xf32>
        %parallel_loop3A_565 = arith.addf %parallel_loop3A_523, %parallel_loop3A_564 : vector<16xf32>
        %parallel_loop3A_566 = arith.addf %parallel_loop3A_524, %parallel_loop3A_556 : vector<16xf32>
        %parallel_loop3A_567 = arith.mulf %parallel_loop3A_556, %parallel_loop3A_556 : vector<16xf32>
        %parallel_loop3A_568 = arith.addf %parallel_loop3A_525, %parallel_loop3A_567 : vector<16xf32>
        scf.yield %parallel_loop3A_563, %parallel_loop3A_565, %parallel_loop3A_566, %parallel_loop3A_568 : vector<16xf32>, vector<16xf32>, vector<16xf32>, vector<16xf32>
      } {sc.loop_unroll_factor = 4 : i64, sc.parallel_access}
      %reduce_sum3A = arith.constant true
      %reduce_sum3A_417 = vector.broadcast %reduce_sum3A : i1 to vector<16xi1>
      %reduce_sum3A_418 = tpu.scan <sum>, %parallel_loop3A_416#0 masked %reduce_sum3A_417 : vector<16xf32>, vector<16xi1> -> vector<16xf32>
      %reduce_sum3A_419 = vector.extract %reduce_sum3A_418[15] : f32 from vector<16xf32>
      %mul3A_420 = arith.constant 0.00130208337 : f32
      %mul3A_421 = arith.mulf %reduce_sum3A_419, %mul3A_420 : f32
      %reduce_sum3A_422 = arith.constant true
      %reduce_sum3A_423 = vector.broadcast %reduce_sum3A_422 : i1 to vector<16xi1>
      %reduce_sum3A_424 = tpu.scan <sum>, %parallel_loop3A_416#1 masked %reduce_sum3A_423 : vector<16xf32>, vector<16xi1> -> vector<16xf32>
      %reduce_sum3A_425 = vector.extract %reduce_sum3A_424[15] : f32 from vector<16xf32>
      %mul3A_426 = arith.constant 0.00130208337 : f32
      %mul3A_427 = arith.mulf %reduce_sum3A_425, %mul3A_426 : f32
      %reduce_sum3A_428 = arith.constant true
      %reduce_sum3A_429 = vector.broadcast %reduce_sum3A_428 : i1 to vector<16xi1>
      %reduce_sum3A_430 = tpu.scan <sum>, %parallel_loop3A_416#2 masked %reduce_sum3A_429 : vector<16xf32>, vector<16xi1> -> vector<16xf32>
      %reduce_sum3A_431 = vector.extract %reduce_sum3A_430[15] : f32 from vector<16xf32>
      %mul3A_432 = arith.constant 0.00130208337 : f32
      %mul3A_433 = arith.mulf %reduce_sum3A_431, %mul3A_432 : f32
      %reduce_sum3A_434 = arith.constant true
      %reduce_sum3A_435 = vector.broadcast %reduce_sum3A_434 : i1 to vector<16xi1>
      %reduce_sum3A_436 = tpu.scan <sum>, %parallel_loop3A_416#3 masked %reduce_sum3A_435 : vector<16xf32>, vector<16xi1> -> vector<16xf32>
      %reduce_sum3A_437 = vector.extract %reduce_sum3A_436[15] : f32 from vector<16xf32>
      %mul3A_438 = arith.constant 0.00130208337 : f32
      %mul3A_439 = arith.mulf %reduce_sum3A_437, %mul3A_438 : f32
      %mul3A_440 = arith.mulf %mul3A_421, %mul3A_421 : f32
      %sub3A_441 = arith.subf %mul3A_427, %mul3A_440 : f32
      %add3A_442 = arith.constant 9.99999974E-6 : f32
      %add3A_443 = arith.addf %sub3A_441, %add3A_442 : f32
      %mul3A_444 = arith.mulf %mul3A_433, %mul3A_433 : f32
      %sub3A_445 = arith.subf %mul3A_439, %mul3A_444 : f32
      %add3A_446 = arith.constant 9.99999974E-6 : f32
      %add3A_447 = arith.addf %sub3A_445, %add3A_446 : f32
      %broadcast_in_dim3A_448 = vector.broadcast %add3A_443 : f32 to vector<16xf32>
      %broadcast_in_dim3A_449 = vector.broadcast %add3A_447 : f32 to vector<16xf32>
      %broadcast_in_dim3A_450 = arith.constant 1597463007 : i32
      %broadcast_in_dim3A_451 = vector.broadcast %broadcast_in_dim3A_450 : i32 to vector<16xi32>
      %bitcast3A = vector.bitcast %broadcast_in_dim3A_448 : vector<16xf32> to vector<16xi32>
      %shift_right_arithmetic3A = arith.constant 1 : i32
      %shift_right_arithmetic3A_452 = vector.broadcast %shift_right_arithmetic3A : i32 to vector<16xi32>
      %shift_right_arithmetic3A_453 = arith.shrsi %bitcast3A, %shift_right_arithmetic3A_452 : vector<16xi32>
      %sub3A_454 = arith.subi %broadcast_in_dim3A_451, %shift_right_arithmetic3A_453 : vector<16xi32>
      %bitcast3A_455 = vector.bitcast %sub3A_454 : vector<16xi32> to vector<16xf32>
      %bitcast3A_456 = vector.bitcast %broadcast_in_dim3A_449 : vector<16xf32> to vector<16xi32>
      %shift_right_arithmetic3A_457 = arith.constant 1 : i32
      %shift_right_arithmetic3A_458 = vector.broadcast %shift_right_arithmetic3A_457 : i32 to vector<16xi32>
      %shift_right_arithmetic3A_459 = arith.shrsi %bitcast3A_456, %shift_right_arithmetic3A_458 : vector<16xi32>
      %sub3A_460 = arith.subi %broadcast_in_dim3A_451, %shift_right_arithmetic3A_459 : vector<16xi32>
      %bitcast3A_461 = vector.bitcast %sub3A_460 : vector<16xi32> to vector<16xf32>
      %mul3A_462 = arith.constant 5.000000e-01 : f32
      %mul3A_463 = vector.broadcast %mul3A_462 : f32 to vector<16xf32>
      %mul3A_464 = arith.mulf %mul3A_463, %broadcast_in_dim3A_448 : vector<16xf32>
      %mul3A_465 = arith.constant 5.000000e-01 : f32
      %mul3A_466 = vector.broadcast %mul3A_465 : f32 to vector<16xf32>
      %mul3A_467 = arith.mulf %mul3A_466, %broadcast_in_dim3A_449 : vector<16xf32>
      %mul3A_468 = arith.mulf %mul3A_464, %bitcast3A_455 : vector<16xf32>
      %mul3A_469 = arith.mulf %mul3A_468, %bitcast3A_455 : vector<16xf32>
      %sub3A_470 = arith.constant 1.500000e+00 : f32
      %sub3A_471 = vector.broadcast %sub3A_470 : f32 to vector<16xf32>
      %sub3A_472 = arith.subf %sub3A_471, %mul3A_469 : vector<16xf32>
      %mul3A_473 = arith.mulf %bitcast3A_455, %sub3A_472 : vector<16xf32>
      %mul3A_474 = arith.mulf %mul3A_467, %bitcast3A_461 : vector<16xf32>
      %mul3A_475 = arith.mulf %mul3A_474, %bitcast3A_461 : vector<16xf32>
      %sub3A_476 = arith.constant 1.500000e+00 : f32
      %sub3A_477 = vector.broadcast %sub3A_476 : f32 to vector<16xf32>
      %sub3A_478 = arith.subf %sub3A_477, %mul3A_475 : vector<16xf32>
      %mul3A_479 = arith.mulf %bitcast3A_461, %sub3A_478 : vector<16xf32>
      %mul3A_480 = arith.mulf %mul3A_464, %mul3A_473 : vector<16xf32>
      %mul3A_481 = arith.mulf %mul3A_480, %mul3A_473 : vector<16xf32>
      %sub3A_482 = arith.constant 1.500000e+00 : f32
      %sub3A_483 = vector.broadcast %sub3A_482 : f32 to vector<16xf32>
      %sub3A_484 = arith.subf %sub3A_483, %mul3A_481 : vector<16xf32>
      %mul3A_485 = arith.mulf %mul3A_473, %sub3A_484 : vector<16xf32>
      %mul3A_486 = arith.mulf %mul3A_467, %mul3A_479 : vector<16xf32>
      %mul3A_487 = arith.mulf %mul3A_486, %mul3A_479 : vector<16xf32>
      %sub3A_488 = arith.constant 1.500000e+00 : f32
      %sub3A_489 = vector.broadcast %sub3A_488 : f32 to vector<16xf32>
      %sub3A_490 = arith.subf %sub3A_489, %mul3A_487 : vector<16xf32>
      %mul3A_491 = arith.mulf %mul3A_479, %sub3A_490 : vector<16xf32>
      %mul3A_492 = arith.mulf %mul3A_464, %mul3A_485 : vector<16xf32>
      %mul3A_493 = arith.mulf %mul3A_492, %mul3A_485 : vector<16xf32>
      %sub3A_494 = arith.constant 1.500000e+00 : f32
      %sub3A_495 = vector.broadcast %sub3A_494 : f32 to vector<16xf32>
      %sub3A_496 = arith.subf %sub3A_495, %mul3A_493 : vector<16xf32>
      %mul3A_497 = arith.mulf %mul3A_485, %sub3A_496 : vector<16xf32>
      %mul3A_498 = arith.mulf %mul3A_467, %mul3A_491 : vector<16xf32>
      %mul3A_499 = arith.mulf %mul3A_498, %mul3A_491 : vector<16xf32>
      %sub3A_500 = arith.constant 1.500000e+00 : f32
      %sub3A_501 = vector.broadcast %sub3A_500 : f32 to vector<16xf32>
      %sub3A_502 = arith.subf %sub3A_501, %mul3A_499 : vector<16xf32>
      %mul3A_503 = arith.mulf %mul3A_491, %sub3A_502 : vector<16xf32>
      %mul3A_504 = arith.mulf %mul3A_464, %mul3A_497 : vector<16xf32>
      %mul3A_505 = arith.mulf %mul3A_504, %mul3A_497 : vector<16xf32>
      %sub3A_506 = arith.constant 1.500000e+00 : f32
      %sub3A_507 = vector.broadcast %sub3A_506 : f32 to vector<16xf32>
      %sub3A_508 = arith.subf %sub3A_507, %mul3A_505 : vector<16xf32>
      %mul3A_509 = arith.mulf %mul3A_497, %sub3A_508 : vector<16xf32>
      %mul3A_510 = arith.mulf %mul3A_467, %mul3A_503 : vector<16xf32>
      %mul3A_511 = arith.mulf %mul3A_510, %mul3A_503 : vector<16xf32>
      %sub3A_512 = arith.constant 1.500000e+00 : f32
      %sub3A_513 = vector.broadcast %sub3A_512 : f32 to vector<16xf32>
      %sub3A_514 = arith.subf %sub3A_513, %mul3A_511 : vector<16xf32>
      %mul3A_515 = arith.mulf %mul3A_503, %sub3A_514 : vector<16xf32>
      %broadcast_in_dim3A_516 = vector.broadcast %mul3A_421 : f32 to vector<16xf32>
      %broadcast_in_dim3A_517 = vector.broadcast %mul3A_433 : f32 to vector<16xf32>
      %parallel_loop3A_518 = arith.constant 0 : i32
      %parallel_loop3A_519 = arith.constant 768 : i32
      %parallel_loop3A_520 = arith.constant 16 : i32
      scf.for %parallel_loop3A_521 = %parallel_loop3A_518 to %parallel_loop3A_519 step %parallel_loop3A_520  : i32 {
        %parallel_loop3A_522 = arith.index_cast %parallel_loop3A_521 : i32 to index
        %parallel_loop3A_523 = tpu.vector_load %arg16[%parallel_loop3A_522] {strides = array<i32>} : memref<768xf32, #tpu.memory_space<vmem>>, vector<16xf32>,
        %parallel_loop3A_524 = arith.index_cast %parallel_loop3A_521 : i32 to index
        %parallel_loop3A_525 = tpu.vector_load %arg17[%parallel_loop3A_524] {strides = array<i32>} : memref<768xf32, #tpu.memory_space<vmem>>, vector<16xf32>,
        %parallel_loop3A_526 = arith.index_cast %mul3A_404 : i32 to index
        %parallel_loop3A_527 = arith.index_cast %parallel_loop3A_521 : i32 to index
        %parallel_loop3A_528 = tpu.vector_load %arg12[%parallel_loop3A_526, %parallel_loop3A_527] {strides = array<i32>} : memref<32x768xf32, #tpu.memory_space<vmem>>, vector<16xf32>,
        %parallel_loop3A_529 = arith.index_cast %add3A_406 : i32 to index
        %parallel_loop3A_530 = arith.index_cast %parallel_loop3A_521 : i32 to index
        %parallel_loop3A_531 = tpu.vector_load %arg12[%parallel_loop3A_529, %parallel_loop3A_530] {strides = array<i32>} : memref<32x768xf32, #tpu.memory_space<vmem>>, vector<16xf32>,
        %parallel_loop3A_532 = arith.subf %parallel_loop3A_528, %broadcast_in_dim3A_516 : vector<16xf32>
        %parallel_loop3A_533 = arith.mulf %parallel_loop3A_532, %mul3A_509 : vector<16xf32>
        %parallel_loop3A_534 = arith.mulf %parallel_loop3A_533, %parallel_loop3A_523 : vector<16xf32>
        %parallel_loop3A_535 = arith.addf %parallel_loop3A_534, %parallel_loop3A_525 : vector<16xf32>
        %parallel_loop3A_536 = arith.index_cast %mul3A_404 : i32 to index
        %parallel_loop3A_537 = arith.index_cast %parallel_loop3A_521 : i32 to index
        %parallel_loop3A_538 = tpu.vector_load %arg12[%parallel_loop3A_536, %parallel_loop3A_537] {strides = array<i32>} : memref<32x768xf32, #tpu.memory_space<vmem>>, vector<16xf32>,
        tpu.vector_store %arg12[%parallel_loop3A_536, %parallel_loop3A_537], %parallel_loop3A_535 {strides = array<i32>} : memref<32x768xf32, #tpu.memory_space<vmem>>, vector<16xf32>,
        %parallel_loop3A_539 = arith.subf %parallel_loop3A_531, %broadcast_in_dim3A_517 : vector<16xf32>
        %parallel_loop3A_540 = arith.mulf %parallel_loop3A_539, %mul3A_515 : vector<16xf32>
        %parallel_loop3A_541 = arith.mulf %parallel_loop3A_540, %parallel_loop3A_523 : vector<16xf32>
        %parallel_loop3A_542 = arith.addf %parallel_loop3A_541, %parallel_loop3A_525 : vector<16xf32>
        %parallel_loop3A_543 = arith.index_cast %add3A_406 : i32 to index
        %parallel_loop3A_544 = arith.index_cast %parallel_loop3A_521 : i32 to index
        %parallel_loop3A_545 = tpu.vector_load %arg12[%parallel_loop3A_543, %parallel_loop3A_544] {strides = array<i32>} : memref<32x768xf32, #tpu.memory_space<vmem>>, vector<16xf32>,
        tpu.vector_store %arg12[%parallel_loop3A_543, %parallel_loop3A_544], %parallel_loop3A_542 {strides = array<i32>} : memref<32x768xf32, #tpu.memory_space<vmem>>, vector<16xf32>,
      } {sc.loop_unroll_factor = 4 : i64, sc.parallel_access}
    }
    %scan3A_329 = arith.constant 16 : i32
    %add3A_330 = arith.constant 2 : i32
    %add3A_331 = arith.addi %mul3A_34, %add3A_330 : i32
    %mul3A_332 = arith.constant 512 : i32
    %mul3A_333 = arith.muli %add3A_331, %mul3A_332 : i32
    %add3A_334 = arith.addi %mul3A_333, %mul3A_11 : i32
    %dma_start3A_335 = arith.constant 0 : i32
    %dma_start3A_336 = tpu.memref_slice %arg9[%add3A_334, %dma_start3A_335] : memref<5120x768xf32, #tpu.memory_space<hbm>> -> memref<32x768xf32, #tpu.memory_space<hbm>>
    %dma_start3A_337 = arith.constant 0 : i32
    %dma_start3A_338 = tpu.memref_slice %arg9[%add3A_334, %dma_start3A_337] : memref<5120x768xf32, #tpu.memory_space<hbm>> -> memref<32x768xf32, #tpu.memory_space<hbm>>
    tpu.enqueue_dma source(%arg12 : memref<32x768xf32, #tpu.memory_space<vmem>>) target(%dma_start3A_338 : memref<32x768xf32, #tpu.memory_space<hbm>>) target_semaphore(%arg21 : memref<!tpu.dma_semaphore, #tpu.memory_space<semaphore_mem>>)
    %dma_wait3A_339 = arith.constant 0 : i32
    %dma_wait3A_340 = tpu.memref_slice %arg9[%add3A_334, %dma_wait3A_339] : memref<5120x768xf32, #tpu.memory_space<hbm>> -> memref<32x768xf32, #tpu.memory_space<hbm>>
    %dma_wait3A_341 = arith.constant 0 : i32
    %dma_wait3A_342 = tpu.memref_slice %arg9[%add3A_334, %dma_wait3A_341] : memref<5120x768xf32, #tpu.memory_space<hbm>> -> memref<32x768xf32, #tpu.memory_space<hbm>>
    tpu.wait_dma2 semaphore(%arg21 : memref<!tpu.dma_semaphore, #tpu.memory_space<semaphore_mem>>) src(%arg12 : memref<32x768xf32, #tpu.memory_space<vmem>>) dst(%dma_wait3A_342 : memref<32x768xf32, #tpu.memory_space<hbm>>)
    %dma_start3A_343 = arith.constant 4 : i32
    %dma_start3A_344 = arith.constant 0 : i32
    %dma_start3A_345 = tpu.memref_slice %arg10[%dma_start3A_343, %dma_start3A_344] : memref<5x32xi32, #tpu.memory_space<vmem>> -> memref<1x32xi32, #tpu.memory_space<vmem>>
    %dma_start3A_346 = tpu.memref_squeeze %dma_start3A_345 : memref<1x32xi32, #tpu.memory_space<vmem>> -> memref<32xi32, #tpu.memory_space<vmem>>
    %dma_start3A_347 = arith.constant 0 : i32
    %dma_start3A_348 = arith.constant 0 : i32
    %dma_start3A_349 = tpu.memref_slice %arg4[%dma_start3A_347, %dma_start3A_348] : memref<30522x768xf32, #tpu.memory_space<hbm>> -> memref<30522x768xf32, #tpu.memory_space<hbm>>
    tpu.enqueue_indirect_dma source(%dma_start3A_349 : memref<30522x768xf32, #tpu.memory_space<hbm>>) target(%arg12 : memref<32x768xf32, #tpu.memory_space<vmem>>) offsets(%dma_start3A_346 : memref<32xi32, #tpu.memory_space<vmem>>) semaphore(%arg19 : memref<!tpu.dma_semaphore, #tpu.memory_space<semaphore_mem>>)
    %dma_wait3A_350 = arith.constant 3 : i32
    %dma_wait3A_351 = arith.constant 0 : i32
    %dma_wait3A_352 = tpu.memref_slice %arg10[%dma_wait3A_350, %dma_wait3A_351] : memref<5x32xi32, #tpu.memory_space<vmem>> -> memref<1x32xi32, #tpu.memory_space<vmem>>
    %dma_wait3A_353 = tpu.memref_squeeze %dma_wait3A_352 : memref<1x32xi32, #tpu.memory_space<vmem>> -> memref<32xi32, #tpu.memory_space<vmem>>
    %dma_wait3A_354 = arith.constant 0 : i32
    %dma_wait3A_355 = arith.constant 0 : i32
    %dma_wait3A_356 = tpu.memref_slice %arg4[%dma_wait3A_354, %dma_wait3A_355] : memref<30522x768xf32, #tpu.memory_space<hbm>> -> memref<30522x768xf32, #tpu.memory_space<hbm>>
    tpu.wait_indirect_dma semaphore(%arg20 : memref<!tpu.dma_semaphore, #tpu.memory_space<semaphore_mem>>) src(%dma_wait3A_356 : memref<30522x768xf32, #tpu.memory_space<hbm>>) dst(%arg13 : memref<32x768xf32, #tpu.memory_space<vmem>>)
    %scan3A_357 = arith.constant 0 : i32
    %scan3A_358 = arith.constant 0 : i32
    %scan3A_359 = arith.constant 16 : i32
    %scan3A_360 = arith.addi %scan3A_358, %scan3A_359 : i32
    %scan3A_361 = arith.constant 1 : i32
    scf.for %scan3A_402 = %scan3A_358 to %scan3A_360 step %scan3A_361  : i32 {
      %mul3A_403 = arith.constant 2 : i32
      %mul3A_404 = arith.muli %mul3A_403, %scan3A_402 : i32
      %add3A_405 = arith.constant 1 : i32
      %add3A_406 = arith.addi %mul3A_404, %add3A_405 : i32
      %get3A = arith.constant 3 : i32
      %get3A_407 = arith.index_cast %get3A : i32 to index
      %get3A_408 = arith.index_cast %mul3A_404 : i32 to index
      %get3A_409 = tpu.vector_load %arg11[%get3A_407, %get3A_408] {strides = array<i32>} : memref<5x64xi32, #tpu.memory_space<vmem>>, vector<16xi32>,
      %slice3A = vector.extract_strided_slice %get3A_409 {offsets = [0], sizes = [1], strides = [1]} : vector<16xi32> to vector<1xi32>
      %squeeze3A = vector.extract %slice3A[0] : i32 from vector<1xi32>
      %convert_element_type3A = arith.sitofp %squeeze3A : i32 to f32
      %slice3A_410 = vector.extract_strided_slice %get3A_409 {offsets = [1], sizes = [1], strides = [1]} : vector<16xi32> to vector<1xi32>
      %squeeze3A_411 = vector.extract %slice3A_410[0] : i32 from vector<1xi32>
      %convert_element_type3A_412 = arith.sitofp %squeeze3A_411 : i32 to f32
      %broadcast_in_dim3A = arith.constant 0.000000e+00 : f32
      %broadcast_in_dim3A_413 = vector.broadcast %broadcast_in_dim3A : f32 to vector<16xf32>
      %parallel_loop3A = arith.constant 0 : i32
      %parallel_loop3A_414 = arith.constant 768 : i32
      %parallel_loop3A_415 = arith.constant 16 : i32
      %parallel_loop3A_416:4 = scf.for %parallel_loop3A_521 = %parallel_loop3A to %parallel_loop3A_414 step %parallel_loop3A_415 iter_args(%parallel_loop3A_522 = %broadcast_in_dim3A_413, %parallel_loop3A_523 = %broadcast_in_dim3A_413, %parallel_loop3A_524 = %broadcast_in_dim3A_413, %parallel_loop3A_525 = %broadcast_in_dim3A_413) -> (vector<16xf32>, vector<16xf32>, vector<16xf32>, vector<16xf32>)  : i32 {
        %parallel_loop3A_526 = arith.constant 0 : i32
        %parallel_loop3A_527 = arith.index_cast %parallel_loop3A_526 : i32 to index
        %parallel_loop3A_528 = arith.index_cast %parallel_loop3A_521 : i32 to index
        %parallel_loop3A_529 = tpu.vector_load %arg15[%parallel_loop3A_527, %parallel_loop3A_528] {strides = array<i32>} : memref<2x768xf32, #tpu.memory_space<vmem>>, vector<16xf32>,
        %parallel_loop3A_530 = arith.constant 1 : i32
        %parallel_loop3A_531 = arith.index_cast %parallel_loop3A_530 : i32 to index
        %parallel_loop3A_532 = arith.index_cast %parallel_loop3A_521 : i32 to index
        %parallel_loop3A_533 = tpu.vector_load %arg15[%parallel_loop3A_531, %parallel_loop3A_532] {strides = array<i32>} : memref<2x768xf32, #tpu.memory_space<vmem>>, vector<16xf32>,
        %parallel_loop3A_534 = arith.subf %parallel_loop3A_533, %parallel_loop3A_529 : vector<16xf32>
        %parallel_loop3A_535 = arith.index_cast %mul3A_404 : i32 to index
        %parallel_loop3A_536 = arith.index_cast %parallel_loop3A_521 : i32 to index
        %parallel_loop3A_537 = tpu.vector_load %arg13[%parallel_loop3A_535, %parallel_loop3A_536] {strides = array<i32>} : memref<32x768xf32, #tpu.memory_space<vmem>>, vector<16xf32>,
        %parallel_loop3A_538 = arith.index_cast %mul3A_404 : i32 to index
        %parallel_loop3A_539 = arith.index_cast %parallel_loop3A_521 : i32 to index
        %parallel_loop3A_540 = tpu.vector_load %arg14[%parallel_loop3A_538, %parallel_loop3A_539] {strides = array<i32>} : memref<32x768xf32, #tpu.memory_space<vmem>>, vector<16xf32>,
        %parallel_loop3A_541 = arith.addf %parallel_loop3A_537, %parallel_loop3A_540 : vector<16xf32>
        %parallel_loop3A_542 = arith.addf %parallel_loop3A_541, %parallel_loop3A_529 : vector<16xf32>
        %parallel_loop3A_543 = vector.broadcast %convert_element_type3A : f32 to vector<16xf32>
        %parallel_loop3A_544 = arith.mulf %parallel_loop3A_543, %parallel_loop3A_534 : vector<16xf32>
        %parallel_loop3A_545 = arith.addf %parallel_loop3A_542, %parallel_loop3A_544 : vector<16xf32>
        %parallel_loop3A_546 = arith.index_cast %add3A_406 : i32 to index
        %parallel_loop3A_547 = arith.index_cast %parallel_loop3A_521 : i32 to index
        %parallel_loop3A_548 = tpu.vector_load %arg13[%parallel_loop3A_546, %parallel_loop3A_547] {strides = array<i32>} : memref<32x768xf32, #tpu.memory_space<vmem>>, vector<16xf32>,
        %parallel_loop3A_549 = arith.index_cast %add3A_406 : i32 to index
        %parallel_loop3A_550 = arith.index_cast %parallel_loop3A_521 : i32 to index
        %parallel_loop3A_551 = tpu.vector_load %arg14[%parallel_loop3A_549, %parallel_loop3A_550] {strides = array<i32>} : memref<32x768xf32, #tpu.memory_space<vmem>>, vector<16xf32>,
        %parallel_loop3A_552 = arith.addf %parallel_loop3A_548, %parallel_loop3A_551 : vector<16xf32>
        %parallel_loop3A_553 = arith.addf %parallel_loop3A_552, %parallel_loop3A_529 : vector<16xf32>
        %parallel_loop3A_554 = vector.broadcast %convert_element_type3A_412 : f32 to vector<16xf32>
        %parallel_loop3A_555 = arith.mulf %parallel_loop3A_554, %parallel_loop3A_534 : vector<16xf32>
        %parallel_loop3A_556 = arith.addf %parallel_loop3A_553, %parallel_loop3A_555 : vector<16xf32>
        %parallel_loop3A_557 = arith.index_cast %mul3A_404 : i32 to index
        %parallel_loop3A_558 = arith.index_cast %parallel_loop3A_521 : i32 to index
        %parallel_loop3A_559 = tpu.vector_load %arg13[%parallel_loop3A_557, %parallel_loop3A_558] {strides = array<i32>} : memref<32x768xf32, #tpu.memory_space<vmem>>, vector<16xf32>,
        tpu.vector_store %arg13[%parallel_loop3A_557, %parallel_loop3A_558], %parallel_loop3A_545 {strides = array<i32>} : memref<32x768xf32, #tpu.memory_space<vmem>>, vector<16xf32>,
        %parallel_loop3A_560 = arith.index_cast %add3A_406 : i32 to index
        %parallel_loop3A_561 = arith.index_cast %parallel_loop3A_521 : i32 to index
        %parallel_loop3A_562 = tpu.vector_load %arg13[%parallel_loop3A_560, %parallel_loop3A_561] {strides = array<i32>} : memref<32x768xf32, #tpu.memory_space<vmem>>, vector<16xf32>,
        tpu.vector_store %arg13[%parallel_loop3A_560, %parallel_loop3A_561], %parallel_loop3A_556 {strides = array<i32>} : memref<32x768xf32, #tpu.memory_space<vmem>>, vector<16xf32>,
        %parallel_loop3A_563 = arith.addf %parallel_loop3A_522, %parallel_loop3A_545 : vector<16xf32>
        %parallel_loop3A_564 = arith.mulf %parallel_loop3A_545, %parallel_loop3A_545 : vector<16xf32>
        %parallel_loop3A_565 = arith.addf %parallel_loop3A_523, %parallel_loop3A_564 : vector<16xf32>
        %parallel_loop3A_566 = arith.addf %parallel_loop3A_524, %parallel_loop3A_556 : vector<16xf32>
        %parallel_loop3A_567 = arith.mulf %parallel_loop3A_556, %parallel_loop3A_556 : vector<16xf32>
        %parallel_loop3A_568 = arith.addf %parallel_loop3A_525, %parallel_loop3A_567 : vector<16xf32>
        scf.yield %parallel_loop3A_563, %parallel_loop3A_565, %parallel_loop3A_566, %parallel_loop3A_568 : vector<16xf32>, vector<16xf32>, vector<16xf32>, vector<16xf32>
      } {sc.loop_unroll_factor = 4 : i64, sc.parallel_access}
      %reduce_sum3A = arith.constant true
      %reduce_sum3A_417 = vector.broadcast %reduce_sum3A : i1 to vector<16xi1>
      %reduce_sum3A_418 = tpu.scan <sum>, %parallel_loop3A_416#0 masked %reduce_sum3A_417 : vector<16xf32>, vector<16xi1> -> vector<16xf32>
      %reduce_sum3A_419 = vector.extract %reduce_sum3A_418[15] : f32 from vector<16xf32>
      %mul3A_420 = arith.constant 0.00130208337 : f32
      %mul3A_421 = arith.mulf %reduce_sum3A_419, %mul3A_420 : f32
      %reduce_sum3A_422 = arith.constant true
      %reduce_sum3A_423 = vector.broadcast %reduce_sum3A_422 : i1 to vector<16xi1>
      %reduce_sum3A_424 = tpu.scan <sum>, %parallel_loop3A_416#1 masked %reduce_sum3A_423 : vector<16xf32>, vector<16xi1> -> vector<16xf32>
      %reduce_sum3A_425 = vector.extract %reduce_sum3A_424[15] : f32 from vector<16xf32>
      %mul3A_426 = arith.constant 0.00130208337 : f32
      %mul3A_427 = arith.mulf %reduce_sum3A_425, %mul3A_426 : f32
      %reduce_sum3A_428 = arith.constant true
      %reduce_sum3A_429 = vector.broadcast %reduce_sum3A_428 : i1 to vector<16xi1>
      %reduce_sum3A_430 = tpu.scan <sum>, %parallel_loop3A_416#2 masked %reduce_sum3A_429 : vector<16xf32>, vector<16xi1> -> vector<16xf32>
      %reduce_sum3A_431 = vector.extract %reduce_sum3A_430[15] : f32 from vector<16xf32>
      %mul3A_432 = arith.constant 0.00130208337 : f32
      %mul3A_433 = arith.mulf %reduce_sum3A_431, %mul3A_432 : f32
      %reduce_sum3A_434 = arith.constant true
      %reduce_sum3A_435 = vector.broadcast %reduce_sum3A_434 : i1 to vector<16xi1>
      %reduce_sum3A_436 = tpu.scan <sum>, %parallel_loop3A_416#3 masked %reduce_sum3A_435 : vector<16xf32>, vector<16xi1> -> vector<16xf32>
      %reduce_sum3A_437 = vector.extract %reduce_sum3A_436[15] : f32 from vector<16xf32>
      %mul3A_438 = arith.constant 0.00130208337 : f32
      %mul3A_439 = arith.mulf %reduce_sum3A_437, %mul3A_438 : f32
      %mul3A_440 = arith.mulf %mul3A_421, %mul3A_421 : f32
      %sub3A_441 = arith.subf %mul3A_427, %mul3A_440 : f32
      %add3A_442 = arith.constant 9.99999974E-6 : f32
      %add3A_443 = arith.addf %sub3A_441, %add3A_442 : f32
      %mul3A_444 = arith.mulf %mul3A_433, %mul3A_433 : f32
      %sub3A_445 = arith.subf %mul3A_439, %mul3A_444 : f32
      %add3A_446 = arith.constant 9.99999974E-6 : f32
      %add3A_447 = arith.addf %sub3A_445, %add3A_446 : f32
      %broadcast_in_dim3A_448 = vector.broadcast %add3A_443 : f32 to vector<16xf32>
      %broadcast_in_dim3A_449 = vector.broadcast %add3A_447 : f32 to vector<16xf32>
      %broadcast_in_dim3A_450 = arith.constant 1597463007 : i32
      %broadcast_in_dim3A_451 = vector.broadcast %broadcast_in_dim3A_450 : i32 to vector<16xi32>
      %bitcast3A = vector.bitcast %broadcast_in_dim3A_448 : vector<16xf32> to vector<16xi32>
      %shift_right_arithmetic3A = arith.constant 1 : i32
      %shift_right_arithmetic3A_452 = vector.broadcast %shift_right_arithmetic3A : i32 to vector<16xi32>
      %shift_right_arithmetic3A_453 = arith.shrsi %bitcast3A, %shift_right_arithmetic3A_452 : vector<16xi32>
      %sub3A_454 = arith.subi %broadcast_in_dim3A_451, %shift_right_arithmetic3A_453 : vector<16xi32>
      %bitcast3A_455 = vector.bitcast %sub3A_454 : vector<16xi32> to vector<16xf32>
      %bitcast3A_456 = vector.bitcast %broadcast_in_dim3A_449 : vector<16xf32> to vector<16xi32>
      %shift_right_arithmetic3A_457 = arith.constant 1 : i32
      %shift_right_arithmetic3A_458 = vector.broadcast %shift_right_arithmetic3A_457 : i32 to vector<16xi32>
      %shift_right_arithmetic3A_459 = arith.shrsi %bitcast3A_456, %shift_right_arithmetic3A_458 : vector<16xi32>
      %sub3A_460 = arith.subi %broadcast_in_dim3A_451, %shift_right_arithmetic3A_459 : vector<16xi32>
      %bitcast3A_461 = vector.bitcast %sub3A_460 : vector<16xi32> to vector<16xf32>
      %mul3A_462 = arith.constant 5.000000e-01 : f32
      %mul3A_463 = vector.broadcast %mul3A_462 : f32 to vector<16xf32>
      %mul3A_464 = arith.mulf %mul3A_463, %broadcast_in_dim3A_448 : vector<16xf32>
      %mul3A_465 = arith.constant 5.000000e-01 : f32
      %mul3A_466 = vector.broadcast %mul3A_465 : f32 to vector<16xf32>
      %mul3A_467 = arith.mulf %mul3A_466, %broadcast_in_dim3A_449 : vector<16xf32>
      %mul3A_468 = arith.mulf %mul3A_464, %bitcast3A_455 : vector<16xf32>
      %mul3A_469 = arith.mulf %mul3A_468, %bitcast3A_455 : vector<16xf32>
      %sub3A_470 = arith.constant 1.500000e+00 : f32
      %sub3A_471 = vector.broadcast %sub3A_470 : f32 to vector<16xf32>
      %sub3A_472 = arith.subf %sub3A_471, %mul3A_469 : vector<16xf32>
      %mul3A_473 = arith.mulf %bitcast3A_455, %sub3A_472 : vector<16xf32>
      %mul3A_474 = arith.mulf %mul3A_467, %bitcast3A_461 : vector<16xf32>
      %mul3A_475 = arith.mulf %mul3A_474, %bitcast3A_461 : vector<16xf32>
      %sub3A_476 = arith.constant 1.500000e+00 : f32
      %sub3A_477 = vector.broadcast %sub3A_476 : f32 to vector<16xf32>
      %sub3A_478 = arith.subf %sub3A_477, %mul3A_475 : vector<16xf32>
      %mul3A_479 = arith.mulf %bitcast3A_461, %sub3A_478 : vector<16xf32>
      %mul3A_480 = arith.mulf %mul3A_464, %mul3A_473 : vector<16xf32>
      %mul3A_481 = arith.mulf %mul3A_480, %mul3A_473 : vector<16xf32>
      %sub3A_482 = arith.constant 1.500000e+00 : f32
      %sub3A_483 = vector.broadcast %sub3A_482 : f32 to vector<16xf32>
      %sub3A_484 = arith.subf %sub3A_483, %mul3A_481 : vector<16xf32>
      %mul3A_485 = arith.mulf %mul3A_473, %sub3A_484 : vector<16xf32>
      %mul3A_486 = arith.mulf %mul3A_467, %mul3A_479 : vector<16xf32>
      %mul3A_487 = arith.mulf %mul3A_486, %mul3A_479 : vector<16xf32>
      %sub3A_488 = arith.constant 1.500000e+00 : f32
      %sub3A_489 = vector.broadcast %sub3A_488 : f32 to vector<16xf32>
      %sub3A_490 = arith.subf %sub3A_489, %mul3A_487 : vector<16xf32>
      %mul3A_491 = arith.mulf %mul3A_479, %sub3A_490 : vector<16xf32>
      %mul3A_492 = arith.mulf %mul3A_464, %mul3A_485 : vector<16xf32>
      %mul3A_493 = arith.mulf %mul3A_492, %mul3A_485 : vector<16xf32>
      %sub3A_494 = arith.constant 1.500000e+00 : f32
      %sub3A_495 = vector.broadcast %sub3A_494 : f32 to vector<16xf32>
      %sub3A_496 = arith.subf %sub3A_495, %mul3A_493 : vector<16xf32>
      %mul3A_497 = arith.mulf %mul3A_485, %sub3A_496 : vector<16xf32>
      %mul3A_498 = arith.mulf %mul3A_467, %mul3A_491 : vector<16xf32>
      %mul3A_499 = arith.mulf %mul3A_498, %mul3A_491 : vector<16xf32>
      %sub3A_500 = arith.constant 1.500000e+00 : f32
      %sub3A_501 = vector.broadcast %sub3A_500 : f32 to vector<16xf32>
      %sub3A_502 = arith.subf %sub3A_501, %mul3A_499 : vector<16xf32>
      %mul3A_503 = arith.mulf %mul3A_491, %sub3A_502 : vector<16xf32>
      %mul3A_504 = arith.mulf %mul3A_464, %mul3A_497 : vector<16xf32>
      %mul3A_505 = arith.mulf %mul3A_504, %mul3A_497 : vector<16xf32>
      %sub3A_506 = arith.constant 1.500000e+00 : f32
      %sub3A_507 = vector.broadcast %sub3A_506 : f32 to vector<16xf32>
      %sub3A_508 = arith.subf %sub3A_507, %mul3A_505 : vector<16xf32>
      %mul3A_509 = arith.mulf %mul3A_497, %sub3A_508 : vector<16xf32>
      %mul3A_510 = arith.mulf %mul3A_467, %mul3A_503 : vector<16xf32>
      %mul3A_511 = arith.mulf %mul3A_510, %mul3A_503 : vector<16xf32>
      %sub3A_512 = arith.constant 1.500000e+00 : f32
      %sub3A_513 = vector.broadcast %sub3A_512 : f32 to vector<16xf32>
      %sub3A_514 = arith.subf %sub3A_513, %mul3A_511 : vector<16xf32>
      %mul3A_515 = arith.mulf %mul3A_503, %sub3A_514 : vector<16xf32>
      %broadcast_in_dim3A_516 = vector.broadcast %mul3A_421 : f32 to vector<16xf32>
      %broadcast_in_dim3A_517 = vector.broadcast %mul3A_433 : f32 to vector<16xf32>
      %parallel_loop3A_518 = arith.constant 0 : i32
      %parallel_loop3A_519 = arith.constant 768 : i32
      %parallel_loop3A_520 = arith.constant 16 : i32
      scf.for %parallel_loop3A_521 = %parallel_loop3A_518 to %parallel_loop3A_519 step %parallel_loop3A_520  : i32 {
        %parallel_loop3A_522 = arith.index_cast %parallel_loop3A_521 : i32 to index
        %parallel_loop3A_523 = tpu.vector_load %arg16[%parallel_loop3A_522] {strides = array<i32>} : memref<768xf32, #tpu.memory_space<vmem>>, vector<16xf32>,
        %parallel_loop3A_524 = arith.index_cast %parallel_loop3A_521 : i32 to index
        %parallel_loop3A_525 = tpu.vector_load %arg17[%parallel_loop3A_524] {strides = array<i32>} : memref<768xf32, #tpu.memory_space<vmem>>, vector<16xf32>,
        %parallel_loop3A_526 = arith.index_cast %mul3A_404 : i32 to index
        %parallel_loop3A_527 = arith.index_cast %parallel_loop3A_521 : i32 to index
        %parallel_loop3A_528 = tpu.vector_load %arg13[%parallel_loop3A_526, %parallel_loop3A_527] {strides = array<i32>} : memref<32x768xf32, #tpu.memory_space<vmem>>, vector<16xf32>,
        %parallel_loop3A_529 = arith.index_cast %add3A_406 : i32 to index
        %parallel_loop3A_530 = arith.index_cast %parallel_loop3A_521 : i32 to index
        %parallel_loop3A_531 = tpu.vector_load %arg13[%parallel_loop3A_529, %parallel_loop3A_530] {strides = array<i32>} : memref<32x768xf32, #tpu.memory_space<vmem>>, vector<16xf32>,
        %parallel_loop3A_532 = arith.subf %parallel_loop3A_528, %broadcast_in_dim3A_516 : vector<16xf32>
        %parallel_loop3A_533 = arith.mulf %parallel_loop3A_532, %mul3A_509 : vector<16xf32>
        %parallel_loop3A_534 = arith.mulf %parallel_loop3A_533, %parallel_loop3A_523 : vector<16xf32>
        %parallel_loop3A_535 = arith.addf %parallel_loop3A_534, %parallel_loop3A_525 : vector<16xf32>
        %parallel_loop3A_536 = arith.index_cast %mul3A_404 : i32 to index
        %parallel_loop3A_537 = arith.index_cast %parallel_loop3A_521 : i32 to index
        %parallel_loop3A_538 = tpu.vector_load %arg13[%parallel_loop3A_536, %parallel_loop3A_537] {strides = array<i32>} : memref<32x768xf32, #tpu.memory_space<vmem>>, vector<16xf32>,
        tpu.vector_store %arg13[%parallel_loop3A_536, %parallel_loop3A_537], %parallel_loop3A_535 {strides = array<i32>} : memref<32x768xf32, #tpu.memory_space<vmem>>, vector<16xf32>,
        %parallel_loop3A_539 = arith.subf %parallel_loop3A_531, %broadcast_in_dim3A_517 : vector<16xf32>
        %parallel_loop3A_540 = arith.mulf %parallel_loop3A_539, %mul3A_515 : vector<16xf32>
        %parallel_loop3A_541 = arith.mulf %parallel_loop3A_540, %parallel_loop3A_523 : vector<16xf32>
        %parallel_loop3A_542 = arith.addf %parallel_loop3A_541, %parallel_loop3A_525 : vector<16xf32>
        %parallel_loop3A_543 = arith.index_cast %add3A_406 : i32 to index
        %parallel_loop3A_544 = arith.index_cast %parallel_loop3A_521 : i32 to index
        %parallel_loop3A_545 = tpu.vector_load %arg13[%parallel_loop3A_543, %parallel_loop3A_544] {strides = array<i32>} : memref<32x768xf32, #tpu.memory_space<vmem>>, vector<16xf32>,
        tpu.vector_store %arg13[%parallel_loop3A_543, %parallel_loop3A_544], %parallel_loop3A_542 {strides = array<i32>} : memref<32x768xf32, #tpu.memory_space<vmem>>, vector<16xf32>,
      } {sc.loop_unroll_factor = 4 : i64, sc.parallel_access}
    }
    %scan3A_362 = arith.constant 16 : i32
    %add3A_363 = arith.constant 3 : i32
    %add3A_364 = arith.addi %mul3A_34, %add3A_363 : i32
    %mul3A_365 = arith.constant 512 : i32
    %mul3A_366 = arith.muli %add3A_364, %mul3A_365 : i32
    %add3A_367 = arith.addi %mul3A_366, %mul3A_11 : i32
    %dma_start3A_368 = arith.constant 0 : i32
    %dma_start3A_369 = tpu.memref_slice %arg9[%add3A_367, %dma_start3A_368] : memref<5120x768xf32, #tpu.memory_space<hbm>> -> memref<32x768xf32, #tpu.memory_space<hbm>>
    %dma_start3A_370 = arith.constant 0 : i32
    %dma_start3A_371 = tpu.memref_slice %arg9[%add3A_367, %dma_start3A_370] : memref<5120x768xf32, #tpu.memory_space<hbm>> -> memref<32x768xf32, #tpu.memory_space<hbm>>
    tpu.enqueue_dma source(%arg13 : memref<32x768xf32, #tpu.memory_space<vmem>>) target(%dma_start3A_371 : memref<32x768xf32, #tpu.memory_space<hbm>>) target_semaphore(%arg22 : memref<!tpu.dma_semaphore, #tpu.memory_space<semaphore_mem>>)
    %dma_wait3A_372 = arith.constant 4 : i32
    %dma_wait3A_373 = arith.constant 0 : i32
    %dma_wait3A_374 = tpu.memref_slice %arg10[%dma_wait3A_372, %dma_wait3A_373] : memref<5x32xi32, #tpu.memory_space<vmem>> -> memref<1x32xi32, #tpu.memory_space<vmem>>
    %dma_wait3A_375 = tpu.memref_squeeze %dma_wait3A_374 : memref<1x32xi32, #tpu.memory_space<vmem>> -> memref<32xi32, #tpu.memory_space<vmem>>
    %dma_wait3A_376 = arith.constant 0 : i32
    %dma_wait3A_377 = arith.constant 0 : i32
    %dma_wait3A_378 = tpu.memref_slice %arg4[%dma_wait3A_376, %dma_wait3A_377] : memref<30522x768xf32, #tpu.memory_space<hbm>> -> memref<30522x768xf32, #tpu.memory_space<hbm>>
    tpu.wait_indirect_dma semaphore(%arg19 : memref<!tpu.dma_semaphore, #tpu.memory_space<semaphore_mem>>) src(%dma_wait3A_378 : memref<30522x768xf32, #tpu.memory_space<hbm>>) dst(%arg12 : memref<32x768xf32, #tpu.memory_space<vmem>>)
    %scan3A_379 = arith.constant 0 : i32
    %scan3A_380 = arith.constant 0 : i32
    %scan3A_381 = arith.constant 16 : i32
    %scan3A_382 = arith.addi %scan3A_380, %scan3A_381 : i32
    %scan3A_383 = arith.constant 1 : i32
    scf.for %scan3A_402 = %scan3A_380 to %scan3A_382 step %scan3A_383  : i32 {
      %mul3A_403 = arith.constant 2 : i32
      %mul3A_404 = arith.muli %mul3A_403, %scan3A_402 : i32
      %add3A_405 = arith.constant 1 : i32
      %add3A_406 = arith.addi %mul3A_404, %add3A_405 : i32
      %get3A = arith.constant 4 : i32
      %get3A_407 = arith.index_cast %get3A : i32 to index
      %get3A_408 = arith.index_cast %mul3A_404 : i32 to index
      %get3A_409 = tpu.vector_load %arg11[%get3A_407, %get3A_408] {strides = array<i32>} : memref<5x64xi32, #tpu.memory_space<vmem>>, vector<16xi32>,
      %slice3A = vector.extract_strided_slice %get3A_409 {offsets = [0], sizes = [1], strides = [1]} : vector<16xi32> to vector<1xi32>
      %squeeze3A = vector.extract %slice3A[0] : i32 from vector<1xi32>
      %convert_element_type3A = arith.sitofp %squeeze3A : i32 to f32
      %slice3A_410 = vector.extract_strided_slice %get3A_409 {offsets = [1], sizes = [1], strides = [1]} : vector<16xi32> to vector<1xi32>
      %squeeze3A_411 = vector.extract %slice3A_410[0] : i32 from vector<1xi32>
      %convert_element_type3A_412 = arith.sitofp %squeeze3A_411 : i32 to f32
      %broadcast_in_dim3A = arith.constant 0.000000e+00 : f32
      %broadcast_in_dim3A_413 = vector.broadcast %broadcast_in_dim3A : f32 to vector<16xf32>
      %parallel_loop3A = arith.constant 0 : i32
      %parallel_loop3A_414 = arith.constant 768 : i32
      %parallel_loop3A_415 = arith.constant 16 : i32
      %parallel_loop3A_416:4 = scf.for %parallel_loop3A_521 = %parallel_loop3A to %parallel_loop3A_414 step %parallel_loop3A_415 iter_args(%parallel_loop3A_522 = %broadcast_in_dim3A_413, %parallel_loop3A_523 = %broadcast_in_dim3A_413, %parallel_loop3A_524 = %broadcast_in_dim3A_413, %parallel_loop3A_525 = %broadcast_in_dim3A_413) -> (vector<16xf32>, vector<16xf32>, vector<16xf32>, vector<16xf32>)  : i32 {
        %parallel_loop3A_526 = arith.constant 0 : i32
        %parallel_loop3A_527 = arith.index_cast %parallel_loop3A_526 : i32 to index
        %parallel_loop3A_528 = arith.index_cast %parallel_loop3A_521 : i32 to index
        %parallel_loop3A_529 = tpu.vector_load %arg15[%parallel_loop3A_527, %parallel_loop3A_528] {strides = array<i32>} : memref<2x768xf32, #tpu.memory_space<vmem>>, vector<16xf32>,
        %parallel_loop3A_530 = arith.constant 1 : i32
        %parallel_loop3A_531 = arith.index_cast %parallel_loop3A_530 : i32 to index
        %parallel_loop3A_532 = arith.index_cast %parallel_loop3A_521 : i32 to index
        %parallel_loop3A_533 = tpu.vector_load %arg15[%parallel_loop3A_531, %parallel_loop3A_532] {strides = array<i32>} : memref<2x768xf32, #tpu.memory_space<vmem>>, vector<16xf32>,
        %parallel_loop3A_534 = arith.subf %parallel_loop3A_533, %parallel_loop3A_529 : vector<16xf32>
        %parallel_loop3A_535 = arith.index_cast %mul3A_404 : i32 to index
        %parallel_loop3A_536 = arith.index_cast %parallel_loop3A_521 : i32 to index
        %parallel_loop3A_537 = tpu.vector_load %arg12[%parallel_loop3A_535, %parallel_loop3A_536] {strides = array<i32>} : memref<32x768xf32, #tpu.memory_space<vmem>>, vector<16xf32>,
        %parallel_loop3A_538 = arith.index_cast %mul3A_404 : i32 to index
        %parallel_loop3A_539 = arith.index_cast %parallel_loop3A_521 : i32 to index
        %parallel_loop3A_540 = tpu.vector_load %arg14[%parallel_loop3A_538, %parallel_loop3A_539] {strides = array<i32>} : memref<32x768xf32, #tpu.memory_space<vmem>>, vector<16xf32>,
        %parallel_loop3A_541 = arith.addf %parallel_loop3A_537, %parallel_loop3A_540 : vector<16xf32>
        %parallel_loop3A_542 = arith.addf %parallel_loop3A_541, %parallel_loop3A_529 : vector<16xf32>
        %parallel_loop3A_543 = vector.broadcast %convert_element_type3A : f32 to vector<16xf32>
        %parallel_loop3A_544 = arith.mulf %parallel_loop3A_543, %parallel_loop3A_534 : vector<16xf32>
        %parallel_loop3A_545 = arith.addf %parallel_loop3A_542, %parallel_loop3A_544 : vector<16xf32>
        %parallel_loop3A_546 = arith.index_cast %add3A_406 : i32 to index
        %parallel_loop3A_547 = arith.index_cast %parallel_loop3A_521 : i32 to index
        %parallel_loop3A_548 = tpu.vector_load %arg12[%parallel_loop3A_546, %parallel_loop3A_547] {strides = array<i32>} : memref<32x768xf32, #tpu.memory_space<vmem>>, vector<16xf32>,
        %parallel_loop3A_549 = arith.index_cast %add3A_406 : i32 to index
        %parallel_loop3A_550 = arith.index_cast %parallel_loop3A_521 : i32 to index
        %parallel_loop3A_551 = tpu.vector_load %arg14[%parallel_loop3A_549, %parallel_loop3A_550] {strides = array<i32>} : memref<32x768xf32, #tpu.memory_space<vmem>>, vector<16xf32>,
        %parallel_loop3A_552 = arith.addf %parallel_loop3A_548, %parallel_loop3A_551 : vector<16xf32>
        %parallel_loop3A_553 = arith.addf %parallel_loop3A_552, %parallel_loop3A_529 : vector<16xf32>
        %parallel_loop3A_554 = vector.broadcast %convert_element_type3A_412 : f32 to vector<16xf32>
        %parallel_loop3A_555 = arith.mulf %parallel_loop3A_554, %parallel_loop3A_534 : vector<16xf32>
        %parallel_loop3A_556 = arith.addf %parallel_loop3A_553, %parallel_loop3A_555 : vector<16xf32>
        %parallel_loop3A_557 = arith.index_cast %mul3A_404 : i32 to index
        %parallel_loop3A_558 = arith.index_cast %parallel_loop3A_521 : i32 to index
        %parallel_loop3A_559 = tpu.vector_load %arg12[%parallel_loop3A_557, %parallel_loop3A_558] {strides = array<i32>} : memref<32x768xf32, #tpu.memory_space<vmem>>, vector<16xf32>,
        tpu.vector_store %arg12[%parallel_loop3A_557, %parallel_loop3A_558], %parallel_loop3A_545 {strides = array<i32>} : memref<32x768xf32, #tpu.memory_space<vmem>>, vector<16xf32>,
        %parallel_loop3A_560 = arith.index_cast %add3A_406 : i32 to index
        %parallel_loop3A_561 = arith.index_cast %parallel_loop3A_521 : i32 to index
        %parallel_loop3A_562 = tpu.vector_load %arg12[%parallel_loop3A_560, %parallel_loop3A_561] {strides = array<i32>} : memref<32x768xf32, #tpu.memory_space<vmem>>, vector<16xf32>,
        tpu.vector_store %arg12[%parallel_loop3A_560, %parallel_loop3A_561], %parallel_loop3A_556 {strides = array<i32>} : memref<32x768xf32, #tpu.memory_space<vmem>>, vector<16xf32>,
        %parallel_loop3A_563 = arith.addf %parallel_loop3A_522, %parallel_loop3A_545 : vector<16xf32>
        %parallel_loop3A_564 = arith.mulf %parallel_loop3A_545, %parallel_loop3A_545 : vector<16xf32>
        %parallel_loop3A_565 = arith.addf %parallel_loop3A_523, %parallel_loop3A_564 : vector<16xf32>
        %parallel_loop3A_566 = arith.addf %parallel_loop3A_524, %parallel_loop3A_556 : vector<16xf32>
        %parallel_loop3A_567 = arith.mulf %parallel_loop3A_556, %parallel_loop3A_556 : vector<16xf32>
        %parallel_loop3A_568 = arith.addf %parallel_loop3A_525, %parallel_loop3A_567 : vector<16xf32>
        scf.yield %parallel_loop3A_563, %parallel_loop3A_565, %parallel_loop3A_566, %parallel_loop3A_568 : vector<16xf32>, vector<16xf32>, vector<16xf32>, vector<16xf32>
      } {sc.loop_unroll_factor = 4 : i64, sc.parallel_access}
      %reduce_sum3A = arith.constant true
      %reduce_sum3A_417 = vector.broadcast %reduce_sum3A : i1 to vector<16xi1>
      %reduce_sum3A_418 = tpu.scan <sum>, %parallel_loop3A_416#0 masked %reduce_sum3A_417 : vector<16xf32>, vector<16xi1> -> vector<16xf32>
      %reduce_sum3A_419 = vector.extract %reduce_sum3A_418[15] : f32 from vector<16xf32>
      %mul3A_420 = arith.constant 0.00130208337 : f32
      %mul3A_421 = arith.mulf %reduce_sum3A_419, %mul3A_420 : f32
      %reduce_sum3A_422 = arith.constant true
      %reduce_sum3A_423 = vector.broadcast %reduce_sum3A_422 : i1 to vector<16xi1>
      %reduce_sum3A_424 = tpu.scan <sum>, %parallel_loop3A_416#1 masked %reduce_sum3A_423 : vector<16xf32>, vector<16xi1> -> vector<16xf32>
      %reduce_sum3A_425 = vector.extract %reduce_sum3A_424[15] : f32 from vector<16xf32>
      %mul3A_426 = arith.constant 0.00130208337 : f32
      %mul3A_427 = arith.mulf %reduce_sum3A_425, %mul3A_426 : f32
      %reduce_sum3A_428 = arith.constant true
      %reduce_sum3A_429 = vector.broadcast %reduce_sum3A_428 : i1 to vector<16xi1>
      %reduce_sum3A_430 = tpu.scan <sum>, %parallel_loop3A_416#2 masked %reduce_sum3A_429 : vector<16xf32>, vector<16xi1> -> vector<16xf32>
      %reduce_sum3A_431 = vector.extract %reduce_sum3A_430[15] : f32 from vector<16xf32>
      %mul3A_432 = arith.constant 0.00130208337 : f32
      %mul3A_433 = arith.mulf %reduce_sum3A_431, %mul3A_432 : f32
      %reduce_sum3A_434 = arith.constant true
      %reduce_sum3A_435 = vector.broadcast %reduce_sum3A_434 : i1 to vector<16xi1>
      %reduce_sum3A_436 = tpu.scan <sum>, %parallel_loop3A_416#3 masked %reduce_sum3A_435 : vector<16xf32>, vector<16xi1> -> vector<16xf32>
      %reduce_sum3A_437 = vector.extract %reduce_sum3A_436[15] : f32 from vector<16xf32>
      %mul3A_438 = arith.constant 0.00130208337 : f32
      %mul3A_439 = arith.mulf %reduce_sum3A_437, %mul3A_438 : f32
      %mul3A_440 = arith.mulf %mul3A_421, %mul3A_421 : f32
      %sub3A_441 = arith.subf %mul3A_427, %mul3A_440 : f32
      %add3A_442 = arith.constant 9.99999974E-6 : f32
      %add3A_443 = arith.addf %sub3A_441, %add3A_442 : f32
      %mul3A_444 = arith.mulf %mul3A_433, %mul3A_433 : f32
      %sub3A_445 = arith.subf %mul3A_439, %mul3A_444 : f32
      %add3A_446 = arith.constant 9.99999974E-6 : f32
      %add3A_447 = arith.addf %sub3A_445, %add3A_446 : f32
      %broadcast_in_dim3A_448 = vector.broadcast %add3A_443 : f32 to vector<16xf32>
      %broadcast_in_dim3A_449 = vector.broadcast %add3A_447 : f32 to vector<16xf32>
      %broadcast_in_dim3A_450 = arith.constant 1597463007 : i32
      %broadcast_in_dim3A_451 = vector.broadcast %broadcast_in_dim3A_450 : i32 to vector<16xi32>
      %bitcast3A = vector.bitcast %broadcast_in_dim3A_448 : vector<16xf32> to vector<16xi32>
      %shift_right_arithmetic3A = arith.constant 1 : i32
      %shift_right_arithmetic3A_452 = vector.broadcast %shift_right_arithmetic3A : i32 to vector<16xi32>
      %shift_right_arithmetic3A_453 = arith.shrsi %bitcast3A, %shift_right_arithmetic3A_452 : vector<16xi32>
      %sub3A_454 = arith.subi %broadcast_in_dim3A_451, %shift_right_arithmetic3A_453 : vector<16xi32>
      %bitcast3A_455 = vector.bitcast %sub3A_454 : vector<16xi32> to vector<16xf32>
      %bitcast3A_456 = vector.bitcast %broadcast_in_dim3A_449 : vector<16xf32> to vector<16xi32>
      %shift_right_arithmetic3A_457 = arith.constant 1 : i32
      %shift_right_arithmetic3A_458 = vector.broadcast %shift_right_arithmetic3A_457 : i32 to vector<16xi32>
      %shift_right_arithmetic3A_459 = arith.shrsi %bitcast3A_456, %shift_right_arithmetic3A_458 : vector<16xi32>
      %sub3A_460 = arith.subi %broadcast_in_dim3A_451, %shift_right_arithmetic3A_459 : vector<16xi32>
      %bitcast3A_461 = vector.bitcast %sub3A_460 : vector<16xi32> to vector<16xf32>
      %mul3A_462 = arith.constant 5.000000e-01 : f32
      %mul3A_463 = vector.broadcast %mul3A_462 : f32 to vector<16xf32>
      %mul3A_464 = arith.mulf %mul3A_463, %broadcast_in_dim3A_448 : vector<16xf32>
      %mul3A_465 = arith.constant 5.000000e-01 : f32
      %mul3A_466 = vector.broadcast %mul3A_465 : f32 to vector<16xf32>
      %mul3A_467 = arith.mulf %mul3A_466, %broadcast_in_dim3A_449 : vector<16xf32>
      %mul3A_468 = arith.mulf %mul3A_464, %bitcast3A_455 : vector<16xf32>
      %mul3A_469 = arith.mulf %mul3A_468, %bitcast3A_455 : vector<16xf32>
      %sub3A_470 = arith.constant 1.500000e+00 : f32
      %sub3A_471 = vector.broadcast %sub3A_470 : f32 to vector<16xf32>
      %sub3A_472 = arith.subf %sub3A_471, %mul3A_469 : vector<16xf32>
      %mul3A_473 = arith.mulf %bitcast3A_455, %sub3A_472 : vector<16xf32>
      %mul3A_474 = arith.mulf %mul3A_467, %bitcast3A_461 : vector<16xf32>
      %mul3A_475 = arith.mulf %mul3A_474, %bitcast3A_461 : vector<16xf32>
      %sub3A_476 = arith.constant 1.500000e+00 : f32
      %sub3A_477 = vector.broadcast %sub3A_476 : f32 to vector<16xf32>
      %sub3A_478 = arith.subf %sub3A_477, %mul3A_475 : vector<16xf32>
      %mul3A_479 = arith.mulf %bitcast3A_461, %sub3A_478 : vector<16xf32>
      %mul3A_480 = arith.mulf %mul3A_464, %mul3A_473 : vector<16xf32>
      %mul3A_481 = arith.mulf %mul3A_480, %mul3A_473 : vector<16xf32>
      %sub3A_482 = arith.constant 1.500000e+00 : f32
      %sub3A_483 = vector.broadcast %sub3A_482 : f32 to vector<16xf32>
      %sub3A_484 = arith.subf %sub3A_483, %mul3A_481 : vector<16xf32>
      %mul3A_485 = arith.mulf %mul3A_473, %sub3A_484 : vector<16xf32>
      %mul3A_486 = arith.mulf %mul3A_467, %mul3A_479 : vector<16xf32>
      %mul3A_487 = arith.mulf %mul3A_486, %mul3A_479 : vector<16xf32>
      %sub3A_488 = arith.constant 1.500000e+00 : f32
      %sub3A_489 = vector.broadcast %sub3A_488 : f32 to vector<16xf32>
      %sub3A_490 = arith.subf %sub3A_489, %mul3A_487 : vector<16xf32>
      %mul3A_491 = arith.mulf %mul3A_479, %sub3A_490 : vector<16xf32>
      %mul3A_492 = arith.mulf %mul3A_464, %mul3A_485 : vector<16xf32>
      %mul3A_493 = arith.mulf %mul3A_492, %mul3A_485 : vector<16xf32>
      %sub3A_494 = arith.constant 1.500000e+00 : f32
      %sub3A_495 = vector.broadcast %sub3A_494 : f32 to vector<16xf32>
      %sub3A_496 = arith.subf %sub3A_495, %mul3A_493 : vector<16xf32>
      %mul3A_497 = arith.mulf %mul3A_485, %sub3A_496 : vector<16xf32>
      %mul3A_498 = arith.mulf %mul3A_467, %mul3A_491 : vector<16xf32>
      %mul3A_499 = arith.mulf %mul3A_498, %mul3A_491 : vector<16xf32>
      %sub3A_500 = arith.constant 1.500000e+00 : f32
      %sub3A_501 = vector.broadcast %sub3A_500 : f32 to vector<16xf32>
      %sub3A_502 = arith.subf %sub3A_501, %mul3A_499 : vector<16xf32>
      %mul3A_503 = arith.mulf %mul3A_491, %sub3A_502 : vector<16xf32>
      %mul3A_504 = arith.mulf %mul3A_464, %mul3A_497 : vector<16xf32>
      %mul3A_505 = arith.mulf %mul3A_504, %mul3A_497 : vector<16xf32>
      %sub3A_506 = arith.constant 1.500000e+00 : f32
      %sub3A_507 = vector.broadcast %sub3A_506 : f32 to vector<16xf32>
      %sub3A_508 = arith.subf %sub3A_507, %mul3A_505 : vector<16xf32>
      %mul3A_509 = arith.mulf %mul3A_497, %sub3A_508 : vector<16xf32>
      %mul3A_510 = arith.mulf %mul3A_467, %mul3A_503 : vector<16xf32>
      %mul3A_511 = arith.mulf %mul3A_510, %mul3A_503 : vector<16xf32>
      %sub3A_512 = arith.constant 1.500000e+00 : f32
      %sub3A_513 = vector.broadcast %sub3A_512 : f32 to vector<16xf32>
      %sub3A_514 = arith.subf %sub3A_513, %mul3A_511 : vector<16xf32>
      %mul3A_515 = arith.mulf %mul3A_503, %sub3A_514 : vector<16xf32>
      %broadcast_in_dim3A_516 = vector.broadcast %mul3A_421 : f32 to vector<16xf32>
      %broadcast_in_dim3A_517 = vector.broadcast %mul3A_433 : f32 to vector<16xf32>
      %parallel_loop3A_518 = arith.constant 0 : i32
      %parallel_loop3A_519 = arith.constant 768 : i32
      %parallel_loop3A_520 = arith.constant 16 : i32
      scf.for %parallel_loop3A_521 = %parallel_loop3A_518 to %parallel_loop3A_519 step %parallel_loop3A_520  : i32 {
        %parallel_loop3A_522 = arith.index_cast %parallel_loop3A_521 : i32 to index
        %parallel_loop3A_523 = tpu.vector_load %arg16[%parallel_loop3A_522] {strides = array<i32>} : memref<768xf32, #tpu.memory_space<vmem>>, vector<16xf32>,
        %parallel_loop3A_524 = arith.index_cast %parallel_loop3A_521 : i32 to index
        %parallel_loop3A_525 = tpu.vector_load %arg17[%parallel_loop3A_524] {strides = array<i32>} : memref<768xf32, #tpu.memory_space<vmem>>, vector<16xf32>,
        %parallel_loop3A_526 = arith.index_cast %mul3A_404 : i32 to index
        %parallel_loop3A_527 = arith.index_cast %parallel_loop3A_521 : i32 to index
        %parallel_loop3A_528 = tpu.vector_load %arg12[%parallel_loop3A_526, %parallel_loop3A_527] {strides = array<i32>} : memref<32x768xf32, #tpu.memory_space<vmem>>, vector<16xf32>,
        %parallel_loop3A_529 = arith.index_cast %add3A_406 : i32 to index
        %parallel_loop3A_530 = arith.index_cast %parallel_loop3A_521 : i32 to index
        %parallel_loop3A_531 = tpu.vector_load %arg12[%parallel_loop3A_529, %parallel_loop3A_530] {strides = array<i32>} : memref<32x768xf32, #tpu.memory_space<vmem>>, vector<16xf32>,
        %parallel_loop3A_532 = arith.subf %parallel_loop3A_528, %broadcast_in_dim3A_516 : vector<16xf32>
        %parallel_loop3A_533 = arith.mulf %parallel_loop3A_532, %mul3A_509 : vector<16xf32>
        %parallel_loop3A_534 = arith.mulf %parallel_loop3A_533, %parallel_loop3A_523 : vector<16xf32>
        %parallel_loop3A_535 = arith.addf %parallel_loop3A_534, %parallel_loop3A_525 : vector<16xf32>
        %parallel_loop3A_536 = arith.index_cast %mul3A_404 : i32 to index
        %parallel_loop3A_537 = arith.index_cast %parallel_loop3A_521 : i32 to index
        %parallel_loop3A_538 = tpu.vector_load %arg12[%parallel_loop3A_536, %parallel_loop3A_537] {strides = array<i32>} : memref<32x768xf32, #tpu.memory_space<vmem>>, vector<16xf32>,
        tpu.vector_store %arg12[%parallel_loop3A_536, %parallel_loop3A_537], %parallel_loop3A_535 {strides = array<i32>} : memref<32x768xf32, #tpu.memory_space<vmem>>, vector<16xf32>,
        %parallel_loop3A_539 = arith.subf %parallel_loop3A_531, %broadcast_in_dim3A_517 : vector<16xf32>
        %parallel_loop3A_540 = arith.mulf %parallel_loop3A_539, %mul3A_515 : vector<16xf32>
        %parallel_loop3A_541 = arith.mulf %parallel_loop3A_540, %parallel_loop3A_523 : vector<16xf32>
        %parallel_loop3A_542 = arith.addf %parallel_loop3A_541, %parallel_loop3A_525 : vector<16xf32>
        %parallel_loop3A_543 = arith.index_cast %add3A_406 : i32 to index
        %parallel_loop3A_544 = arith.index_cast %parallel_loop3A_521 : i32 to index
        %parallel_loop3A_545 = tpu.vector_load %arg12[%parallel_loop3A_543, %parallel_loop3A_544] {strides = array<i32>} : memref<32x768xf32, #tpu.memory_space<vmem>>, vector<16xf32>,
        tpu.vector_store %arg12[%parallel_loop3A_543, %parallel_loop3A_544], %parallel_loop3A_542 {strides = array<i32>} : memref<32x768xf32, #tpu.memory_space<vmem>>, vector<16xf32>,
      } {sc.loop_unroll_factor = 4 : i64, sc.parallel_access}
    }
    %scan3A_384 = arith.constant 16 : i32
    %add3A_385 = arith.constant 4 : i32
    %add3A_386 = arith.addi %mul3A_34, %add3A_385 : i32
    %mul3A_387 = arith.constant 512 : i32
    %mul3A_388 = arith.muli %add3A_386, %mul3A_387 : i32
    %add3A_389 = arith.addi %mul3A_388, %mul3A_11 : i32
    %dma_start3A_390 = arith.constant 0 : i32
    %dma_start3A_391 = tpu.memref_slice %arg9[%add3A_389, %dma_start3A_390] : memref<5120x768xf32, #tpu.memory_space<hbm>> -> memref<32x768xf32, #tpu.memory_space<hbm>>
    %dma_start3A_392 = arith.constant 0 : i32
    %dma_start3A_393 = tpu.memref_slice %arg9[%add3A_389, %dma_start3A_392] : memref<5120x768xf32, #tpu.memory_space<hbm>> -> memref<32x768xf32, #tpu.memory_space<hbm>>
    tpu.enqueue_dma source(%arg12 : memref<32x768xf32, #tpu.memory_space<vmem>>) target(%dma_start3A_393 : memref<32x768xf32, #tpu.memory_space<hbm>>) target_semaphore(%arg21 : memref<!tpu.dma_semaphore, #tpu.memory_space<semaphore_mem>>)
    %dma_wait3A_394 = arith.constant 0 : i32
    %dma_wait3A_395 = tpu.memref_slice %arg9[%add3A_367, %dma_wait3A_394] : memref<5120x768xf32, #tpu.memory_space<hbm>> -> memref<32x768xf32, #tpu.memory_space<hbm>>
    %dma_wait3A_396 = arith.constant 0 : i32
    %dma_wait3A_397 = tpu.memref_slice %arg9[%add3A_367, %dma_wait3A_396] : memref<5120x768xf32, #tpu.memory_space<hbm>> -> memref<32x768xf32, #tpu.memory_space<hbm>>
    tpu.wait_dma2 semaphore(%arg22 : memref<!tpu.dma_semaphore, #tpu.memory_space<semaphore_mem>>) src(%arg13 : memref<32x768xf32, #tpu.memory_space<vmem>>) dst(%dma_wait3A_397 : memref<32x768xf32, #tpu.memory_space<hbm>>)
    %dma_wait3A_398 = arith.constant 0 : i32
    %dma_wait3A_399 = tpu.memref_slice %arg9[%add3A_389, %dma_wait3A_398] : memref<5120x768xf32, #tpu.memory_space<hbm>> -> memref<32x768xf32, #tpu.memory_space<hbm>>
    %dma_wait3A_400 = arith.constant 0 : i32
    %dma_wait3A_401 = tpu.memref_slice %arg9[%add3A_389, %dma_wait3A_400] : memref<5120x768xf32, #tpu.memory_space<hbm>> -> memref<32x768xf32, #tpu.memory_space<hbm>>
    tpu.wait_dma2 semaphore(%arg21 : memref<!tpu.dma_semaphore, #tpu.memory_space<semaphore_mem>>) src(%arg12 : memref<32x768xf32, #tpu.memory_space<vmem>>) dst(%dma_wait3A_401 : memref<32x768xf32, #tpu.memory_space<hbm>>)
    return
  }
}

</mosaic_0001>

<sc_bundles>
// kernel: _emb_call.3.cloned.1.call-start
scs
__scs_entry_jumppad:
0x0: {  	(pc) =	sbr.rel $0x88, $3  }
0x1: {  	(tag) =	ssettag $0x0;
	lr =	simm.s32 $0x1  }
0x2: {  	[smem:$0x3F9A] =	sst lr;
	_ =	strace $0xD0000000  }
0x3: {  	_ = 	snop  }
0x4: {  	_ = 	snop  }
0x5: {  	_ = 	snop  }
0x6: {  	_ = 	snop  }
0x7: {  	_ = 	snop  }
__scs_overlays_trampoline_lowered:
0x8: {  	[smem:$0x3FA9] =	sst s0  }
0x9: {  	[smem:$0x3FAA] =	sst s1  }
0xa: {  	[smem:$0x3FAB] =	sst s2  }
0xb: {  	[smem:$0x3FAC] =	sst s3  }
0xc: {  	[smem:$0x3FAD] =	sst s4  }
0xd: {  	[smem:$0x3FAE] =	sst s5  }
0xe: {  	[smem:$0x3FAF] =	sst s6  }
0xf: {  	[smem:$0x3FB0] =	sst s7  }
0x10: {  	[smem:$0x3FB1] =	sst s8  }
0x11: {  	[smem:$0x3FB2] =	sst s9;
	s0 =	simm.s32 @!p0 $0x0  }
0x12: {  	s1 =	sld [smem:$0x3F98];
	s0 =	simm.s32 @p0 $0x1  }
0x13: {  	[smem:$0x3FB3] =	sst s0;
	s0 =	simm.s32 @!p1 $0x0  }
0x14: {  	s2 =	sld [smem:$0x3F97];
	s0 =	simm.s32 @p1 $0x1  }
0x15: {  	[smem:$0x3FB4] =	sst s0;
	s0 =	simm.s32 @!p2 $0x0  }
0x16: {  	s3 =	sld [smem:$0x3FDB];
	s0 =	simm.s32 @p2 $0x1  }
0x17: {  	s4 =	simm.s32 $0x1BF5;
	[smem:$0x3FB6] =	sst s0  }
0x18: {  	s0 =	sld [smem:$0x3F99];
	_ =	swait.ge [sflag:s4], $0x0  }
0x19: {  	s7 =	sld [smem:$0x3F9A]  }
0x1a: {  	s8 =	sadd.s32 $0xFFFFE003, lr  }
0x1b: {  	s9 =	sadd.s32 $0xFFFFFEF7, lr;
	s5 =	simm.s32 $0xFFFFFFFF;
	p2 =	slt.u32 s8, $0xFFFFF086  }
0x1c: {  	p1 =	slt.u32 s9, $0xF7A;
	s5 =	simm.s32 @!p2 $0x0  }
0x1d: {  	s5 =	simm.s32 @p1 $0x1;
	p0 =	seq.s32 s7, s2  }
0x1e: {  	s7 =	smul.u32 @!p0 $0xF7A, s2;
	p2 =	seq.s32 @!p0 s5, $0x0  }
0x1f: {  	s9 =	smul.u32 $0xF7A, s1;
	s8 =	simm.s32 @!p0 $0x1BF5;
	p2 =	por !p2, p0  }
0x20: {  	[sflag:s8] =	ssyncset.s32 @!p0 $0xFFFFF086;
	s6 =	sadd.s32 @!p0 s3, s7;
	s7 =	simm.s32 @!p0 $0x108  }
0x21: {  	s3 =	sadd.s32 s3, s9;
	s6 =	sadd.s32 @!p0 $0x88, s6;
	s7 =	simm.s32 @p2 $0x1082  }
0x22: {  	[simem:s7], [sflag:s8] =	dma.local @!p0 [hbm:s6], $0xF7A  }
0x23: {  	s9 =	sor.u32 $0xD0000000, s2;
	s6 =	simm.s32 $0x108;
	_ =	swait.ge @!p0 [sflag:s8], $0x0  }
0x24: {  	s3 =	sadd.s32 $0x88, s3;
	s6 =	simm.s32 @!p1 $0x1082;
	[sflag:s4] =	ssyncset.s32 $0xFFFFF086  }
0x25: {  	[simem:s6], [sflag:s4] =	dma.local [hbm:s3], $0xF7A  }
0x26: {  	[smem:$0x3F9A] =	sst s1;
	(tag) =	ssettag s2;
	_ =	strace s9  }
0x27: {  	s1 =	sld [smem:$0x3FAA]  }
0x28: {  	s2 =	sld [smem:$0x3FAB]  }
0x29: {  	s4 =	sld [smem:$0x3FAD]  }
0x2a: {  	p0 =	seq.s32 s5, $0x0;
	s5 =	sld [smem:$0x3FAE]  }
0x2b: {  	s6 =	sld [smem:$0x3FAF]  }
0x2c: {  	s7 =	sld [smem:$0x3FB0]  }
0x2d: {  	s3 =	simm.s32 $0x108;
	s8 =	sld [smem:$0x3FB1]  }
0x2e: {  	s3 =	simm.s32 @!p0 $0x1082;
	s9 =	sld [smem:$0x3FB2]  }
0x2f: {  	lr =	sadd.s32 s0, s3;
	s0 =	sld [smem:$0x3FA9]  }
0x30: {  	s3 =	sld [smem:$0x3FAC]  }
0x31: {  	[smem:$0x3FB5] =	sst s10  }
0x32: {  	s10 =	sld [smem:$0x3FB3];
	_ =	sdelay $0x3  }
0x33: {  	p0 =	seq.s32 s10, $0x1;
	s10 =	sld [smem:$0x3FB5];
	_ =	sdelay $0x3  }
0x34: {  	[smem:$0x3FB5] =	sst s10  }
0x35: {  	s10 =	sld [smem:$0x3FB4];
	_ =	sdelay $0x3  }
0x36: {  	p1 =	seq.s32 s10, $0x1;
	s10 =	sld [smem:$0x3FB5];
	_ =	sdelay $0x3  }
0x37: {  	[smem:$0x3FB5] =	sst s10  }
0x38: {  	s10 =	sld [smem:$0x3FB6]  }
0x39: {  	_ = 	snop;
	(pc) =	sbr.ind lr, $3  }
0x3a: {  	_ = 	snop  }
0x3b: {  	_ = 	snop  }
0x3c: {  	p2 =	seq.s32 s10, $0x1;
	s10 =	sld [smem:$0x3FB5]  }
0x3d: {  	_ =	shalt  }
0x3e: {  	_ =	shalt  }
0x3f: {  	_ =	shalt  }
0x40: {  	_ =	shalt  }
0x41: {  	_ =	shalt  }
0x42: {  	_ =	shalt  }
0x43: {  	_ =	shalt  }
0x44: {  	_ =	shalt  }
0x45: {  	_ =	shalt  }
0x46: {  	_ =	shalt  }
0x47: {  	_ =	shalt  }
0x48: {  	_ =	shalt  }
0x49: {  	_ =	shalt  }
0x4a: {  	_ =	shalt  }
0x4b: {  	_ =	shalt  }
0x4c: {  	_ =	shalt  }
0x4d: {  	_ =	shalt  }
0x4e: {  	_ =	shalt  }
0x4f: {  	_ =	shalt  }
0x50: {  	_ =	shalt  }
0x51: {  	_ =	shalt  }
0x52: {  	_ =	shalt  }
0x53: {  	_ =	shalt  }
0x54: {  	_ =	shalt  }
0x55: {  	_ =	shalt  }
0x56: {  	_ =	shalt  }
0x57: {  	_ =	shalt  }
0x58: {  	_ =	shalt  }
0x59: {  	_ =	shalt  }
0x5a: {  	_ =	shalt  }
0x5b: {  	_ =	shalt  }
0x5c: {  	_ =	shalt  }
0x5d: {  	_ =	shalt  }
0x5e: {  	_ =	shalt  }
0x5f: {  	_ =	shalt  }
0x60: {  	_ =	shalt  }
0x61: {  	_ =	shalt  }
0x62: {  	_ =	shalt  }
0x63: {  	_ =	shalt  }
0x64: {  	_ =	shalt  }
0x65: {  	_ =	shalt  }
0x66: {  	_ =	shalt  }
0x67: {  	_ =	shalt  }
0x68: {  	_ =	shalt  }
0x69: {  	_ =	shalt  }
0x6a: {  	_ =	shalt  }
0x6b: {  	_ =	shalt  }
0x6c: {  	_ =	shalt  }
0x6d: {  	_ =	shalt  }
0x6e: {  	_ =	shalt  }
0x6f: {  	_ =	shalt  }
0x70: {  	_ =	shalt  }
0x71: {  	_ =	shalt  }
0x72: {  	_ =	shalt  }
0x73: {  	_ =	shalt  }
0x74: {  	_ =	shalt  }
0x75: {  	_ =	shalt  }
0x76: {  	_ =	shalt  }
0x77: {  	_ =	shalt  }
0x78: {  	_ =	shalt  }
0x79: {  	_ =	shalt  }
0x7a: {  	_ =	shalt  }
0x7b: {  	_ =	shalt  }
0x7c: {  	_ =	shalt  }
0x7d: {  	_ =	shalt  }
0x7e: {  	_ =	shalt  }
0x7f: {  	_ =	shalt  }
0x80: {  	_ =	shalt  }
0x81: {  	_ =	shalt  }
0x82: {  	_ =	shalt  }
0x83: {  	_ =	shalt  }
0x84: {  	_ =	shalt  }
0x85: {  	_ =	shalt  }
0x86: {  	_ =	shalt  }
0x87: {  	_ =	shalt  }
.Lfunc_end0:
.L_simem_size_0:
called_computation_lowered:
.L_overlay_start_0:
0x88: {  	s2 =	sld [smem:$0x3FD9]  }
0x89: {  	s3 =	sld [smem:$0x3FFE];
	_ =	sdelay $0x1  }
0x8a: {  	s1 =	srdreg.scid  }
0x8b: {  	s0 =	sand.u32 $0x1, s1  }
0x8c: {  	s18 =	sshll.u32 s0, $0xA;
	s2 =	sadd.s32 s3, s2  }
0x8d: {  	s2 =	sadd.s32 s2, s18  }
0x8e: {  	[smem:$0x3FC1] =	sst s2  }
0x8f: {  	_ = 	snop  }
0x90: {  	s2 =	sld [smem:$0x3FC9]  }
0x91: {  	s19 =	sld [smem:$0x3FC8]  }
0x92: {  	s4 =	sld [smem:$0x3FC7]  }
0x93: {  	s5 =	sld [smem:$0x3FC6]  }
0x94: {  	s6 =	sld [smem:$0x3FC5]  }
0x95: {  	s7 =	sld [smem:$0x3FC4]  }
0x96: {  	s8 =	sld [smem:$0x3FC3]  }
0x97: {  	s9 =	sld [smem:$0x3FD0];
	(tm) =	ssettm $0x1  }
0x98: {  	s10 =	sld [smem:$0x3FFB];
	_ =	sdelay $0x3  }
0x99: {  	_ =	strace s10  }
0x9a: {  	s10 =	sld [smem:$0x3FFC];
	_ =	sdelay $0x3  }
0x9b: {  	_ =	strace s10  }
0x9c: {  	s10 =	sld [smem:$0x3FFD];
	_ =	sdelay $0x3  }
0x9d: {  	_ =	strace s10  }
0x9e: {  	_ =	strace $0x8FFFFFFF  }
0x9f: {  	s20 =	sld [smem:$0x3FDB];
	_ =	sdelay $0x1  }
0xa0: {  	s11 =	simm.s32 $_scs_section_size  }
0xa1: {  	s12 =	simm.s32 $_size__tile_overlayer_lowered;
	s13 =	simm.s32 $_tile_overlayer_lowered  }
0xa2: {  	s23 =	simm.s32 $0x1BFF;
	s22 =	sshll.u32 s13, $0x1;
	s10 =	sadd.s32 s11, s20  }
0xa3: {  	s14 =	simm.s32 $0x0;
	s21 =	sshll.u32 s12, $0x1;
	s12 =	sadd.s32 s22, s10  }
0xa4: {  	[timem:s14], [sflag:s23] =	dma.local [hbm:s12], s21  }
0xa5: {  	_ =	swait.ge [sflag:s23], s21  }
0xa6: {  	s11 =	ssub.s32 $0x0, s21;
	[sflag:s23] =	ssyncset.done $0x0  }
0xa7: {  	[sflag:s23] =	ssyncadd.s32 s11;
	_ =	sdelay $0x1  }
0xa8: {  	s24 =	simm.s32 $0x1B8B  }
0xa9: {  	_ =	swait.ge [sflag:s24], $0x1  }
0xaa: {  	[sflag:s24] =	ssyncset.done $0x0  }
0xab: {  	s25 =	simm.s32 $0x1B8E;
	[sflag:s24] =	ssyncadd.s32 $0xFFFFFFFF  }
0xac: {  	s26 =	simm.s32 $execute0_lowered;
	[smem:$0x3FD2] =	sst s25  }
0xad: {  	s11 =	sshll.u32 s26, $0x1;
	_ =	strace $0x80000046;
	[dreg:$0x1] =	wrdreg $0xFFFFFFFF  }
0xae: {  	s28 =	simm.s32 $_size_execute0_lowered;
	s10 =	sadd.s32 s10, s11;
	[dreg:$0x0] =	wrdreg $0x0  }
0xaf: {  	s11 =	sshll.u32 s28, $0x1;
	[dreg:$0x2] =	wrdreg s10  }
0xb0: {  	[dreg:$0x3] =	wrdreg s11  }
0xb1: {  	[dreg:$0x4] =	wrdreg $0xC0  }
0xb2: {  	_ =	task [dreg:s14], $0x5FFFF  }
0xb3: {  	[dreg:$0x1] =	wrdreg $0xFFFFFFFF  }
0xb4: {  	[dreg:$0x0] =	wrdreg $0x60  }
0xb5: {  	[dreg:$0x2] =	wrdreg s2  }
0xb6: {  	[dreg:$0x3] =	wrdreg s19  }
0xb7: {  	[dreg:$0x4] =	wrdreg s4  }
0xb8: {  	[dreg:$0x5] =	wrdreg s5  }
0xb9: {  	[dreg:$0x6] =	wrdreg s6  }
0xba: {  	[dreg:$0x7] =	wrdreg s7  }
0xbb: {  	[dreg:$0x8] =	wrdreg s8  }
0xbc: {  	[dreg:$0x9] =	wrdreg s9  }
0xbd: {  	[dreg:$0xa] =	wrdreg $0x9  }
0xbe: {  	_ =	task.clear_ibuf [dreg:s14], $0xBFFFF;
	_ =	strace $0x90000046  }
0xbf: {  	s29 =	simm.s32 $0x9;
	_ =	strace $0x80000048  }
0xc0: {  	_ =	swait.ge [sflag:s29], $0x1  }
0xc1: {  	[sflag:s29] =	ssyncadd.s32 $0xFFFFFFFF  }
0xc2: {  	_ =	strace $0x90000048  }
0xc3: {  	_ =	sfence  }
0xc4: {  	s30 =	sld [smem:$0x0];
	_ =	sdelay $0x2  }
0xc5: {  	s31 =	sshll.u32 s1, $0xD;
	s1 =	sshrl.u32 s1, $0x2  }
0xc6: {  	s3 =	sand.u32 $0x4000, s31;
	s1 =	sadd.s32 s1, s30  }
0xc7: {  	s0 =	sor.u32 s3, s0;
	s1 =	sshll.u32 s1, $0x11  }
0xc8: {  	s0 =	sor.u32 s1, s0  }
0xc9: {  	s0 =	sadd.s32 $0x8F2B, s0  }
0xca: {  	[sflag:s0] =	ssyncadd.remote.s32 $0x1  }
0xcb: {  	_ =	sfence.sel $0xFFFF  }
0xcc: {  	[dreg:$0x0] =	wrdreg $0xFFFFFFFF;
	(pc) =	sbr.abs _section_cstart, $3  }
0xcd: {  	[dreg:$0x1] =	wrdreg $0xFFFFFFFF  }
0xce: {  	_ =	task.clear_ibuf [dreg:s14], $0x2FFFF;
	_ =	strace $0x9FFFFFFF  }
0xcf: {  	(tm) =	ssettm $0x7FFFFFFF  }
tec
execute0_lowered:
.L_overlay_start_1:
0x0: {  	(tag) =	ssettag $0x1  }
0x1: {  	s0 =	rddreg [dreg:$0x0]  }
0x2: {  	s2 =	rddreg [dreg:$0x1]  }
0x3: {  	s13 =	rddreg [dreg:$0x2]  }
0x4: {  	s3 =	rddreg [dreg:$0x3]  }
0x5: {  	s1 =	stileid.u32;
	s4 =	srdreg.scid  }
0x6: {  	s5 =	sshll.u32 s1, $0x1;
	s4 =	sand.u32 $0x1, s4;
	s6 =	sshrl.u32 s1, $0x3  }
0x7: {  	s5 =	sand.u32 $0xE, s5;
	s8 =	smul.u32 $0xA00, s6;
	s6 =	simm.s32 $0x0  }
0x8: {  	s5 =	sor.u32 s4, s5;
	[smem:$0x7FF] =	sst s6  }
0x9: {  	s4 =	ssub.s32 $0x2, s4;
	s9 =	sshll.u32 s5, $0x5;
	s5 =	smul.u32 $0xC00, s5  }
0xa: {  	s7 =	rddreg [dreg:$0x7];
	_ =	strace $0x80000047;
	s1 =	sshrl.u32 s4, $0x1  }
0xb: {  	s8 =	sor.u32 s8, s9;
	s4 =	ssub.s32 s4, s1;
	s23 =	sadd.s32 s3, s5  }
0xc: {  	s10 =	sshrl.u32 s8, $0x3;
	s30 =	smax.u32 s4, $0x1;
	[dreg:$0x13] =	wrdreg s23  }
0xd: {  	s12 =	sadd.s32 $0x200, s8;
	s11 =	sadd.s32 s0, s10;
	[dreg:$0x19] =	wrdreg s30  }
0xe: {  	s14 =	sadd.s32 s2, s10;
	s9 =	sshrl.u32 s12, $0x3;
	[dreg:$0x9] =	wrdreg s11  }
0xf: {  	s12 =	sadd.s32 $0x600, s8;
	[dreg:$0xa] =	wrdreg s14;
	s15 =	sadd.s32 s0, s9  }
0x10: {  	s16 =	sadd.s32 s2, s9;
	s12 =	sshrl.u32 s12, $0x3;
	[dreg:$0xb] =	wrdreg s15  }
0x11: {  	s10 =	smul.u32 $0x300, s10;
	[dreg:$0xc] =	wrdreg s16;
	s19 =	sadd.s32 s0, s12  }
0x12: {  	s11 =	sadd.s32 $0x400, s8;
	s20 =	sadd.s32 s2, s12;
	[dreg:$0xf] =	wrdreg s19  }
0x13: {  	s11 =	sshrl.u32 s11, $0x3;
	s25 =	sadd.s32 s7, s10;
	[dreg:$0x10] =	wrdreg s20  }
0x14: {  	s8 =	sadd.s32 $0x800, s8;
	s17 =	sadd.s32 s0, s11;
	[dreg:$0x14] =	wrdreg s25  }
0x15: {  	s8 =	sshrl.u32 s8, $0x3;
	s18 =	sadd.s32 s2, s11;
	[dreg:$0xd] =	wrdreg s17  }
0x16: {  	s9 =	smul.u32 $0x300, s9;
	s0 =	sadd.s32 s0, s8;
	[dreg:$0xe] =	wrdreg s18  }
0x17: {  	s22 =	smul.u32 $0x300, s12;
	s21 =	sadd.s32 s2, s8;
	[dreg:$0x11] =	wrdreg s0  }
0x18: {  	s11 =	smul.u32 $0x300, s11;
	s26 =	sadd.s32 s7, s9;
	[dreg:$0x12] =	wrdreg s21  }
0x19: {  	s24 =	smul.u32 $0x300, s8;
	[dreg:$0x15] =	wrdreg s26;
	s0 =	sadd.s32 s7, s22  }
0x1a: {  	s31 =	simm.s32 $0x800;
	v2 =	vlaneseq.u32;
	s28 =	sadd.s32 s7, s11;
	[dreg:$0x17] =	wrdreg s0  }
0x1b: {  	vm0 =	vmmov $0xffff;
	v1 =	vshrl.u32 v2, $0x3;
	s2 =	simm.s32 $0x0;
	s29 =	sadd.s32 s7, s24;
	[dreg:$0x16] =	wrdreg s28  }
0x1c: {  	v0 =	vand.u32 $0x7, v2;
	v2 =	vor.u32 $0x8, v2;
	v1 =	vmul.u32 $0x8, v1;
	s18 =	sadd.s32 $0x100, s13;
	s24 =	sadd.s32 $0x200, s13;
	[dreg:$0x18] =	wrdreg s29  }
.LBB2_1:
0x1d: {  	[dreg:$0x1a] =	wrdreg s2  }
0x1e: {  	s0 =	rddreg [dreg:$0x9]  }
0x1f: {  	[tilespmem:s6], [sflag:$0x1] =	stream.linear.gather [hbm4b:s0+s6], $0x20, $0x38;
	[tilespmem:$0x13400] =	vst v63  }
0x20: {  	s30 =	rddreg [dreg:$0xa];
	s1 =	simm.s32 $0x400  }
0x21: {  	[tilespmem:s1], [sflag:$0x1] =	stream.linear.gather [hbm4b:s30+s6], $0x20, $0x38;
	[tilespmem:$0x13400] =	vst v63  }
0x22: {  	s2 =	rddreg [dreg:$0xb];
	s3 =	simm.s32 $0x80  }
0x23: {  	[tilespmem:s3], [sflag:$0x1] =	stream.linear.gather [hbm4b:s2+s6], $0x20, $0x38;
	[tilespmem:$0x13400] =	vst v63  }
0x24: {  	s4 =	rddreg [dreg:$0xc];
	s5 =	simm.s32 $0x480  }
0x25: {  	[tilespmem:s5], [sflag:$0x1] =	stream.linear.gather [hbm4b:s4+s6], $0x20, $0x38;
	[tilespmem:$0x13400] =	vst v63  }
0x26: {  	s7 =	rddreg [dreg:$0xd];
	s8 =	simm.s32 $0x100  }
0x27: {  	[tilespmem:s8], [sflag:$0x1] =	stream.linear.gather [hbm4b:s7+s6], $0x20, $0x38;
	[tilespmem:$0x13400] =	vst v63  }
0x28: {  	s9 =	rddreg [dreg:$0xe];
	s10 =	simm.s32 $0x500  }
0x29: {  	[tilespmem:s10], [sflag:$0x1] =	stream.linear.gather [hbm4b:s9+s6], $0x20, $0x38;
	[tilespmem:$0x13400] =	vst v63  }
0x2a: {  	s11 =	rddreg [dreg:$0xf];
	s12 =	simm.s32 $0x180  }
0x2b: {  	[tilespmem:s12], [sflag:$0x1] =	stream.linear.gather [hbm4b:s11+s6], $0x20, $0x38;
	[tilespmem:$0x13400] =	vst v63  }
0x2c: {  	s13 =	rddreg [dreg:$0x10];
	s14 =	simm.s32 $0x580  }
0x2d: {  	[tilespmem:s14], [sflag:$0x1] =	stream.linear.gather [hbm4b:s13+s6], $0x20, $0x38;
	[tilespmem:$0x13400] =	vst v63  }
0x2e: {  	s15 =	rddreg [dreg:$0x11];
	s16 =	simm.s32 $0x200  }
0x2f: {  	[tilespmem:s16], [sflag:$0x1] =	stream.linear.gather [hbm4b:s15+s6], $0x20, $0x38;
	[tilespmem:$0x13400] =	vst v63  }
0x30: {  	s17 =	rddreg [dreg:$0x12];
	s19 =	simm.s32 $0x600  }
0x31: {  	[tilespmem:s19], [sflag:$0x1] =	stream.linear.gather [hbm4b:s17+s6], $0x20, $0x38;
	[tilespmem:$0x13400] =	vst v63  }
0x32: {  	s20 =	rddreg [dreg:$0x13];
	s21 =	simm.s32 $0xC800;
	s22 =	simm.s32 $0x6  }
0x33: {  	[tilespmem:s21], [sflag:$0x6] =	stream.linear.gather [hbm4b:s20+s6], $0x6000, $0x38;
	[tilespmem:$0x13400] =	vst v63  }
0x34: {  	_ =	swait.ge [sflag:s22], $0x6000  }
0x35: {  	[sflag:s22] =	ssyncset.done $0x0  }
0x36: {  	[sflag:s22] =	ssyncadd.s32 $0xFFFFA000  }
0x37: {  	s25 =	simm.s32 $0x12800;
	s23 =	rddreg [dreg:$0x4]  }
0x38: {  	[tilespmem:s25], [sflag:$0x6] =	stream.linear.gather [hbm4b:s23+s6], $0x600, $0x38;
	[tilespmem:$0x13400] =	vst v63  }
0x39: {  	_ =	swait.ge [sflag:s22], $0x600  }
0x3a: {  	[sflag:s22] =	ssyncset.done $0x0  }
0x3b: {  	[sflag:s22] =	ssyncadd.s32 $0xFFFFFA00  }
0x3c: {  	s28 =	simm.s32 $0x12E00;
	s26 =	rddreg [dreg:$0x5]  }
0x3d: {  	[tilespmem:s28], [sflag:$0x6] =	stream.linear.gather [hbm4b:s26+s6], $0x300, $0x38;
	[tilespmem:$0x13400] =	vst v63  }
0x3e: {  	_ =	swait.ge [sflag:s22], $0x300  }
0x3f: {  	[sflag:s22] =	ssyncset.done $0x0  }
0x40: {  	[sflag:s22] =	ssyncadd.s32 $0xFFFFFD00  }
0x41: {  	s30 =	simm.s32 $0x13100;
	s29 =	rddreg [dreg:$0x6]  }
0x42: {  	[tilespmem:s30], [sflag:$0x6] =	stream.linear.gather [hbm4b:s29+s6], $0x300, $0x38;
	[tilespmem:$0x13400] =	vst v63  }
0x43: {  	_ =	swait.ge [sflag:s22], $0x300  }
0x44: {  	[sflag:s22] =	ssyncset.done $0x0  }
0x45: {  	s2 =	simm.s32 $0x1;
	[sflag:s22] =	ssyncadd.s32 $0xFFFFFD00  }
0x46: {  	_ =	swait.ge [sflag:s2], $0x20  }
0x47: {  	[sflag:s2] =	ssyncset.done $0x0  }
0x48: {  	[sflag:s2] =	ssyncadd.s32 $0xFFFFFFE0  }
0x49: {  	_ =	swait.ge [sflag:s2], $0x20  }
0x4a: {  	[sflag:s2] =	ssyncset.done $0x0  }
0x4b: {  	[sflag:s2] =	ssyncadd.s32 $0xFFFFFFE0  }
0x4c: {  	_ =	swait.ge [sflag:s2], $0x20  }
0x4d: {  	[sflag:s2] =	ssyncset.done $0x0  }
0x4e: {  	[sflag:s2] =	ssyncadd.s32 $0xFFFFFFE0  }
0x4f: {  	_ =	swait.ge [sflag:s2], $0x20  }
0x50: {  	[sflag:s2] =	ssyncset.done $0x0  }
0x51: {  	[sflag:s2] =	ssyncadd.s32 $0xFFFFFFE0  }
0x52: {  	_ =	swait.ge [sflag:s2], $0x20  }
0x53: {  	[sflag:s2] =	ssyncset.done $0x0  }
0x54: {  	[sflag:s2] =	ssyncadd.s32 $0xFFFFFFE0  }
0x55: {  	_ =	swait.ge [sflag:s2], $0x20  }
0x56: {  	[sflag:s2] =	ssyncset.done $0x0  }
0x57: {  	[sflag:s2] =	ssyncadd.s32 $0xFFFFFFE0  }
0x58: {  	_ =	swait.ge [sflag:s2], $0x20  }
0x59: {  	[sflag:s2] =	ssyncset.done $0x0  }
0x5a: {  	[sflag:s2] =	ssyncadd.s32 $0xFFFFFFE0  }
0x5b: {  	_ =	swait.ge [sflag:s2], $0x20  }
0x5c: {  	[sflag:s2] =	ssyncset.done $0x0  }
0x5d: {  	[sflag:s2] =	ssyncadd.s32 $0xFFFFFFE0  }
0x5e: {  	_ =	swait.ge [sflag:s2], $0x20  }
0x5f: {  	[sflag:s2] =	ssyncset.done $0x0  }
0x60: {  	[sflag:s2] =	ssyncadd.s32 $0xFFFFFFE0  }
0x61: {  	_ =	swait.ge [sflag:s2], $0x20  }
0x62: {  	[sflag:s2] =	ssyncset.done $0x0  }
0x63: {  	[sflag:s2] =	ssyncadd.s32 $0xFFFFFFE0  }
0x64: {  	v3 =	vld [tilespmem:$0x0];
	_ =	sdelay $0x4  }
0x65: {  	v4 =	vshrl.u32 v3, $0x3  }
0x66: {  	v4 =	vmul.u32 $0x30, v4  }
0x67: {  	v3 =	vand.u32 $0x7, v3  }
0x68: {  	v3 =	vor.u32 v3, v4  }
0x69: {  	v4 =	vperm.xlane v3, v0;
	_ =	sdelay $0x1  }
0x6a: {  	v4 =	vadd.s32 v1, v4;
	_ =	sdelay $0x3  }
0x6b: {  	s0 =	rddreg [dreg:$0x2];
	v3 =	vperm.xlane v3, v2  }
0x6c: {  	[tilespmem:s31], [sflag:$0x2] =	stream.indirect_vreg.gather [hbm4b:s0+s6], $0x80, v4, vm0, $0xb8;
	[tilespmem:$0x13400] =	vst v63  }
0x6d: {  	s3 =	simm.s32 $0x1000;
	v3 =	vadd.s32 v1, v3  }
0x6e: {  	[tilespmem:s3], [sflag:$0x2] =	stream.indirect_vreg.gather [hbm4b:s18+s6], $0x80, v4, vm0, $0xb8;
	[tilespmem:$0x13400] =	vst v63  }
0x6f: {  	s4 =	simm.s32 $0x1800  }
0x70: {  	[tilespmem:s4], [sflag:$0x2] =	stream.indirect_vreg.gather [hbm4b:s24+s6], $0x80, v4, vm0, $0xb8;
	[tilespmem:$0x13400] =	vst v63  }
0x71: {  	s5 =	simm.s32 $0x2000  }
0x72: {  	[tilespmem:s5], [sflag:$0x2] =	stream.indirect_vreg.gather [hbm4b:s0+s6], $0x80, v3, vm0, $0xb8;
	[tilespmem:$0x13400] =	vst v63  }
0x73: {  	s7 =	simm.s32 $0x2800  }
0x74: {  	[tilespmem:s7], [sflag:$0x2] =	stream.indirect_vreg.gather [hbm4b:s18+s6], $0x80, v3, vm0, $0xb8;
	[tilespmem:$0x13400] =	vst v63  }
0x75: {  	s8 =	simm.s32 $0x3000  }
0x76: {  	[tilespmem:s8], [sflag:$0x2] =	stream.indirect_vreg.gather [hbm4b:s24+s6], $0x80, v3, vm0, $0xb8;
	[tilespmem:$0x13400] =	vst v63  }
0x77: {  	v3 =	vld [tilespmem:$0x10];
	_ =	sdelay $0x4  }
0x78: {  	v61 =	vshrl.u32 v3, $0x3  }
0x79: {  	v4 =	vmul.u32 $0x30, v61  }
0x7a: {  	v3 =	vand.u32 $0x7, v3  }
0x7b: {  	v3 =	vor.u32 v3, v4  }
0x7c: {  	v4 =	vperm.xlane v3, v0;
	_ =	sdelay $0x1  }
0x7d: {  	v4 =	vadd.s32 v1, v4;
	_ =	sdelay $0x3  }
0x7e: {  	s9 =	simm.s32 $0x3800;
	v3 =	vperm.xlane v3, v2  }
0x7f: {  	[tilespmem:s9], [sflag:$0x2] =	stream.indirect_vreg.gather [hbm4b:s0+s6], $0x80, v4, vm0, $0xb8;
	[tilespmem:$0x13400] =	vst v63  }
0x80: {  	s10 =	simm.s32 $0x4000;
	v3 =	vadd.s32 v1, v3  }
0x81: {  	[tilespmem:s10], [sflag:$0x2] =	stream.indirect_vreg.gather [hbm4b:s18+s6], $0x80, v4, vm0, $0xb8;
	[tilespmem:$0x13400] =	vst v63  }
0x82: {  	s11 =	simm.s32 $0x4800  }
0x83: {  	[tilespmem:s11], [sflag:$0x2] =	stream.indirect_vreg.gather [hbm4b:s24+s6], $0x80, v4, vm0, $0xb8;
	[tilespmem:$0x13400] =	vst v63  }
0x84: {  	s12 =	simm.s32 $0x5000  }
0x85: {  	[tilespmem:s12], [sflag:$0x2] =	stream.indirect_vreg.gather [hbm4b:s0+s6], $0x80, v3, vm0, $0xb8;
	[tilespmem:$0x13400] =	vst v63  }
0x86: {  	s13 =	simm.s32 $0x5800  }
0x87: {  	[tilespmem:s13], [sflag:$0x2] =	stream.indirect_vreg.gather [hbm4b:s18+s6], $0x80, v3, vm0, $0xb8;
	[tilespmem:$0x13400] =	vst v63  }
0x88: {  	s14 =	simm.s32 $0x6000  }
0x89: {  	[tilespmem:s14], [sflag:$0x2] =	stream.indirect_vreg.gather [hbm4b:s24+s6], $0x80, v3, vm0, $0xb8;
	[tilespmem:$0x13400] =	vst v63  }
0x8a: {  	v3 =	vld [tilespmem:$0x80];
	_ =	sdelay $0x4  }
0x8b: {  	v62 =	vshrl.u32 v3, $0x3  }
0x8c: {  	v4 =	vmul.u32 $0x30, v62  }
0x8d: {  	v3 =	vand.u32 $0x7, v3  }
0x8e: {  	v3 =	vor.u32 v3, v4  }
0x8f: {  	v4 =	vperm.xlane v3, v0;
	_ =	sdelay $0x1  }
0x90: {  	v4 =	vadd.s32 v1, v4;
	_ =	sdelay $0x3  }
0x91: {  	s15 =	simm.s32 $0x6800;
	v3 =	vperm.xlane v3, v2  }
0x92: {  	[tilespmem:s15], [sflag:$0x3] =	stream.indirect_vreg.gather [hbm4b:s0+s6], $0x80, v4, vm0, $0xb8;
	[tilespmem:$0x13400] =	vst v63  }
0x93: {  	s16 =	simm.s32 $0x7000;
	v3 =	vadd.s32 v1, v3  }
0x94: {  	[tilespmem:s16], [sflag:$0x3] =	stream.indirect_vreg.gather [hbm4b:s18+s6], $0x80, v4, vm0, $0xb8;
	[tilespmem:$0x13400] =	vst v63  }
0x95: {  	s17 =	simm.s32 $0x7800  }
0x96: {  	[tilespmem:s17], [sflag:$0x3] =	stream.indirect_vreg.gather [hbm4b:s24+s6], $0x80, v4, vm0, $0xb8;
	[tilespmem:$0x13400] =	vst v63  }
0x97: {  	s19 =	simm.s32 $0x8000  }
0x98: {  	[tilespmem:s19], [sflag:$0x3] =	stream.indirect_vreg.gather [hbm4b:s0+s6], $0x80, v3, vm0, $0xb8;
	[tilespmem:$0x13400] =	vst v63  }
0x99: {  	s20 =	simm.s32 $0x8800  }
0x9a: {  	[tilespmem:s20], [sflag:$0x3] =	stream.indirect_vreg.gather [hbm4b:s18+s6], $0x80, v3, vm0, $0xb8;
	[tilespmem:$0x13400] =	vst v63  }
0x9b: {  	s21 =	simm.s32 $0x9000  }
0x9c: {  	[tilespmem:s21], [sflag:$0x3] =	stream.indirect_vreg.gather [hbm4b:s24+s6], $0x80, v3, vm0, $0xb8;
	[tilespmem:$0x13400] =	vst v63  }
0x9d: {  	v3 =	vld [tilespmem:$0x90];
	_ =	sdelay $0x4  }
0x9e: {  	v63 =	vshrl.u32 v3, $0x3  }
0x9f: {  	v4 =	vmul.u32 $0x30, v63  }
0xa0: {  	v3 =	vand.u32 $0x7, v3  }
0xa1: {  	v3 =	vor.u32 v3, v4  }
0xa2: {  	v4 =	vperm.xlane v3, v0;
	_ =	sdelay $0x1  }
0xa3: {  	v4 =	vadd.s32 v1, v4;
	_ =	sdelay $0x3  }
0xa4: {  	s22 =	simm.s32 $0x9800;
	v3 =	vperm.xlane v3, v2  }
0xa5: {  	[tilespmem:s22], [sflag:$0x3] =	stream.indirect_vreg.gather [hbm4b:s0+s6], $0x80, v4, vm0, $0xb8;
	[tilespmem:$0x13400] =	vst v63  }
0xa6: {  	s23 =	simm.s32 $0xA000;
	v3 =	vadd.s32 v1, v3  }
0xa7: {  	[tilespmem:s23], [sflag:$0x3] =	stream.indirect_vreg.gather [hbm4b:s18+s6], $0x80, v4, vm0, $0xb8;
	[tilespmem:$0x13400] =	vst v63  }
0xa8: {  	s25 =	simm.s32 $0xA800  }
0xa9: {  	[tilespmem:s25], [sflag:$0x3] =	stream.indirect_vreg.gather [hbm4b:s24+s6], $0x80, v4, vm0, $0xb8;
	[tilespmem:$0x13400] =	vst v63  }
0xaa: {  	s26 =	simm.s32 $0xB000  }
0xab: {  	[tilespmem:s26], [sflag:$0x3] =	stream.indirect_vreg.gather [hbm4b:s0+s6], $0x80, v3, vm0, $0xb8;
	[tilespmem:$0x13400] =	vst v63  }
0xac: {  	s28 =	simm.s32 $0xB800  }
0xad: {  	[tilespmem:s28], [sflag:$0x3] =	stream.indirect_vreg.gather [hbm4b:s18+s6], $0x80, v3, vm0, $0xb8;
	[tilespmem:$0x13400] =	vst v63  }
0xae: {  	s29 =	simm.s32 $0xC000;
	s30 =	simm.s32 $0x2  }
0xaf: {  	[tilespmem:s29], [sflag:$0x3] =	stream.indirect_vreg.gather [hbm4b:s24+s6], $0x80, v3, vm0, $0xb8;
	[tilespmem:$0x13400] =	vst v63  }
0xb0: {  	_ =	swait.ge [sflag:s30], $0x6000  }
0xb1: {  	[sflag:s30] =	ssyncset.done $0x0  }
0xb2: {  	s17 =	simm.s32 $0x0;
	[sflag:s30] =	ssyncadd.s32 $0xFFFFA000  }
.LBB2_2:
0xb3: {  	s2 =	simm.s32 $0x0  }
0xb4: {  	s3 =	simm.s32 $0x0;
	s4 =	sand.u32 $0x7FFFFC00, s2  }
0xb5: {  	s0 =	sshll.u32 s17, $0x3;
	s11 =	sand.u32 $0x40, s3;
	s20 =	sshrl.u32 s4, $0x2  }
0xb6: {  	s0 =	sshra.s32 s0, $0x2;
	s8 =	sor.u32 $0x30, s11;
	s3 =	sadd.s32 $0x12800, s20  }
0xb7: {  	v3 =	vld [tilespmem:s0+$0x400];
	s23 =	sor.u32 s8, s3  }
0xb8: {  	s25 =	sor.u32 $0x20, s11;
	v6 =	vld [tilespmem:s23+$0x0]  }
0xb9: {  	s26 =	sor.u32 s25, s3;
	v4 =	vld [tilespmem:s23+$0x80]  }
0xba: {  	s21 =	sshrl.u32 s17, $0x2;
	s1 =	sor.u32 $0x10, s11;
	v12 =	vld [tilespmem:s26+$0x0]  }
0xbb: {  	s2 =	smul.u32 $0x1800, s21;
	s13 =	sor.u32 s1, s3;
	v10 =	vld [tilespmem:s26+$0x80]  }
0xbc: {  	s5 =	sshll.u32 s17, $0x8;
	v15 =	vld [tilespmem:s13+$0x0]  }
0xbd: {  	s19 =	sand.u32 $0x300, s5;
	s22 =	sadd.s32 s2, s4;
	s3 =	sor.u32 s11, s3;
	v16 =	vld [tilespmem:s13+$0x80]  }
0xbe: {  	s12 =	sor.u32 s19, s22;
	v21 =	vld [tilespmem:s3+$0x0]  }
0xbf: {  	s20 =	sor.u32 $0x80, s19;
	s7 =	sor.u32 s8, s12;
	v22 =	vld [tilespmem:s3+$0x80]  }
0xc0: {  	s0 =	sor.u32 s20, s22;
	v5 =	vld [tilespmem:s7+$0x800]  }
0xc1: {  	s8 =	sor.u32 s8, s0;
	v7 =	vld [tilespmem:s7+$0xC800]  }
0xc2: {  	v8 =	vld [tilespmem:s8+$0x800]  }
0xc3: {  	s10 =	sor.u32 s25, s12;
	v9 =	vld [tilespmem:s8+$0xC800]  }
0xc4: {  	s9 =	sor.u32 s25, s0;
	v11 =	vld [tilespmem:s10+$0xC800]  }
0xc5: {  	v13 =	vld [tilespmem:s9+$0x800];
	(v2sf) =	vpush v3, $0x0  }
0xc6: {  	s5 =	sor.u32 s1, s12;
	v14 =	vld [tilespmem:s9+$0xC800];
	(v2sf) =	vpush v3, $0x1  }
0xc7: {  	v17 =	vld [tilespmem:s5+$0x800]  }
0xc8: {  	s4 =	sor.u32 s1, s0;
	v18 =	vld [tilespmem:s5+$0xC800]  }
0xc9: {  	v19 =	vld [tilespmem:s4+$0x800]  }
0xca: {  	s3 =	sor.u32 s11, s12;
	v20 =	vld [tilespmem:s4+$0xC800]  }
0xcb: {  	v23 =	vld [tilespmem:s3+$0x800]  }
0xcc: {  	s13 =	sor.u32 s11, s0;
	v24 =	vld [tilespmem:s3+$0xC800]  }
0xcd: {  	s14 =	simm.s32 $0x200;
	v25 =	vld [tilespmem:s13+$0x800]  }
0xce: {  	s28 =	simm.s32 $0x40;
	s22 =	sand.u32 $0x7FFFFC00, s14;
	v27 =	vld [tilespmem:s13+$0xC800]  }
0xcf: {  	s29 =	sand.u32 $0x40, s28;
	s23 =	sadd.s32 s2, s22;
	v3 =	vld [tilespmem:s10+$0x800];
	v26 =	vsub.f32 v4, v6;
	v30 =	vsub.f32 v10, v12  }
0xd0: {  	s16 =	sor.u32 $0x30, s29;
	s12 =	sshrl.u32 s22, $0x2;
	s30 =	sor.u32 s20, s23;
	v32 =	vsub.f32 v16, v15;
	v28 =	vadd.f32 v7, v5  }
0xd1: {  	s12 =	sadd.s32 $0x12800, s12;
	s11 =	sor.u32 s19, s23;
	s23 =	sor.u32 s16, s30;
	v29 =	vadd.f32 v9, v8;
	v13 =	vadd.f32 v14, v13  }
0xd2: {  	s26 =	sor.u32 s16, s12;
	v10 =	vld [tilespmem:s23+$0x800];
	v14 =	vadd.f32 v18, v17;
	v16 =	vadd.f32 v20, v19  }
0xd3: {  	v5 =	vld [tilespmem:s26+$0x0];
	v17 =	vsub.f32 v22, v21;
	v19 =	vadd.f32 v24, v23  }
0xd4: {  	s22 =	sor.u32 s16, s11;
	v7 =	vld [tilespmem:s26+$0x80];
	v20 =	vadd.f32 v27, v25;
	v31 =	vadd.f32 v11, v3;
	s15 =	spop (v2sf)  }
0xd5: {  	v8 =	vld [tilespmem:s22+$0x800];
	v22 =	vadd.f32 v28, v6;
	v25 =	vadd.f32 v29, v6;
	s15 =	scvt.s32.f32 s15;
	s25 =	spop (v2sf)  }
0xd6: {  	s1 =	sor.u32 $0x20, s29;
	v18 =	vimm.f32 $0.0e+00;
	v9 =	vld [tilespmem:s22+$0xC800];
	v28 =	vadd.f32 v13, v12;
	v20 =	vadd.f32 v20, v21;
	s25 =	scvt.s32.f32 s25  }
0xd7: {  	s14 =	sor.u32 s1, s12;
	v11 =	vld [tilespmem:s23+$0xC800];
	v24 =	vadd.f32 v31, v12;
	v12 =	vadd.f32 v19, v21;
	v3 =	vmov s15  }
0xd8: {  	v6 =	vld [tilespmem:s14+$0x0];
	v4 =	vmov s25;
	v23 =	vmul.f32 v26, v3;
	v27 =	vmul.f32 v30, v3  }
0xd9: {  	s0 =	sor.u32 s1, s30;
	v13 =	vld [tilespmem:s14+$0x80];
	v21 =	vadd.f32 v16, v15;
	v19 =	vmul.f32 v17, v3;
	v26 =	vmul.f32 v26, v4  }
0xda: {  	v16 =	vld [tilespmem:s0+$0x800];
	s25 =	sor.u32 s1, s11;
	v29 =	vmul.f32 v30, v4;
	v30 =	vadd.f32 v14, v15;
	v17 =	vmul.f32 v17, v4  }
0xdb: {  	v14 =	vld [tilespmem:s25+$0x800];
	v19 =	vadd.f32 v12, v19;
	v12 =	vmul.f32 v32, v3;
	v31 =	vadd.f32 v22, v23  }
0xdc: {  	s16 =	sor.u32 $0x10, s29;
	v15 =	vld [tilespmem:s25+$0xC800];
	v27 =	vadd.f32 v24, v27;
	v23 =	vadd.f32 v20, v17;
	v20 =	vmul.f32 v32, v4  }
0xdd: {  	s14 =	sor.u32 s16, s12;
	v22 =	vadd.f32 v25, v26;
	v17 =	vld [tilespmem:s0+$0xC800];
	v25 =	vmul.f32 v19, v19;
	v26 =	vadd.f32 v30, v12  }
0xde: {  	v28 =	vadd.f32 v28, v29;
	[tilespmem:s3+$0x800] =	vst v19;
	v12 =	vld [tilespmem:s14+$0x0];
	v24 =	vmul.f32 v23, v23;
	v30 =	vadd.f32 v21, v20  }
0xdf: {  	s3 =	sor.u32 s16, s11;
	v19 =	vadd.f32 v19, v18;
	[tilespmem:s10+$0x800] =	vst v27;
	v20 =	vld [tilespmem:s14+$0x80];
	v25 =	vadd.f32 v25, v18;
	v29 =	vmul.f32 v26, v26  }
0xe0: {  	[tilespmem:s13+$0x800] =	vst v23;
	v21 =	vld [tilespmem:s3+$0x800];
	v23 =	vadd.f32 v23, v18;
	v18 =	vadd.f32 v24, v18;
	v62 =	vmul.f32 v30, v30  }
0xe1: {  	s26 =	sor.u32 s29, s12;
	v33 =	vmul.f32 v27, v27;
	[tilespmem:s5+$0x800] =	vst v26;
	v19 =	vadd.f32 v26, v19;
	v24 =	vld [tilespmem:s3+$0xC800];
	v29 =	vadd.f32 v29, v25  }
0xe2: {  	v63 =	vmul.f32 v28, v28;
	[tilespmem:s4+$0x800] =	vst v30;
	s4 =	sor.u32 s16, s30;
	v30 =	vadd.f32 v30, v23;
	v23 =	vld [tilespmem:s26+$0x0];
	v18 =	vadd.f32 v62, v18  }
0xe3: {  	v34 =	vmul.f32 v31, v31;
	[tilespmem:s7+$0x800] =	vst v31;
	v25 =	vld [tilespmem:s4+$0x800];
	v19 =	vadd.f32 v27, v19;
	v33 =	vadd.f32 v33, v29  }
0xe4: {  	[tilespmem:s9+$0x800] =	vst v28;
	v26 =	vld [tilespmem:s4+$0xC800];
	v28 =	vadd.f32 v28, v30;
	v30 =	vmul.f32 v22, v22;
	v29 =	vadd.f32 v63, v18  }
0xe5: {  	s7 =	sor.u32 s29, s11;
	[tilespmem:s8+$0x800] =	vst v22;
	s8 =	simm.s32 $0x400;
	v27 =	vld [tilespmem:s26+$0x80];
	v18 =	vadd.f32 v31, v19;
	v19 =	vadd.f32 v34, v33  }
.LBB2_3:
0xe6: {  	s28 =	sadd.s32 $0x40, s28;
	s5 =	sand.u32 $0x7FFFFC00, s8;
	v31 =	vld [tilespmem:s7+$0x800];
	v28 =	vadd.f32 v22, v28;
	v29 =	vadd.f32 v30, v29  }
0xe7: {  	s12 =	sor.u32 s29, s30;
	s9 =	sshrl.u32 s5, $0x2;
	v22 =	vld [tilespmem:s7+$0xC800];
	s29 =	sand.u32 $0x40, s28  }
0xe8: {  	v32 =	vsub.f32 v7, v5;
	p0 =	slt.u32 s28, $0x2C0;
	s10 =	sadd.s32 $0x12800, s9;
	s13 =	sor.u32 $0x30, s29;
	v30 =	vld [tilespmem:s12+$0x800]  }
0xe9: {  	v34 =	vadd.f32 v9, v8;
	v35 =	vadd.f32 v11, v10;
	s5 =	sadd.s32 s2, s5;
	s11 =	sor.u32 s13, s10;
	v33 =	vld [tilespmem:s12+$0xC800]  }
0xea: {  	v13 =	vsub.f32 v13, v6;
	v14 =	vadd.f32 v15, v14;
	s9 =	sor.u32 s19, s5;
	v36 =	vld [tilespmem:s11+$0x0]  }
0xeb: {  	v20 =	vsub.f32 v20, v12;
	v15 =	vadd.f32 v17, v16;
	v7 =	vld [tilespmem:s11+$0x80];
	s11 =	sor.u32 s13, s9  }
0xec: {  	v16 =	vadd.f32 v24, v21;
	s30 =	sor.u32 s20, s5;
	v17 =	vadd.f32 v26, v25;
	v8 =	vld [tilespmem:s11+$0x800]  }
0xed: {  	s5 =	sor.u32 s13, s30;
	v21 =	vsub.f32 v27, v23;
	v22 =	vadd.f32 v22, v31;
	v9 =	vld [tilespmem:s11+$0xC800]  }
0xee: {  	v25 =	vadd.f32 v34, v5;
	v26 =	vmul.f32 v32, v3;
	s13 =	sor.u32 $0x20, s29;
	v10 =	vld [tilespmem:s5+$0x800];
	v24 =	vadd.f32 v33, v30  }
0xef: {  	v27 =	vadd.f32 v14, v6;
	s14 =	sor.u32 s13, s10;
	v31 =	vmul.f32 v32, v4;
	v30 =	vadd.f32 v35, v5;
	v11 =	vld [tilespmem:s5+$0xC800];
	v5 =	vmovc v36  }
0xf0: {  	v34 =	vmul.f32 v13, v4;
	v32 =	vmul.f32 v13, v3;
	v33 =	vadd.f32 v15, v6;
	v6 =	vld [tilespmem:s14+$0x0]  }
0xf1: {  	v22 =	vadd.f32 v22, v23;
	v35 =	vmul.f32 v21, v3;
	v36 =	vadd.f32 v16, v12;
	v13 =	vld [tilespmem:s14+$0x80];
	s14 =	sor.u32 s13, s9  }
0xf2: {  	v21 =	vmul.f32 v21, v4;
	v23 =	vadd.f32 v24, v23;
	v24 =	vadd.f32 v17, v12;
	v14 =	vld [tilespmem:s14+$0x800]  }
0xf3: {  	v37 =	vadd.f32 v25, v26;
	v35 =	vadd.f32 v22, v35;
	v12 =	vmul.f32 v20, v3;
	s13 =	sor.u32 s13, s30;
	v15 =	vld [tilespmem:s14+$0xC800]  }
0xf4: {  	s15 =	sor.u32 $0x10, s29;
	v20 =	vmul.f32 v20, v4;
	v22 =	vadd.f32 v30, v31;
	v23 =	vadd.f32 v23, v21;
	v16 =	vld [tilespmem:s13+$0x800]  }
0xf5: {  	s26 =	sor.u32 s15, s10;
	v27 =	vadd.f32 v27, v32;
	v21 =	vmul.f32 v35, v35;
	v25 =	vadd.f32 v36, v12;
	v17 =	vld [tilespmem:s13+$0xC800];
	[tilespmem:s7+$0x800] =	vst v35  }
0xf6: {  	v31 =	vadd.f32 v33, v34;
	v30 =	vadd.f32 v24, v20;
	v26 =	vmul.f32 v23, v23;
	v12 =	vld [tilespmem:s26+$0x0];
	[tilespmem:s12+$0x800] =	vst v23  }
0xf7: {  	v18 =	vadd.f32 v35, v18;
	v19 =	vadd.f32 v21, v19;
	v32 =	vmul.f32 v25, v25;
	v20 =	vld [tilespmem:s26+$0x80];
	[tilespmem:s3+$0x800] =	vst v25;
	s3 =	sor.u32 s15, s9  }
0xf8: {  	v23 =	vadd.f32 v23, v28;
	v26 =	vadd.f32 v26, v29;
	v28 =	vmul.f32 v30, v30;
	v21 =	vld [tilespmem:s3+$0x800];
	[tilespmem:s4+$0x800] =	vst v30  }
.Ltmp0:
0xf9: {  	v18 =	vadd.f32 v25, v18;
	v19 =	vadd.f32 v32, v19;
	v29 =	vmul.f32 v27, v27;
	s4 =	sor.u32 s15, s30;
	v24 =	vld [tilespmem:s3+$0xC800];
	[tilespmem:s25+$0x800] =	vst v27;
	s25 =	smov.u32 s14;
	(pc) =	sbr.rel @p0 .LBB2_3-.Ltmp0, $4  }
0xfa: {  	v33 =	vmul.f32 v31, v31;
	v30 =	vadd.f32 v30, v23;
	v32 =	vadd.f32 v28, v26;
	v25 =	vld [tilespmem:s4+$0x800];
	[tilespmem:s0+$0x800] =	vst v31;
	s0 =	smov.u32 s13  }
0xfb: {  	v34 =	vmul.f32 v37, v37;
	s7 =	sor.u32 s29, s10;
	v18 =	vadd.f32 v27, v18;
	v19 =	vadd.f32 v29, v19;
	v26 =	vld [tilespmem:s4+$0xC800];
	[tilespmem:s22+$0x800] =	vst v37;
	s22 =	smov.u32 s11  }
0xfc: {  	v28 =	vadd.f32 v31, v30;
	v29 =	vadd.f32 v33, v32;
	v30 =	vmul.f32 v22, v22;
	v23 =	vld [tilespmem:s7+$0x0];
	[tilespmem:s23+$0x800] =	vst v22;
	s23 =	smov.u32 s5  }
0xfd: {  	s8 =	sadd.s32 $0x200, s8;
	v18 =	vadd.f32 v37, v18;
	v19 =	vadd.f32 v34, v19;
	v27 =	vld [tilespmem:s7+$0x80];
	s7 =	sor.u32 s29, s9  }
0xfe: {  	v22 =	vadd.f32 v22, v28  }
0xff: {  	v59 =	vadd.f32 v30, v29;
	v7 =	vsub.f32 v7, v5  }
0x100: {  	v31 =	vld [tilespmem:s7+$0x800];
	v8 =	vadd.f32 v9, v8;
	v9 =	vadd.f32 v11, v10  }
0x101: {  	v32 =	vld [tilespmem:s7+$0xC800];
	v10 =	vsub.f32 v13, v6;
	v11 =	vadd.f32 v15, v14  }
0x102: {  	s2 =	sor.u32 s29, s30;
	v13 =	vsub.f32 v20, v12;
	v14 =	vadd.f32 v17, v16  }
0x103: {  	v15 =	vadd.f32 v24, v21;
	v60 =	vld [tilespmem:s2+$0x800];
	v16 =	vadd.f32 v26, v25  }
0x104: {  	v61 =	vld [tilespmem:s2+$0xC800];
	v8 =	vadd.f32 v8, v5;
	v11 =	vadd.f32 v11, v6  }
0x105: {  	v63 =	vmul.f32 v7, v3;
	v5 =	vadd.f32 v9, v5;
	v6 =	vadd.f32 v14, v6  }
0x106: {  	v7 =	vmul.f32 v7, v4;
	v17 =	vsub.f32 v27, v23;
	v20 =	vadd.f32 v32, v31  }
0x107: {  	v9 =	vmul.f32 v10, v3;
	v15 =	vadd.f32 v15, v12;
	v12 =	vadd.f32 v16, v12  }
0x108: {  	v5 =	vadd.f32 v5, v7;
	v14 =	vadd.f32 v20, v23;
	v20 =	vmul.f32 v17, v3  }
0x109: {  	v62 =	vadd.f32 v61, v60;
	v17 =	vmul.f32 v17, v4;
	v3 =	vmul.f32 v13, v3  }
0x10a: {  	v13 =	vmul.f32 v13, v4;
	v4 =	vmul.f32 v10, v4;
	v14 =	vadd.f32 v14, v20  }
0x10b: {  	v9 =	vadd.f32 v11, v9;
	v21 =	vadd.f32 v62, v23  }
0x10c: {  	v3 =	vadd.f32 v15, v3;
	v4 =	vadd.f32 v6, v4;
	v7 =	vmul.f32 v14, v14  }
0x10d: {  	v16 =	vadd.f32 v21, v17;
	v6 =	vadd.f32 v14, v18  }
0x10e: {  	v10 =	vadd.f32 v12, v13;
	v12 =	vmul.f32 v3, v3;
	v7 =	vadd.f32 v7, v19  }
0x10f: {  	v8 =	vadd.f32 v8, v63;
	v11 =	vmul.f32 v16, v16;
	v6 =	vadd.f32 v3, v6  }
0x110: {  	v13 =	vadd.f32 v16, v22;
	v7 =	vadd.f32 v12, v7;
	v12 =	vmul.f32 v9, v9  }
0x111: {  	v15 =	vmul.f32 v10, v10;
	v11 =	vadd.f32 v11, v59;
	v6 =	vadd.f32 v9, v6  }
0x112: {  	v13 =	vadd.f32 v10, v13;
	v7 =	vadd.f32 v12, v7;
	v12 =	vmul.f32 v8, v8  }
0x113: {  	v11 =	vadd.f32 v15, v11;
	v15 =	vmul.f32 v4, v4;
	v6 =	vadd.f32 v8, v6  }
0x114: {  	v13 =	vadd.f32 v4, v13;
	v7 =	vadd.f32 v12, v7  }
0x115: {  	v11 =	vadd.f32 v15, v11;
	v15 =	vmul.f32 v5, v5;
	(xrf2) =	vadd.scan.msk.f32 $0xffff, v6  }
0x116: {  	v12 =	vadd.f32 v5, v13;
	(xrf2) =	vadd.scan.msk.f32 $0xffff, v7  }
0x117: {  	v6 =	vadd.f32 v15, v11  }
0x118: {  	(xrf2) =	vadd.scan.msk.f32 $0xffff, v12  }
0x119: {  	(xrf2) =	vadd.scan.msk.f32 $0xffff, v6;
	_ =	sdelay $0x5  }
0x11a: {  	v6, _, _ =	vpop (xrf2)  }
0x11b: {  	(v2sf) =	vpush v6, $0xF;
	v7, _, _ =	vpop (xrf2)  }
0x11c: {  	(v2sf) =	vpush v7, $0xF  }
0x11d: {  	v6, _, _ =	vpop (xrf2)  }
0x11e: {  	(v2sf) =	vpush v6, $0xF;
	v6, _, _ =	vpop (xrf2)  }
0x11f: {  	(v2sf) =	vpush v6, $0xF;
	_ =	sdelay $0xa  }
0x120: {  	s5 =	spop (v2sf)  }
0x121: {  	s5 =	smul.f32 $1.302083370e-03, s5;
	s8 =	spop (v2sf)  }
0x122: {  	s10 =	smul.f32 $1.302083370e-03, s8  }
0x123: {  	s9 =	spop (v2sf);
	s12 =	smul.f32 s5, s5  }
0x124: {  	s1 =	smul.f32 $1.302083370e-03, s9;
	s13 =	spop (v2sf)  }
0x125: {  	s9 =	smul.f32 $1.302083370e-03, s13  }
0x126: {  	s11 =	smul.f32 s1, s1  }
0x127: {  	s10 =	ssub.f32 s10, s12  }
0x128: {  	s9 =	ssub.f32 s9, s11  }
0x129: {  	s10 =	sadd.f32 $9.999999740e-06, s10  }
0x12a: {  	s9 =	sadd.f32 $9.999999740e-06, s9  }
0x12b: {  	v7 =	vmov s10  }
0x12c: {  	v12 =	vshra.s32 v7, $0x1;
	v6 =	vmov s9  }
0x12d: {  	v7 =	vmul.f32 $5.000000000e-01, v7;
	v11 =	vshra.s32 v6, $0x1;
	v6 =	vmul.f32 $5.000000000e-01, v6  }
0x12e: {  	v12 =	vsub.s32 $0x5F3759DF, v12;
	v11 =	vsub.s32 $0x5F3759DF, v11  }
0x12f: {  	v15 =	vmul.f32 v12, v7;
	v13 =	vmul.f32 v11, v6;
	_ =	sdelay $0x1  }
0x130: {  	v15 =	vmul.f32 v12, v15;
	v13 =	vmul.f32 v11, v13;
	_ =	sdelay $0x1  }
0x131: {  	v15 =	vsub.f32 $1.500000000e+00, v15;
	v13 =	vsub.f32 $1.500000000e+00, v13;
	_ =	sdelay $0x1  }
0x132: {  	v12 =	vmul.f32 v12, v15;
	v11 =	vmul.f32 v11, v13;
	_ =	sdelay $0x1  }
0x133: {  	v15 =	vmul.f32 v12, v7;
	v13 =	vmul.f32 v11, v6;
	_ =	sdelay $0x1  }
0x134: {  	v15 =	vmul.f32 v15, v12;
	v13 =	vmul.f32 v13, v11;
	_ =	sdelay $0x1  }
0x135: {  	v15 =	vsub.f32 $1.500000000e+00, v15;
	v13 =	vsub.f32 $1.500000000e+00, v13;
	_ =	sdelay $0x1  }
0x136: {  	v12 =	vmul.f32 v15, v12;
	v11 =	vmul.f32 v13, v11  }
0x137: {  	[tilespmem:s25+$0x800] =	vst v9  }
0x138: {  	[tilespmem:s3+$0x800] =	vst v3;
	v3 =	vmul.f32 v12, v7;
	v13 =	vmul.f32 v11, v6  }
0x139: {  	s14 =	smul.u32 $0x6000, s21;
	[tilespmem:s7+$0x800] =	vst v14  }
0x13a: {  	[tilespmem:s4+$0x800] =	vst v10;
	v3 =	vmul.f32 v3, v12;
	v10 =	vmul.f32 v13, v11  }
0x13b: {  	s16 =	simm.s32 $0x0;
	s15 =	sshra.s32 s14, $0x2;
	[tilespmem:s0+$0x800] =	vst v4  }
0x13c: {  	s0 =	sadd.s32 $0x800, s15;
	s3 =	sand.u32 $0x1C00, s16;
	[tilespmem:s2+$0x800] =	vst v16;
	s2 =	simm.s32 $0x0;
	v3 =	vsub.f32 $1.500000000e+00, v3;
	v4 =	vsub.f32 $1.500000000e+00, v10  }
0x13d: {  	[tilespmem:s22+$0x800] =	vst v8;
	s3 =	sadd.s32 s3, s0;
	s22 =	sand.u32 $0x40, s2  }
0x13e: {  	[tilespmem:s23+$0x800] =	vst v5;
	s4 =	simm.s32 $0x12E00;
	s25 =	sadd.s32 s20, s3;
	s26 =	sor.u32 $0x30, s22;
	v10 =	vmul.f32 v3, v12;
	v4 =	vmul.f32 v4, v11  }
0x13f: {  	s29 =	sadd.s32 s19, s3;
	v16 =	vld [tilespmem:s4+$0x0];
	s28 =	sadd.s32 s26, s25;
	s13 =	sor.u32 $0x10, s22  }
0x140: {  	s7 =	sadd.s32 s13, s29;
	v5 =	vmul.f32 v4, v6;
	v6 =	vmul.f32 v10, v7;
	v7 =	vld [tilespmem:s28+$0x0]  }
0x141: {  	s23 =	sadd.s32 s22, s29;
	v13 =	vld [tilespmem:s7+$0x0]  }
0x142: {  	s3 =	sadd.s32 s22, s25;
	v11 =	vld [tilespmem:s23+$0x0];
	v5 =	vmul.f32 v5, v4;
	v6 =	vmul.f32 v6, v10  }
0x143: {  	s21 =	simm.s32 $0x13100;
	s14 =	sand.u32 $0x380, s2;
	v12 =	vld [tilespmem:s3+$0x0]  }
0x144: {  	s15 =	sor.u32 s14, s26;
	v8 =	vmov s1;
	v3 =	vld [tilespmem:s21+$0x0];
	v9 =	vsub.f32 $1.500000000e+00, v5;
	v14 =	vsub.f32 $1.500000000e+00, v6  }
0x145: {  	s8 =	sadd.s32 s13, s25;
	v5 =	vld [tilespmem:s15+$0x12E00];
	v15 =	vsub.f32 v7, v8  }
0x146: {  	s30 =	sor.u32 $0x20, s22;
	v4 =	vmul.f32 v9, v4;
	v9 =	vmov s5;
	v7 =	vmul.f32 v14, v10;
	v10 =	vld [tilespmem:s8+$0x0]  }
0x147: {  	s21 =	sadd.s32 s30, s29;
	v6 =	vld [tilespmem:s15+$0x13100];
	v11 =	vsub.f32 v11, v9  }
0x148: {  	s22 =	sadd.s32 s30, s25;
	v12 =	vsub.f32 v12, v8;
	v14 =	vld [tilespmem:s21+$0x0];
	v17 =	vmul.f32 v15, v4  }
0x149: {  	s25 =	sadd.s32 s26, s29;
	v15 =	vld [tilespmem:s22+$0x0];
	v11 =	vmul.f32 v11, v7  }
0x14a: {  	s11 =	sor.u32 s14, s13;
	v13 =	vsub.f32 v13, v9;
	v20 =	vmul.f32 v12, v4;
	v12 =	vld [tilespmem:s25+$0x0];
	v17 =	vmul.f32 v17, v5  }
0x14b: {  	s5 =	sor.u32 s14, s30;
	v18 =	vmul.f32 v11, v16;
	v11 =	vld [tilespmem:s11+$0x12E00];
	v19 =	vsub.f32 v10, v8  }
0x14c: {  	s10 =	simm.s32 $0x13140;
	s9 =	simm.s32 $0x200;
	v13 =	vmul.f32 v13, v7;
	v16 =	vmul.f32 v20, v16;
	v10 =	vld [tilespmem:s5+$0x12E00];
	v17 =	vadd.f32 v17, v6  }
.LBB2_5:
0x14d: {  	s2 =	sadd.s32 $0x40, s2;
	s12 =	sand.u32 $0x1C00, s9;
	v18 =	vadd.f32 v18, v3;
	v20 =	vld [tilespmem:s11+$0x13100];
	v19 =	vmul.f32 v19, v4;
	v14 =	vsub.f32 v14, v9;
	s4 =	sadd.s32 $0x40, s4  }
0x14e: {  	s11 =	sand.u32 $0x40, s2;
	s12 =	sadd.s32 s12, s0;
	p0 =	slt.u32 s2, $0x2C0;
	v16 =	vadd.f32 v16, v3;
	v21 =	vld [tilespmem:s5+$0x13100];
	v15 =	vsub.f32 v15, v8;
	[tilespmem:s28+$0x0] =	vst v17  }
0x14f: {  	v3 =	vld [tilespmem:s10+$0x0];
	s5 =	sadd.s32 s19, s12;
	s12 =	sadd.s32 s20, s12;
	s13 =	sor.u32 $0x30, s11;
	[tilespmem:s23+$0x0] =	vst v18;
	v14 =	vmul.f32 v14, v7;
	v12 =	vsub.f32 v12, v9  }
0x150: {  	s14 =	sor.u32 $0x10, s11;
	s15 =	sor.u32 $0x20, s11;
	v17 =	vld [tilespmem:s4+$0x0];
	s28 =	sadd.s32 s13, s12;
	[tilespmem:s3+$0x0] =	vst v16;
	v13 =	vmul.f32 v13, v11;
	v15 =	vmul.f32 v15, v4  }
0x151: {  	s23 =	sadd.s32 s11, s5;
	s3 =	sadd.s32 s11, s12;
	s26 =	sadd.s32 s14, s5;
	v11 =	vmul.f32 v19, v11;
	v16 =	vld [tilespmem:s28+$0x0];
	v12 =	vmul.f32 v12, v7  }
0x152: {  	s29 =	sadd.s32 s14, s12;
	s30 =	sadd.s32 s15, s5;
	s12 =	sadd.s32 s15, s12;
	v14 =	vmul.f32 v14, v10;
	v18 =	vld [tilespmem:s23+$0x0];
	v13 =	vadd.f32 v13, v20;
	v10 =	vmul.f32 v15, v10  }
0x153: {  	s16 =	sand.u32 $0x380, s2;
	s1 =	sadd.s32 s13, s5;
	v11 =	vadd.f32 v11, v20;
	v15 =	vld [tilespmem:s3+$0x0];
	v12 =	vmul.f32 v12, v5  }
0x154: {  	s11 =	sor.u32 s16, s14;
	s5 =	sor.u32 s16, s15;
	s13 =	sor.u32 s16, s13;
	v19 =	vld [tilespmem:s26+$0x0];
	[tilespmem:s7+$0x0] =	vst v13;
	v13 =	vadd.f32 v14, v21;
	v10 =	vadd.f32 v10, v21  }
0x155: {  	s7 =	smov.u32 s26;
	v5 =	vld [tilespmem:s13+$0x12E00];
	[tilespmem:s8+$0x0] =	vst v11;
	v11 =	vadd.f32 v12, v6;
	s8 =	smov.u32 s29  }
0x156: {  	v20 =	vld [tilespmem:s8+$0x0];
	v12 =	vsub.f32 v16, v8;
	[tilespmem:s21+$0x0] =	vst v13;
	s21 =	smov.u32 s30  }
0x157: {  	v13 =	vsub.f32 v18, v9;
	v6 =	vld [tilespmem:s13+$0x13100];
	[tilespmem:s22+$0x0] =	vst v10;
	s22 =	smov.u32 s12  }
.Ltmp1:
0x158: {  	v10 =	vsub.f32 v15, v8;
	v14 =	vld [tilespmem:s21+$0x0];
	v16 =	vmul.f32 v12, v4;
	[tilespmem:s25+$0x0] =	vst v11;
	s25 =	smov.u32 s1;
	(pc) =	sbr.rel @p0 .LBB2_5-.Ltmp1, $4  }
0x159: {  	v11 =	vmul.f32 v13, v7;
	v13 =	vsub.f32 v19, v9;
	v15 =	vld [tilespmem:s22+$0x0]  }
0x15a: {  	v10 =	vmul.f32 v10, v4;
	v12 =	vld [tilespmem:s25+$0x0];
	v21 =	vmul.f32 v16, v5  }
0x15b: {  	v18 =	vmul.f32 v11, v17;
	v11 =	vld [tilespmem:s11+$0x12E00];
	v13 =	vmul.f32 v13, v7;
	v19 =	vsub.f32 v20, v8  }
0x15c: {  	s9 =	sadd.s32 $0x200, s9;
	s10 =	sadd.s32 $0x40, s10;
	v16 =	vmul.f32 v10, v17;
	v10 =	vld [tilespmem:s5+$0x12E00];
	v17 =	vadd.f32 v21, v6  }
0x15d: {  	v20 =	vld [tilespmem:s11+$0x13100]  }
0x15e: {  	v14 =	vsub.f32 v14, v9  }
0x15f: {  	v18 =	vadd.f32 v18, v3;
	v19 =	vmul.f32 v19, v4;
	v53 =	vld [tilespmem:s5+$0x13100];
	v8 =	vsub.f32 v15, v8  }
0x160: {  	v14 =	vmul.f32 v14, v7;
	v54 =	vsub.f32 v12, v9;
	v55 =	vmul.f32 v13, v11  }
0x161: {  	v3 =	vadd.f32 v16, v3;
	[tilespmem:s28+$0x0] =	vst v17;
	v56 =	vmul.f32 v8, v4;
	v57 =	vmul.f32 v19, v11  }
0x162: {  	s17 =	sadd.s32 $0x1, s17;
	[tilespmem:s23+$0x0] =	vst v18;
	v58 =	vmul.f32 v54, v7;
	v60 =	vmul.f32 v14, v10;
	v59 =	vadd.f32 v55, v20  }
0x163: {  	p0 =	sne.s32 s17, $0x10;
	[tilespmem:s3+$0x0] =	vst v3;
	v3 =	vmul.f32 v56, v10;
	v61 =	vadd.f32 v57, v20  }
.Ltmp2:
0x164: {  	v5 =	vmul.f32 v58, v5;
	v62 =	vadd.f32 v60, v53;
	[tilespmem:s7+$0x0] =	vst v59;
	(pc) =	sbr.rel @p0 .LBB2_2-.Ltmp2, $4  }
0x165: {  	v3 =	vadd.f32 v3, v53;
	[tilespmem:s8+$0x0] =	vst v61  }
0x166: {  	v63 =	vadd.f32 v5, v6;
	[tilespmem:s21+$0x0] =	vst v62  }
0x167: {  	[tilespmem:s22+$0x0] =	vst v3  }
0x168: {  	[tilespmem:s25+$0x0] =	vst v63  }
0x169: {  	s17 =	simm.s32 $0x0;
	s0 =	rddreg [dreg:$0x14];
	s16 =	simm.s32 $0x4  }
0x16a: {  	[hbm4b:s0+s17] =	stream.linear.scatter [tilespmem:s31], [sflag:$0x4], $0x6000, $0x38;
	[tilespmem:$0x13400] =	vst v63  }
0x16b: {  	_ =	swait.ge [sflag:s16], $0x6000  }
0x16c: {  	[sflag:s16] =	ssyncset.done $0x0  }
0x16d: {  	[sflag:s16] =	ssyncadd.s32 $0xFFFFA000  }
0x16e: {  	v3 =	vld [tilespmem:$0x100];
	_ =	sdelay $0x4  }
0x16f: {  	v4 =	vshrl.u32 v3, $0x3  }
0x170: {  	v4 =	vmul.u32 $0x30, v4  }
0x171: {  	v3 =	vand.u32 $0x7, v3  }
0x172: {  	v3 =	vor.u32 v3, v4  }
0x173: {  	v4 =	vperm.xlane v3, v0;
	_ =	sdelay $0x1  }
0x174: {  	v4 =	vadd.s32 v1, v4;
	_ =	sdelay $0x3  }
0x175: {  	s0 =	rddreg [dreg:$0x2];
	v3 =	vperm.xlane v3, v2  }
0x176: {  	[tilespmem:s31], [sflag:$0x2] =	stream.indirect_vreg.gather [hbm4b:s0+s17], $0x80, v4, vm0, $0xb8;
	[tilespmem:$0x13400] =	vst v63  }
0x177: {  	s1 =	simm.s32 $0x1000;
	v3 =	vadd.s32 v1, v3  }
0x178: {  	[tilespmem:s1], [sflag:$0x2] =	stream.indirect_vreg.gather [hbm4b:s18+s17], $0x80, v4, vm0, $0xb8;
	[tilespmem:$0x13400] =	vst v63  }
0x179: {  	s19 =	simm.s32 $0x1800  }
0x17a: {  	[tilespmem:s19], [sflag:$0x2] =	stream.indirect_vreg.gather [hbm4b:s24+s17], $0x80, v4, vm0, $0xb8;
	[tilespmem:$0x13400] =	vst v63  }
0x17b: {  	s20 =	simm.s32 $0x2000  }
0x17c: {  	[tilespmem:s20], [sflag:$0x2] =	stream.indirect_vreg.gather [hbm4b:s0+s17], $0x80, v3, vm0, $0xb8;
	[tilespmem:$0x13400] =	vst v63  }
0x17d: {  	s21 =	simm.s32 $0x2800  }
0x17e: {  	[tilespmem:s21], [sflag:$0x2] =	stream.indirect_vreg.gather [hbm4b:s18+s17], $0x80, v3, vm0, $0xb8;
	[tilespmem:$0x13400] =	vst v63  }
0x17f: {  	s22 =	simm.s32 $0x3000  }
0x180: {  	[tilespmem:s22], [sflag:$0x2] =	stream.indirect_vreg.gather [hbm4b:s24+s17], $0x80, v3, vm0, $0xb8;
	[tilespmem:$0x13400] =	vst v63  }
0x181: {  	v3 =	vld [tilespmem:$0x110];
	_ =	sdelay $0x4  }
0x182: {  	v63 =	vshrl.u32 v3, $0x3  }
0x183: {  	v4 =	vmul.u32 $0x30, v63  }
0x184: {  	v3 =	vand.u32 $0x7, v3  }
0x185: {  	v3 =	vor.u32 v3, v4  }
0x186: {  	v4 =	vperm.xlane v3, v0;
	_ =	sdelay $0x1  }
0x187: {  	v4 =	vadd.s32 v1, v4;
	_ =	sdelay $0x3  }
0x188: {  	s23 =	simm.s32 $0x3800;
	v3 =	vperm.xlane v3, v2  }
0x189: {  	[tilespmem:s23], [sflag:$0x2] =	stream.indirect_vreg.gather [hbm4b:s0+s17], $0x80, v4, vm0, $0xb8;
	[tilespmem:$0x13400] =	vst v63  }
0x18a: {  	s25 =	simm.s32 $0x4000;
	v3 =	vadd.s32 v1, v3  }
0x18b: {  	[tilespmem:s25], [sflag:$0x2] =	stream.indirect_vreg.gather [hbm4b:s18+s17], $0x80, v4, vm0, $0xb8;
	[tilespmem:$0x13400] =	vst v63  }
0x18c: {  	s26 =	simm.s32 $0x4800  }
0x18d: {  	[tilespmem:s26], [sflag:$0x2] =	stream.indirect_vreg.gather [hbm4b:s24+s17], $0x80, v4, vm0, $0xb8;
	[tilespmem:$0x13400] =	vst v63  }
0x18e: {  	s28 =	simm.s32 $0x5000  }
0x18f: {  	[tilespmem:s28], [sflag:$0x2] =	stream.indirect_vreg.gather [hbm4b:s0+s17], $0x80, v3, vm0, $0xb8;
	[tilespmem:$0x13400] =	vst v63  }
0x190: {  	s29 =	simm.s32 $0x5800  }
0x191: {  	[tilespmem:s29], [sflag:$0x2] =	stream.indirect_vreg.gather [hbm4b:s18+s17], $0x80, v3, vm0, $0xb8;
	[tilespmem:$0x13400] =	vst v63  }
0x192: {  	s30 =	simm.s32 $0x6000;
	s31 =	simm.s32 $0x3  }
0x193: {  	[tilespmem:s30], [sflag:$0x2] =	stream.indirect_vreg.gather [hbm4b:s24+s17], $0x80, v3, vm0, $0xb8;
	[tilespmem:$0x13400] =	vst v63  }
0x194: {  	_ =	swait.ge [sflag:s31], $0x6000  }
0x195: {  	[sflag:s31] =	ssyncset.done $0x0  }
0x196: {  	s19 =	simm.s32 $0x0;
	[sflag:s31] =	ssyncadd.s32 $0xFFFFA000  }
.LBB2_8:
0x197: {  	s1 =	simm.s32 $0x0;
	s2 =	sand.u32 $0x7FFFFC00, s17  }
0x198: {  	s0 =	sshll.u32 s19, $0x3;
	s1 =	sand.u32 $0x40, s1;
	s4 =	sshrl.u32 s2, $0x2  }
0x199: {  	s0 =	sshra.s32 s0, $0x2;
	s4 =	sadd.s32 $0x12800, s4;
	s7 =	sor.u32 $0x30, s1  }
0x19a: {  	s22 =	sshrl.u32 s19, $0x2;
	v3 =	vld [tilespmem:s0+$0x480];
	s25 =	sor.u32 s7, s4  }
0x19b: {  	s3 =	smul.u32 $0x1800, s22;
	s26 =	sor.u32 $0x20, s1;
	v6 =	vld [tilespmem:s25+$0x0]  }
0x19c: {  	s5 =	sshll.u32 s19, $0x8;
	s31 =	sor.u32 s26, s4;
	v4 =	vld [tilespmem:s25+$0x80]  }
0x19d: {  	s20 =	sand.u32 $0x300, s5;
	s23 =	sadd.s32 s3, s2;
	v12 =	vld [tilespmem:s31+$0x0]  }
0x19e: {  	s14 =	sor.u32 s1, s4;
	s13 =	sor.u32 s20, s23;
	v10 =	vld [tilespmem:s31+$0x80]  }
0x19f: {  	s21 =	sor.u32 $0x80, s20;
	v21 =	vld [tilespmem:s14+$0x0];
	s8 =	sor.u32 s7, s13  }
0x1a0: {  	s0 =	sor.u32 s21, s23;
	v5 =	vld [tilespmem:s8+$0x6800]  }
0x1a1: {  	s9 =	sor.u32 s7, s0;
	v7 =	vld [tilespmem:s8+$0xC800]  }
0x1a2: {  	v8 =	vld [tilespmem:s9+$0x6800]  }
0x1a3: {  	s11 =	sor.u32 s26, s13;
	v9 =	vld [tilespmem:s9+$0xC800];
	(v2sf) =	vpush v3, $0x0  }
0x1a4: {  	s10 =	sor.u32 s26, s0;
	v11 =	vld [tilespmem:s11+$0xC800];
	(v2sf) =	vpush v3, $0x1  }
0x1a5: {  	v13 =	vld [tilespmem:s10+$0x6800]  }
0x1a6: {  	s28 =	sor.u32 s1, s0;
	v14 =	vld [tilespmem:s10+$0xC800]  }
0x1a7: {  	s7 =	sor.u32 $0x10, s1;
	v25 =	vld [tilespmem:s28+$0x6800]  }
0x1a8: {  	s12 =	sor.u32 s7, s4;
	v27 =	vld [tilespmem:s28+$0xC800]  }
0x1a9: {  	v15 =	vld [tilespmem:s12+$0x0]  }
0x1aa: {  	s5 =	sor.u32 s7, s0;
	v16 =	vld [tilespmem:s12+$0x80]  }
0x1ab: {  	v19 =	vld [tilespmem:s5+$0x6800]  }
0x1ac: {  	s4 =	sor.u32 s1, s13;
	v20 =	vld [tilespmem:s5+$0xC800]  }
0x1ad: {  	v23 =	vld [tilespmem:s4+$0x6800]  }
0x1ae: {  	v24 =	vld [tilespmem:s4+$0xC800]  }
0x1af: {  	s15 =	simm.s32 $0x200;
	s12 =	sor.u32 s7, s13;
	v3 =	vld [tilespmem:s11+$0x6800]  }
0x1b0: {  	s29 =	simm.s32 $0x40;
	s2 =	sand.u32 $0x7FFFFC00, s15;
	v17 =	vld [tilespmem:s12+$0x6800]  }
0x1b1: {  	s30 =	sand.u32 $0x40, s29;
	s23 =	sshrl.u32 s2, $0x2;
	v18 =	vld [tilespmem:s12+$0xC800];
	v26 =	vsub.f32 v4, v6  }
0x1b2: {  	v22 =	vld [tilespmem:s14+$0x80];
	s26 =	sor.u32 $0x30, s30;
	s13 =	sadd.s32 $0x12800, s23;
	v30 =	vsub.f32 v10, v12;
	v28 =	vadd.f32 v7, v5;
	s16 =	spop (v2sf)  }
0x1b3: {  	s2 =	sadd.s32 s3, s2;
	s14 =	sor.u32 s26, s13;
	v29 =	vadd.f32 v9, v8;
	v13 =	vadd.f32 v14, v13;
	s31 =	spop (v2sf)  }
0x1b4: {  	s15 =	sor.u32 s20, s2;
	v5 =	vld [tilespmem:s14+$0x0];
	v32 =	vsub.f32 v16, v15;
	v16 =	vadd.f32 v20, v19;
	s7 =	scvt.s32.f32 s31  }
0x1b5: {  	s23 =	sor.u32 s26, s15;
	v7 =	vld [tilespmem:s14+$0x80];
	v19 =	vadd.f32 v24, v23;
	v20 =	vadd.f32 v27, v25;
	s25 =	scvt.s32.f32 s16  }
0x1b6: {  	v8 =	vld [tilespmem:s23+$0x6800];
	v31 =	vadd.f32 v11, v3;
	v14 =	vadd.f32 v18, v17;
	v4 =	vmov s7;
	s7 =	sor.u32 s21, s2  }
0x1b7: {  	v9 =	vld [tilespmem:s23+$0xC800];
	v17 =	vsub.f32 v22, v21;
	v22 =	vadd.f32 v28, v6;
	v3 =	vmov s25;
	s25 =	sor.u32 s26, s7  }
0x1b8: {  	v25 =	vadd.f32 v29, v6;
	v28 =	vadd.f32 v13, v12;
	s2 =	sor.u32 $0x20, s30;
	v10 =	vld [tilespmem:s25+$0x6800]  }
0x1b9: {  	v18 =	vimm.f32 $0.0e+00;
	v20 =	vadd.f32 v20, v21;
	v24 =	vadd.f32 v31, v12;
	s14 =	sor.u32 s2, s13;
	v11 =	vld [tilespmem:s25+$0xC800]  }
0x1ba: {  	v12 =	vadd.f32 v19, v21;
	v23 =	vmul.f32 v26, v3;
	v27 =	vmul.f32 v30, v3;
	v6 =	vld [tilespmem:s14+$0x0]  }
0x1bb: {  	v21 =	vadd.f32 v16, v15;
	v19 =	vmul.f32 v17, v3;
	v26 =	vmul.f32 v26, v4;
	s0 =	sor.u32 s2, s15;
	v13 =	vld [tilespmem:s14+$0x80]  }
0x1bc: {  	v29 =	vmul.f32 v30, v4;
	v30 =	vadd.f32 v14, v15;
	v17 =	vmul.f32 v17, v4;
	v14 =	vld [tilespmem:s0+$0x6800]  }
0x1bd: {  	s2 =	sor.u32 s2, s7;
	v15 =	vld [tilespmem:s0+$0xC800];
	v19 =	vadd.f32 v12, v19;
	v12 =	vmul.f32 v32, v3;
	v31 =	vadd.f32 v22, v23  }
0x1be: {  	s16 =	sor.u32 $0x10, s30;
	v16 =	vld [tilespmem:s2+$0x6800];
	v27 =	vadd.f32 v24, v27;
	v23 =	vadd.f32 v20, v17;
	v20 =	vmul.f32 v32, v4  }
0x1bf: {  	s26 =	sor.u32 s16, s13;
	v22 =	vadd.f32 v25, v26;
	v17 =	vld [tilespmem:s2+$0xC800];
	v25 =	vmul.f32 v19, v19;
	v26 =	vadd.f32 v30, v12  }
0x1c0: {  	v28 =	vadd.f32 v28, v29;
	[tilespmem:s4+$0x6800] =	vst v19;
	v12 =	vld [tilespmem:s26+$0x0];
	v24 =	vmul.f32 v23, v23;
	v30 =	vadd.f32 v21, v20  }
0x1c1: {  	s4 =	sor.u32 s16, s15;
	v19 =	vadd.f32 v19, v18;
	[tilespmem:s11+$0x6800] =	vst v27;
	v20 =	vld [tilespmem:s26+$0x80];
	v25 =	vadd.f32 v25, v18;
	v29 =	vmul.f32 v26, v26  }
0x1c2: {  	[tilespmem:s28+$0x6800] =	vst v23;
	v21 =	vld [tilespmem:s4+$0x6800];
	v23 =	vadd.f32 v23, v18;
	s28 =	sor.u32 s16, s7;
	v18 =	vadd.f32 v24, v18;
	v62 =	vmul.f32 v30, v30  }
0x1c3: {  	v33 =	vmul.f32 v27, v27;
	[tilespmem:s12+$0x6800] =	vst v26;
	v19 =	vadd.f32 v26, v19;
	v26 =	vld [tilespmem:s28+$0xC800];
	v29 =	vadd.f32 v29, v25  }
0x1c4: {  	s31 =	sor.u32 s30, s13;
	v63 =	vmul.f32 v28, v28;
	[tilespmem:s5+$0x6800] =	vst v30;
	v24 =	vld [tilespmem:s4+$0xC800];
	v30 =	vadd.f32 v30, v23;
	v18 =	vadd.f32 v62, v18  }
0x1c5: {  	v34 =	vmul.f32 v31, v31;
	[tilespmem:s8+$0x6800] =	vst v31;
	v23 =	vld [tilespmem:s31+$0x0];
	v19 =	vadd.f32 v27, v19;
	v33 =	vadd.f32 v33, v29  }
0x1c6: {  	[tilespmem:s10+$0x6800] =	vst v28;
	v25 =	vld [tilespmem:s28+$0x6800];
	v28 =	vadd.f32 v28, v30;
	v30 =	vmul.f32 v22, v22;
	v29 =	vadd.f32 v63, v18  }
0x1c7: {  	s8 =	sor.u32 s30, s15;
	[tilespmem:s9+$0x6800] =	vst v22;
	s9 =	simm.s32 $0x400;
	v27 =	vld [tilespmem:s31+$0x80];
	v18 =	vadd.f32 v31, v19;
	v19 =	vadd.f32 v34, v33  }
.LBB2_9:
0x1c8: {  	s29 =	sadd.s32 $0x40, s29;
	s1 =	sand.u32 $0x7FFFFC00, s9;
	v31 =	vld [tilespmem:s8+$0x6800];
	v28 =	vadd.f32 v22, v28;
	v29 =	vadd.f32 v30, v29  }
0x1c9: {  	s13 =	sor.u32 s30, s7;
	s5 =	sshrl.u32 s1, $0x2;
	v22 =	vld [tilespmem:s8+$0xC800];
	s30 =	sand.u32 $0x40, s29  }
0x1ca: {  	v32 =	vsub.f32 v7, v5;
	p0 =	slt.u32 s29, $0x2C0;
	s11 =	sadd.s32 $0x12800, s5;
	s12 =	sor.u32 $0x30, s30;
	v30 =	vld [tilespmem:s13+$0x6800]  }
0x1cb: {  	v34 =	vadd.f32 v9, v8;
	v35 =	vadd.f32 v11, v10;
	s1 =	sadd.s32 s3, s1;
	s5 =	sor.u32 s12, s11;
	v33 =	vld [tilespmem:s13+$0xC800]  }
0x1cc: {  	v13 =	vsub.f32 v13, v6;
	v14 =	vadd.f32 v15, v14;
	s10 =	sor.u32 s20, s1;
	v36 =	vld [tilespmem:s5+$0x0]  }
0x1cd: {  	v20 =	vsub.f32 v20, v12;
	v15 =	vadd.f32 v17, v16;
	v7 =	vld [tilespmem:s5+$0x80];
	s5 =	sor.u32 s12, s10  }
0x1ce: {  	v16 =	vadd.f32 v24, v21;
	s7 =	sor.u32 s21, s1;
	v17 =	vadd.f32 v26, v25;
	v8 =	vld [tilespmem:s5+$0x6800]  }
0x1cf: {  	v21 =	vsub.f32 v27, v23;
	s12 =	sor.u32 s12, s7;
	v22 =	vadd.f32 v22, v31;
	v9 =	vld [tilespmem:s5+$0xC800]  }
0x1d0: {  	s1 =	sor.u32 $0x20, s30;
	v25 =	vadd.f32 v34, v5;
	v26 =	vmul.f32 v32, v3;
	v10 =	vld [tilespmem:s12+$0x6800];
	v24 =	vadd.f32 v33, v30  }
0x1d1: {  	s14 =	sor.u32 s1, s11;
	v27 =	vadd.f32 v14, v6;
	v31 =	vmul.f32 v32, v4;
	v30 =	vadd.f32 v35, v5;
	v11 =	vld [tilespmem:s12+$0xC800];
	v5 =	vmovc v36  }
0x1d2: {  	v34 =	vmul.f32 v13, v4;
	v32 =	vmul.f32 v13, v3;
	v33 =	vadd.f32 v15, v6;
	v6 =	vld [tilespmem:s14+$0x0]  }
0x1d3: {  	v22 =	vadd.f32 v22, v23;
	v35 =	vmul.f32 v21, v3;
	v36 =	vadd.f32 v16, v12;
	v13 =	vld [tilespmem:s14+$0x80];
	s14 =	sor.u32 s1, s10  }
0x1d4: {  	v21 =	vmul.f32 v21, v4;
	v23 =	vadd.f32 v24, v23;
	v24 =	vadd.f32 v17, v12;
	v14 =	vld [tilespmem:s14+$0x6800]  }
0x1d5: {  	v37 =	vadd.f32 v25, v26;
	v35 =	vadd.f32 v22, v35;
	v12 =	vmul.f32 v20, v3;
	s1 =	sor.u32 s1, s7;
	v15 =	vld [tilespmem:s14+$0xC800]  }
0x1d6: {  	s15 =	sor.u32 $0x10, s30;
	v20 =	vmul.f32 v20, v4;
	v22 =	vadd.f32 v30, v31;
	v23 =	vadd.f32 v23, v21;
	v16 =	vld [tilespmem:s1+$0x6800]  }
0x1d7: {  	s16 =	sor.u32 s15, s11;
	v27 =	vadd.f32 v27, v32;
	v21 =	vmul.f32 v35, v35;
	v25 =	vadd.f32 v36, v12;
	v17 =	vld [tilespmem:s1+$0xC800];
	[tilespmem:s8+$0x6800] =	vst v35  }
0x1d8: {  	v31 =	vadd.f32 v33, v34;
	v30 =	vadd.f32 v24, v20;
	v26 =	vmul.f32 v23, v23;
	v12 =	vld [tilespmem:s16+$0x0];
	[tilespmem:s13+$0x6800] =	vst v23  }
0x1d9: {  	v18 =	vadd.f32 v35, v18;
	v19 =	vadd.f32 v21, v19;
	v32 =	vmul.f32 v25, v25;
	v20 =	vld [tilespmem:s16+$0x80];
	[tilespmem:s4+$0x6800] =	vst v25;
	s4 =	sor.u32 s15, s10  }
0x1da: {  	v23 =	vadd.f32 v23, v28;
	v26 =	vadd.f32 v26, v29;
	v28 =	vmul.f32 v30, v30;
	v21 =	vld [tilespmem:s4+$0x6800];
	[tilespmem:s28+$0x6800] =	vst v30  }
.Ltmp3:
0x1db: {  	v18 =	vadd.f32 v25, v18;
	v19 =	vadd.f32 v32, v19;
	v29 =	vmul.f32 v27, v27;
	s28 =	sor.u32 s15, s7;
	v24 =	vld [tilespmem:s4+$0xC800];
	[tilespmem:s0+$0x6800] =	vst v27;
	s0 =	smov.u32 s14;
	(pc) =	sbr.rel @p0 .LBB2_9-.Ltmp3, $4  }
0x1dc: {  	v33 =	vmul.f32 v31, v31;
	v30 =	vadd.f32 v30, v23;
	v32 =	vadd.f32 v28, v26;
	v25 =	vld [tilespmem:s28+$0x6800];
	[tilespmem:s2+$0x6800] =	vst v31;
	s2 =	smov.u32 s1  }
0x1dd: {  	v34 =	vmul.f32 v37, v37;
	v18 =	vadd.f32 v27, v18;
	v19 =	vadd.f32 v29, v19;
	s1 =	sor.u32 s30, s11;
	v26 =	vld [tilespmem:s28+$0xC800];
	[tilespmem:s23+$0x6800] =	vst v37;
	s23 =	smov.u32 s5  }
0x1de: {  	v28 =	vadd.f32 v31, v30;
	v29 =	vadd.f32 v33, v32;
	v30 =	vmul.f32 v22, v22;
	v23 =	vld [tilespmem:s1+$0x0];
	[tilespmem:s25+$0x6800] =	vst v22;
	s25 =	smov.u32 s12  }
0x1df: {  	s9 =	sadd.s32 $0x200, s9;
	s8 =	sor.u32 s30, s10;
	v18 =	vadd.f32 v37, v18;
	v19 =	vadd.f32 v34, v19;
	v27 =	vld [tilespmem:s1+$0x80]  }
0x1e0: {  	v22 =	vadd.f32 v22, v28  }
0x1e1: {  	v59 =	vadd.f32 v30, v29;
	v7 =	vsub.f32 v7, v5  }
0x1e2: {  	v31 =	vld [tilespmem:s8+$0x6800];
	v8 =	vadd.f32 v9, v8;
	v9 =	vadd.f32 v11, v10  }
0x1e3: {  	v32 =	vld [tilespmem:s8+$0xC800];
	v10 =	vsub.f32 v13, v6;
	v11 =	vadd.f32 v15, v14  }
0x1e4: {  	s3 =	sor.u32 s30, s7;
	v13 =	vsub.f32 v20, v12;
	v14 =	vadd.f32 v17, v16  }
0x1e5: {  	v15 =	vadd.f32 v24, v21;
	v60 =	vld [tilespmem:s3+$0x6800];
	v16 =	vadd.f32 v26, v25  }
0x1e6: {  	v61 =	vld [tilespmem:s3+$0xC800];
	v8 =	vadd.f32 v8, v5;
	v11 =	vadd.f32 v11, v6  }
0x1e7: {  	v63 =	vmul.f32 v7, v3;
	v5 =	vadd.f32 v9, v5;
	v6 =	vadd.f32 v14, v6  }
0x1e8: {  	v7 =	vmul.f32 v7, v4;
	v17 =	vsub.f32 v27, v23;
	v20 =	vadd.f32 v32, v31  }
0x1e9: {  	v9 =	vmul.f32 v10, v3;
	v15 =	vadd.f32 v15, v12;
	v12 =	vadd.f32 v16, v12  }
0x1ea: {  	v5 =	vadd.f32 v5, v7;
	v14 =	vadd.f32 v20, v23;
	v20 =	vmul.f32 v17, v3  }
0x1eb: {  	v62 =	vadd.f32 v61, v60;
	v17 =	vmul.f32 v17, v4;
	v3 =	vmul.f32 v13, v3  }
0x1ec: {  	v13 =	vmul.f32 v13, v4;
	v4 =	vmul.f32 v10, v4;
	v14 =	vadd.f32 v14, v20  }
0x1ed: {  	v9 =	vadd.f32 v11, v9;
	v21 =	vadd.f32 v62, v23  }
0x1ee: {  	v3 =	vadd.f32 v15, v3;
	v4 =	vadd.f32 v6, v4;
	v7 =	vmul.f32 v14, v14  }
0x1ef: {  	v16 =	vadd.f32 v21, v17;
	v6 =	vadd.f32 v14, v18  }
0x1f0: {  	v10 =	vadd.f32 v12, v13;
	v12 =	vmul.f32 v3, v3;
	v7 =	vadd.f32 v7, v19  }
0x1f1: {  	v8 =	vadd.f32 v8, v63;
	v11 =	vmul.f32 v16, v16;
	v6 =	vadd.f32 v3, v6  }
0x1f2: {  	v13 =	vadd.f32 v16, v22;
	v7 =	vadd.f32 v12, v7;
	v12 =	vmul.f32 v9, v9  }
0x1f3: {  	v15 =	vmul.f32 v10, v10;
	v11 =	vadd.f32 v11, v59;
	v6 =	vadd.f32 v9, v6  }
0x1f4: {  	v13 =	vadd.f32 v10, v13;
	v7 =	vadd.f32 v12, v7;
	v12 =	vmul.f32 v8, v8  }
0x1f5: {  	v11 =	vadd.f32 v15, v11;
	v15 =	vmul.f32 v4, v4;
	v6 =	vadd.f32 v8, v6  }
0x1f6: {  	v13 =	vadd.f32 v4, v13;
	v7 =	vadd.f32 v12, v7  }
0x1f7: {  	v11 =	vadd.f32 v15, v11;
	v15 =	vmul.f32 v5, v5;
	(xrf2) =	vadd.scan.msk.f32 $0xffff, v6  }
0x1f8: {  	v12 =	vadd.f32 v5, v13;
	(xrf2) =	vadd.scan.msk.f32 $0xffff, v7  }
0x1f9: {  	v6 =	vadd.f32 v15, v11  }
0x1fa: {  	(xrf2) =	vadd.scan.msk.f32 $0xffff, v12  }
0x1fb: {  	(xrf2) =	vadd.scan.msk.f32 $0xffff, v6;
	_ =	sdelay $0x5  }
0x1fc: {  	v6, _, _ =	vpop (xrf2)  }
0x1fd: {  	(v2sf) =	vpush v6, $0xF;
	v7, _, _ =	vpop (xrf2)  }
0x1fe: {  	(v2sf) =	vpush v7, $0xF  }
0x1ff: {  	v6, _, _ =	vpop (xrf2)  }
0x200: {  	(v2sf) =	vpush v6, $0xF;
	v6, _, _ =	vpop (xrf2)  }
0x201: {  	(v2sf) =	vpush v6, $0xF;
	_ =	sdelay $0xa  }
0x202: {  	s1 =	spop (v2sf)  }
0x203: {  	s5 =	smul.f32 $1.302083370e-03, s1;
	s11 =	spop (v2sf)  }
0x204: {  	s7 =	smul.f32 $1.302083370e-03, s11  }
0x205: {  	s12 =	spop (v2sf);
	s11 =	smul.f32 s5, s5  }
0x206: {  	s9 =	smul.f32 $1.302083370e-03, s12;
	s13 =	spop (v2sf)  }
0x207: {  	s1 =	smul.f32 $1.302083370e-03, s13  }
0x208: {  	s10 =	smul.f32 s9, s9  }
0x209: {  	s7 =	ssub.f32 s7, s11  }
0x20a: {  	s1 =	ssub.f32 s1, s10  }
0x20b: {  	s7 =	sadd.f32 $9.999999740e-06, s7  }
0x20c: {  	s1 =	sadd.f32 $9.999999740e-06, s1  }
0x20d: {  	v7 =	vmov s7  }
0x20e: {  	v12 =	vshra.s32 v7, $0x1;
	v6 =	vmov s1  }
0x20f: {  	v7 =	vmul.f32 $5.000000000e-01, v7;
	v11 =	vshra.s32 v6, $0x1;
	v6 =	vmul.f32 $5.000000000e-01, v6  }
0x210: {  	v12 =	vsub.s32 $0x5F3759DF, v12;
	v11 =	vsub.s32 $0x5F3759DF, v11  }
0x211: {  	v15 =	vmul.f32 v12, v7;
	v13 =	vmul.f32 v11, v6;
	_ =	sdelay $0x1  }
0x212: {  	v15 =	vmul.f32 v12, v15;
	v13 =	vmul.f32 v11, v13;
	_ =	sdelay $0x1  }
0x213: {  	v15 =	vsub.f32 $1.500000000e+00, v15;
	v13 =	vsub.f32 $1.500000000e+00, v13;
	_ =	sdelay $0x1  }
0x214: {  	v12 =	vmul.f32 v12, v15;
	v11 =	vmul.f32 v11, v13;
	_ =	sdelay $0x1  }
0x215: {  	v15 =	vmul.f32 v12, v7;
	v13 =	vmul.f32 v11, v6;
	_ =	sdelay $0x1  }
0x216: {  	v15 =	vmul.f32 v15, v12;
	v13 =	vmul.f32 v13, v11;
	_ =	sdelay $0x1  }
0x217: {  	v15 =	vsub.f32 $1.500000000e+00, v15;
	v13 =	vsub.f32 $1.500000000e+00, v13;
	_ =	sdelay $0x1  }
0x218: {  	v12 =	vmul.f32 v15, v12;
	v11 =	vmul.f32 v13, v11  }
0x219: {  	[tilespmem:s0+$0x6800] =	vst v9  }
0x21a: {  	[tilespmem:s4+$0x6800] =	vst v3;
	v3 =	vmul.f32 v12, v7;
	v13 =	vmul.f32 v11, v6  }
0x21b: {  	s14 =	smul.u32 $0x6000, s22;
	[tilespmem:s23+$0x6800] =	vst v8  }
0x21c: {  	[tilespmem:s28+$0x6800] =	vst v10;
	v3 =	vmul.f32 v3, v12;
	v10 =	vmul.f32 v13, v11  }
0x21d: {  	s16 =	simm.s32 $0x0;
	s15 =	sshra.s32 s14, $0x2;
	[tilespmem:s25+$0x6800] =	vst v5  }
0x21e: {  	s0 =	sadd.s32 $0x6800, s15;
	[tilespmem:s2+$0x6800] =	vst v4;
	s2 =	simm.s32 $0x0;
	s1 =	sand.u32 $0x1C00, s16;
	v3 =	vsub.f32 $1.500000000e+00, v3;
	v4 =	vsub.f32 $1.500000000e+00, v10  }
0x21f: {  	[tilespmem:s8+$0x6800] =	vst v14;
	s23 =	sand.u32 $0x40, s2;
	s1 =	sadd.s32 s1, s0  }
0x220: {  	s4 =	simm.s32 $0x12E00;
	[tilespmem:s3+$0x6800] =	vst v16;
	s30 =	sor.u32 $0x30, s23;
	s26 =	sadd.s32 s21, s1;
	v10 =	vmul.f32 v3, v12;
	v4 =	vmul.f32 v4, v11  }
0x221: {  	v16 =	vld [tilespmem:s4+$0x0];
	s12 =	sor.u32 $0x10, s23;
	s1 =	sadd.s32 s20, s1;
	s29 =	sadd.s32 s30, s26  }
0x222: {  	s7 =	sadd.s32 s12, s1;
	v5 =	vmul.f32 v4, v6;
	v6 =	vmul.f32 v10, v7;
	v7 =	vld [tilespmem:s29+$0x0]  }
0x223: {  	s25 =	sadd.s32 s23, s1;
	v13 =	vld [tilespmem:s7+$0x0]  }
0x224: {  	s3 =	sadd.s32 s23, s26;
	v11 =	vld [tilespmem:s25+$0x0];
	v5 =	vmul.f32 v5, v4;
	v6 =	vmul.f32 v6, v10  }
0x225: {  	s22 =	simm.s32 $0x13100;
	s13 =	sand.u32 $0x380, s2;
	v12 =	vld [tilespmem:s3+$0x0]  }
0x226: {  	s14 =	sor.u32 s13, s30;
	v8 =	vmov s9;
	v3 =	vld [tilespmem:s22+$0x0];
	v9 =	vsub.f32 $1.500000000e+00, v5;
	v14 =	vsub.f32 $1.500000000e+00, v6  }
0x227: {  	s8 =	sadd.s32 s12, s26;
	v5 =	vld [tilespmem:s14+$0x12E00];
	v15 =	vsub.f32 v7, v8  }
0x228: {  	s31 =	sor.u32 $0x20, s23;
	v4 =	vmul.f32 v9, v4;
	v9 =	vmov s5;
	v7 =	vmul.f32 v14, v10;
	v10 =	vld [tilespmem:s8+$0x0]  }
0x229: {  	s22 =	sadd.s32 s31, s1;
	v6 =	vld [tilespmem:s14+$0x13100];
	v11 =	vsub.f32 v11, v9  }
0x22a: {  	s23 =	sadd.s32 s31, s26;
	v12 =	vsub.f32 v12, v8;
	v14 =	vld [tilespmem:s22+$0x0];
	v17 =	vmul.f32 v15, v4  }
0x22b: {  	s28 =	sadd.s32 s30, s1;
	v15 =	vld [tilespmem:s23+$0x0];
	v11 =	vmul.f32 v11, v7  }
0x22c: {  	s11 =	sor.u32 s13, s12;
	v13 =	vsub.f32 v13, v9;
	v20 =	vmul.f32 v12, v4;
	v12 =	vld [tilespmem:s28+$0x0];
	v17 =	vmul.f32 v17, v5  }
0x22d: {  	s5 =	sor.u32 s13, s31;
	v18 =	vmul.f32 v11, v16;
	v11 =	vld [tilespmem:s11+$0x12E00];
	v19 =	vsub.f32 v10, v8  }
0x22e: {  	s9 =	simm.s32 $0x200;
	s10 =	simm.s32 $0x13140;
	v13 =	vmul.f32 v13, v7;
	v16 =	vmul.f32 v20, v16;
	v10 =	vld [tilespmem:s5+$0x12E00];
	v17 =	vadd.f32 v17, v6  }
.LBB2_11:
0x22f: {  	s2 =	sadd.s32 $0x40, s2;
	s1 =	sand.u32 $0x1C00, s9;
	v18 =	vadd.f32 v18, v3;
	v20 =	vld [tilespmem:s11+$0x13100];
	v19 =	vmul.f32 v19, v4;
	v14 =	vsub.f32 v14, v9;
	s4 =	sadd.s32 $0x40, s4  }
0x230: {  	s11 =	sand.u32 $0x40, s2;
	s1 =	sadd.s32 s1, s0;
	p0 =	slt.u32 s2, $0x2C0;
	v16 =	vadd.f32 v16, v3;
	v21 =	vld [tilespmem:s5+$0x13100];
	v15 =	vsub.f32 v15, v8;
	[tilespmem:s29+$0x0] =	vst v17  }
0x231: {  	v3 =	vld [tilespmem:s10+$0x0];
	s5 =	sadd.s32 s20, s1;
	s1 =	sadd.s32 s21, s1;
	s12 =	sor.u32 $0x30, s11;
	[tilespmem:s25+$0x0] =	vst v18;
	v14 =	vmul.f32 v14, v7;
	v12 =	vsub.f32 v12, v9  }
0x232: {  	s13 =	sor.u32 $0x10, s11;
	s14 =	sor.u32 $0x20, s11;
	v17 =	vld [tilespmem:s4+$0x0];
	s29 =	sadd.s32 s12, s1;
	[tilespmem:s3+$0x0] =	vst v16;
	v13 =	vmul.f32 v13, v11;
	v15 =	vmul.f32 v15, v4  }
0x233: {  	s25 =	sadd.s32 s11, s5;
	s3 =	sadd.s32 s11, s1;
	s15 =	sadd.s32 s13, s5;
	v11 =	vmul.f32 v19, v11;
	v16 =	vld [tilespmem:s29+$0x0];
	v12 =	vmul.f32 v12, v7  }
0x234: {  	s16 =	sadd.s32 s13, s1;
	s26 =	sadd.s32 s14, s5;
	s1 =	sadd.s32 s14, s1;
	v14 =	vmul.f32 v14, v10;
	v18 =	vld [tilespmem:s25+$0x0];
	v13 =	vadd.f32 v13, v20;
	v10 =	vmul.f32 v15, v10  }
0x235: {  	s30 =	sand.u32 $0x380, s2;
	s31 =	sadd.s32 s12, s5;
	v11 =	vadd.f32 v11, v20;
	v15 =	vld [tilespmem:s3+$0x0];
	v12 =	vmul.f32 v12, v5  }
0x236: {  	s11 =	sor.u32 s30, s13;
	s5 =	sor.u32 s30, s14;
	s12 =	sor.u32 s30, s12;
	v19 =	vld [tilespmem:s15+$0x0];
	[tilespmem:s7+$0x0] =	vst v13;
	v13 =	vadd.f32 v14, v21;
	v10 =	vadd.f32 v10, v21  }
0x237: {  	s7 =	smov.u32 s15;
	v5 =	vld [tilespmem:s12+$0x12E00];
	[tilespmem:s8+$0x0] =	vst v11;
	v11 =	vadd.f32 v12, v6;
	s8 =	smov.u32 s16  }
0x238: {  	v20 =	vld [tilespmem:s8+$0x0];
	v12 =	vsub.f32 v16, v8;
	[tilespmem:s22+$0x0] =	vst v13;
	s22 =	smov.u32 s26  }
0x239: {  	v13 =	vsub.f32 v18, v9;
	v6 =	vld [tilespmem:s12+$0x13100];
	[tilespmem:s23+$0x0] =	vst v10;
	s23 =	smov.u32 s1  }
.Ltmp4:
0x23a: {  	v10 =	vsub.f32 v15, v8;
	v14 =	vld [tilespmem:s22+$0x0];
	v16 =	vmul.f32 v12, v4;
	[tilespmem:s28+$0x0] =	vst v11;
	s28 =	smov.u32 s31;
	(pc) =	sbr.rel @p0 .LBB2_11-.Ltmp4, $4  }
0x23b: {  	v11 =	vmul.f32 v13, v7;
	v13 =	vsub.f32 v19, v9;
	v15 =	vld [tilespmem:s23+$0x0]  }
0x23c: {  	v10 =	vmul.f32 v10, v4;
	v12 =	vld [tilespmem:s28+$0x0];
	v21 =	vmul.f32 v16, v5  }
0x23d: {  	v18 =	vmul.f32 v11, v17;
	v11 =	vld [tilespmem:s11+$0x12E00];
	v13 =	vmul.f32 v13, v7;
	v19 =	vsub.f32 v20, v8  }
0x23e: {  	s9 =	sadd.s32 $0x200, s9;
	s10 =	sadd.s32 $0x40, s10;
	v16 =	vmul.f32 v10, v17;
	v10 =	vld [tilespmem:s5+$0x12E00];
	v17 =	vadd.f32 v21, v6  }
0x23f: {  	v20 =	vld [tilespmem:s11+$0x13100]  }
0x240: {  	v14 =	vsub.f32 v14, v9  }
0x241: {  	v18 =	vadd.f32 v18, v3;
	v19 =	vmul.f32 v19, v4;
	v53 =	vld [tilespmem:s5+$0x13100];
	v8 =	vsub.f32 v15, v8  }
0x242: {  	v14 =	vmul.f32 v14, v7;
	v54 =	vsub.f32 v12, v9;
	v55 =	vmul.f32 v13, v11  }
0x243: {  	v3 =	vadd.f32 v16, v3;
	[tilespmem:s29+$0x0] =	vst v17;
	v56 =	vmul.f32 v8, v4;
	v57 =	vmul.f32 v19, v11  }
0x244: {  	s19 =	sadd.s32 $0x1, s19;
	[tilespmem:s25+$0x0] =	vst v18;
	v58 =	vmul.f32 v54, v7;
	v60 =	vmul.f32 v14, v10;
	v59 =	vadd.f32 v55, v20  }
0x245: {  	p0 =	sne.s32 s19, $0x10;
	[tilespmem:s3+$0x0] =	vst v3;
	v3 =	vmul.f32 v56, v10;
	v61 =	vadd.f32 v57, v20  }
.Ltmp5:
0x246: {  	v5 =	vmul.f32 v58, v5;
	v62 =	vadd.f32 v60, v53;
	[tilespmem:s7+$0x0] =	vst v59;
	(pc) =	sbr.rel @p0 .LBB2_8-.Ltmp5, $4  }
0x247: {  	v3 =	vadd.f32 v3, v53;
	[tilespmem:s8+$0x0] =	vst v61  }
0x248: {  	v63 =	vadd.f32 v5, v6;
	[tilespmem:s22+$0x0] =	vst v62  }
0x249: {  	[tilespmem:s23+$0x0] =	vst v3  }
0x24a: {  	[tilespmem:s28+$0x0] =	vst v63  }
0x24b: {  	s17 =	simm.s32 $0x0  }
0x24c: {  	s0 =	rddreg [dreg:$0x15];
	s1 =	simm.s32 $0x6800;
	s15 =	simm.s32 $0x5  }
0x24d: {  	[hbm4b:s0+s17] =	stream.linear.scatter [tilespmem:s1], [sflag:$0x5], $0x6000, $0x38;
	[tilespmem:$0x13400] =	vst v63  }
0x24e: {  	_ =	swait.ge [sflag:s15], $0x6000  }
0x24f: {  	[sflag:s15] =	ssyncset.done $0x0  }
0x250: {  	[sflag:s15] =	ssyncadd.s32 $0xFFFFA000  }
0x251: {  	v3 =	vld [tilespmem:$0x180];
	_ =	sdelay $0x4  }
0x252: {  	v4 =	vshrl.u32 v3, $0x3  }
0x253: {  	v4 =	vmul.u32 $0x30, v4  }
0x254: {  	v3 =	vand.u32 $0x7, v3  }
0x255: {  	v3 =	vor.u32 v3, v4  }
0x256: {  	v4 =	vperm.xlane v3, v0;
	_ =	sdelay $0x1  }
0x257: {  	v4 =	vadd.s32 v1, v4;
	_ =	sdelay $0x3  }
0x258: {  	s0 =	rddreg [dreg:$0x2];
	v3 =	vperm.xlane v3, v2  }
0x259: {  	[tilespmem:s1], [sflag:$0x3] =	stream.indirect_vreg.gather [hbm4b:s0+s17], $0x80, v4, vm0, $0xb8;
	[tilespmem:$0x13400] =	vst v63  }
0x25a: {  	s16 =	simm.s32 $0x7000;
	v3 =	vadd.s32 v1, v3  }
0x25b: {  	[tilespmem:s16], [sflag:$0x3] =	stream.indirect_vreg.gather [hbm4b:s18+s17], $0x80, v4, vm0, $0xb8;
	[tilespmem:$0x13400] =	vst v63  }
0x25c: {  	s19 =	simm.s32 $0x7800  }
0x25d: {  	[tilespmem:s19], [sflag:$0x3] =	stream.indirect_vreg.gather [hbm4b:s24+s17], $0x80, v4, vm0, $0xb8;
	[tilespmem:$0x13400] =	vst v63  }
0x25e: {  	s20 =	simm.s32 $0x8000  }
0x25f: {  	[tilespmem:s20], [sflag:$0x3] =	stream.indirect_vreg.gather [hbm4b:s0+s17], $0x80, v3, vm0, $0xb8;
	[tilespmem:$0x13400] =	vst v63  }
0x260: {  	s21 =	simm.s32 $0x8800  }
0x261: {  	[tilespmem:s21], [sflag:$0x3] =	stream.indirect_vreg.gather [hbm4b:s18+s17], $0x80, v3, vm0, $0xb8;
	[tilespmem:$0x13400] =	vst v63  }
0x262: {  	s22 =	simm.s32 $0x9000  }
0x263: {  	[tilespmem:s22], [sflag:$0x3] =	stream.indirect_vreg.gather [hbm4b:s24+s17], $0x80, v3, vm0, $0xb8;
	[tilespmem:$0x13400] =	vst v63  }
0x264: {  	v3 =	vld [tilespmem:$0x190];
	_ =	sdelay $0x4  }
0x265: {  	v63 =	vshrl.u32 v3, $0x3  }
0x266: {  	v4 =	vmul.u32 $0x30, v63  }
0x267: {  	v3 =	vand.u32 $0x7, v3  }
0x268: {  	v3 =	vor.u32 v3, v4  }
0x269: {  	v4 =	vperm.xlane v3, v0;
	_ =	sdelay $0x1  }
0x26a: {  	v4 =	vadd.s32 v1, v4;
	_ =	sdelay $0x3  }
0x26b: {  	s23 =	simm.s32 $0x9800;
	v3 =	vperm.xlane v3, v2  }
0x26c: {  	[tilespmem:s23], [sflag:$0x3] =	stream.indirect_vreg.gather [hbm4b:s0+s17], $0x80, v4, vm0, $0xb8;
	[tilespmem:$0x13400] =	vst v63  }
0x26d: {  	s25 =	simm.s32 $0xA000;
	v3 =	vadd.s32 v1, v3  }
0x26e: {  	[tilespmem:s25], [sflag:$0x3] =	stream.indirect_vreg.gather [hbm4b:s18+s17], $0x80, v4, vm0, $0xb8;
	[tilespmem:$0x13400] =	vst v63  }
0x26f: {  	s26 =	simm.s32 $0xA800  }
0x270: {  	[tilespmem:s26], [sflag:$0x3] =	stream.indirect_vreg.gather [hbm4b:s24+s17], $0x80, v4, vm0, $0xb8;
	[tilespmem:$0x13400] =	vst v63  }
0x271: {  	s28 =	simm.s32 $0xB000  }
0x272: {  	[tilespmem:s28], [sflag:$0x3] =	stream.indirect_vreg.gather [hbm4b:s0+s17], $0x80, v3, vm0, $0xb8;
	[tilespmem:$0x13400] =	vst v63  }
0x273: {  	s29 =	simm.s32 $0xB800  }
0x274: {  	[tilespmem:s29], [sflag:$0x3] =	stream.indirect_vreg.gather [hbm4b:s18+s17], $0x80, v3, vm0, $0xb8;
	[tilespmem:$0x13400] =	vst v63  }
0x275: {  	s30 =	simm.s32 $0xC000;
	s31 =	simm.s32 $0x2  }
0x276: {  	[tilespmem:s30], [sflag:$0x3] =	stream.indirect_vreg.gather [hbm4b:s24+s17], $0x80, v3, vm0, $0xb8;
	[tilespmem:$0x13400] =	vst v63  }
0x277: {  	_ =	swait.ge [sflag:s31], $0x6000  }
0x278: {  	[sflag:s31] =	ssyncset.done $0x0  }
0x279: {  	s19 =	simm.s32 $0x0;
	[sflag:s31] =	ssyncadd.s32 $0xFFFFA000  }
.LBB2_14:
0x27a: {  	s1 =	simm.s32 $0x0;
	s2 =	sand.u32 $0x7FFFFC00, s17  }
0x27b: {  	s0 =	sshll.u32 s19, $0x3;
	s1 =	sand.u32 $0x40, s1;
	s4 =	sshrl.u32 s2, $0x2  }
0x27c: {  	s0 =	sshra.s32 s0, $0x2;
	s4 =	sadd.s32 $0x12800, s4;
	s7 =	sor.u32 $0x30, s1  }
0x27d: {  	s22 =	sshrl.u32 s19, $0x2;
	v3 =	vld [tilespmem:s0+$0x500];
	s25 =	sor.u32 s7, s4  }
0x27e: {  	s3 =	smul.u32 $0x1800, s22;
	s26 =	sor.u32 $0x20, s1;
	v6 =	vld [tilespmem:s25+$0x0]  }
0x27f: {  	s5 =	sshll.u32 s19, $0x8;
	s31 =	sor.u32 s26, s4;
	v4 =	vld [tilespmem:s25+$0x80]  }
0x280: {  	s20 =	sand.u32 $0x300, s5;
	s23 =	sadd.s32 s3, s2;
	v12 =	vld [tilespmem:s31+$0x0]  }
0x281: {  	s14 =	sor.u32 s1, s4;
	s13 =	sor.u32 s20, s23;
	v10 =	vld [tilespmem:s31+$0x80]  }
0x282: {  	s21 =	sor.u32 $0x80, s20;
	v21 =	vld [tilespmem:s14+$0x0];
	s8 =	sor.u32 s7, s13  }
0x283: {  	s0 =	sor.u32 s21, s23;
	v5 =	vld [tilespmem:s8+$0x800]  }
0x284: {  	s9 =	sor.u32 s7, s0;
	v7 =	vld [tilespmem:s8+$0xC800]  }
0x285: {  	v8 =	vld [tilespmem:s9+$0x800]  }
0x286: {  	s11 =	sor.u32 s26, s13;
	v9 =	vld [tilespmem:s9+$0xC800];
	(v2sf) =	vpush v3, $0x0  }
0x287: {  	s10 =	sor.u32 s26, s0;
	v11 =	vld [tilespmem:s11+$0xC800];
	(v2sf) =	vpush v3, $0x1  }
0x288: {  	v13 =	vld [tilespmem:s10+$0x800]  }
0x289: {  	s28 =	sor.u32 s1, s0;
	v14 =	vld [tilespmem:s10+$0xC800]  }
0x28a: {  	s7 =	sor.u32 $0x10, s1;
	v25 =	vld [tilespmem:s28+$0x800]  }
0x28b: {  	s12 =	sor.u32 s7, s4;
	v27 =	vld [tilespmem:s28+$0xC800]  }
0x28c: {  	v15 =	vld [tilespmem:s12+$0x0]  }
0x28d: {  	s5 =	sor.u32 s7, s0;
	v16 =	vld [tilespmem:s12+$0x80]  }
0x28e: {  	v19 =	vld [tilespmem:s5+$0x800]  }
0x28f: {  	s4 =	sor.u32 s1, s13;
	v20 =	vld [tilespmem:s5+$0xC800]  }
0x290: {  	v23 =	vld [tilespmem:s4+$0x800]  }
0x291: {  	v24 =	vld [tilespmem:s4+$0xC800]  }
0x292: {  	s15 =	simm.s32 $0x200;
	s12 =	sor.u32 s7, s13;
	v3 =	vld [tilespmem:s11+$0x800]  }
0x293: {  	s29 =	simm.s32 $0x40;
	s2 =	sand.u32 $0x7FFFFC00, s15;
	v17 =	vld [tilespmem:s12+$0x800]  }
0x294: {  	s30 =	sand.u32 $0x40, s29;
	s23 =	sshrl.u32 s2, $0x2;
	v18 =	vld [tilespmem:s12+$0xC800];
	v26 =	vsub.f32 v4, v6  }
0x295: {  	v22 =	vld [tilespmem:s14+$0x80];
	s26 =	sor.u32 $0x30, s30;
	s13 =	sadd.s32 $0x12800, s23;
	v30 =	vsub.f32 v10, v12;
	v28 =	vadd.f32 v7, v5;
	s16 =	spop (v2sf)  }
0x296: {  	s2 =	sadd.s32 s3, s2;
	s14 =	sor.u32 s26, s13;
	v29 =	vadd.f32 v9, v8;
	v13 =	vadd.f32 v14, v13;
	s31 =	spop (v2sf)  }
0x297: {  	s15 =	sor.u32 s20, s2;
	v5 =	vld [tilespmem:s14+$0x0];
	v32 =	vsub.f32 v16, v15;
	v16 =	vadd.f32 v20, v19;
	s7 =	scvt.s32.f32 s31  }
0x298: {  	s23 =	sor.u32 s26, s15;
	v7 =	vld [tilespmem:s14+$0x80];
	v19 =	vadd.f32 v24, v23;
	v20 =	vadd.f32 v27, v25;
	s25 =	scvt.s32.f32 s16  }
0x299: {  	v8 =	vld [tilespmem:s23+$0x800];
	v31 =	vadd.f32 v11, v3;
	v14 =	vadd.f32 v18, v17;
	v4 =	vmov s7;
	s7 =	sor.u32 s21, s2  }
0x29a: {  	v9 =	vld [tilespmem:s23+$0xC800];
	v17 =	vsub.f32 v22, v21;
	v22 =	vadd.f32 v28, v6;
	v3 =	vmov s25;
	s25 =	sor.u32 s26, s7  }
0x29b: {  	v25 =	vadd.f32 v29, v6;
	v28 =	vadd.f32 v13, v12;
	s2 =	sor.u32 $0x20, s30;
	v10 =	vld [tilespmem:s25+$0x800]  }
0x29c: {  	v18 =	vimm.f32 $0.0e+00;
	v20 =	vadd.f32 v20, v21;
	v24 =	vadd.f32 v31, v12;
	s14 =	sor.u32 s2, s13;
	v11 =	vld [tilespmem:s25+$0xC800]  }
0x29d: {  	v12 =	vadd.f32 v19, v21;
	v23 =	vmul.f32 v26, v3;
	v27 =	vmul.f32 v30, v3;
	v6 =	vld [tilespmem:s14+$0x0]  }
0x29e: {  	v21 =	vadd.f32 v16, v15;
	v19 =	vmul.f32 v17, v3;
	v26 =	vmul.f32 v26, v4;
	s0 =	sor.u32 s2, s15;
	v13 =	vld [tilespmem:s14+$0x80]  }
0x29f: {  	v29 =	vmul.f32 v30, v4;
	v30 =	vadd.f32 v14, v15;
	v17 =	vmul.f32 v17, v4;
	v14 =	vld [tilespmem:s0+$0x800]  }
0x2a0: {  	s2 =	sor.u32 s2, s7;
	v15 =	vld [tilespmem:s0+$0xC800];
	v19 =	vadd.f32 v12, v19;
	v12 =	vmul.f32 v32, v3;
	v31 =	vadd.f32 v22, v23  }
0x2a1: {  	s16 =	sor.u32 $0x10, s30;
	v16 =	vld [tilespmem:s2+$0x800];
	v27 =	vadd.f32 v24, v27;
	v23 =	vadd.f32 v20, v17;
	v20 =	vmul.f32 v32, v4  }
0x2a2: {  	s26 =	sor.u32 s16, s13;
	v22 =	vadd.f32 v25, v26;
	v17 =	vld [tilespmem:s2+$0xC800];
	v25 =	vmul.f32 v19, v19;
	v26 =	vadd.f32 v30, v12  }
0x2a3: {  	v28 =	vadd.f32 v28, v29;
	[tilespmem:s4+$0x800] =	vst v19;
	v12 =	vld [tilespmem:s26+$0x0];
	v24 =	vmul.f32 v23, v23;
	v30 =	vadd.f32 v21, v20  }
0x2a4: {  	s4 =	sor.u32 s16, s15;
	v19 =	vadd.f32 v19, v18;
	[tilespmem:s11+$0x800] =	vst v27;
	v20 =	vld [tilespmem:s26+$0x80];
	v25 =	vadd.f32 v25, v18;
	v29 =	vmul.f32 v26, v26  }
0x2a5: {  	[tilespmem:s28+$0x800] =	vst v23;
	v21 =	vld [tilespmem:s4+$0x800];
	v23 =	vadd.f32 v23, v18;
	s28 =	sor.u32 s16, s7;
	v18 =	vadd.f32 v24, v18;
	v62 =	vmul.f32 v30, v30  }
0x2a6: {  	v33 =	vmul.f32 v27, v27;
	[tilespmem:s12+$0x800] =	vst v26;
	v19 =	vadd.f32 v26, v19;
	v26 =	vld [tilespmem:s28+$0xC800];
	v29 =	vadd.f32 v29, v25  }
0x2a7: {  	s31 =	sor.u32 s30, s13;
	v63 =	vmul.f32 v28, v28;
	[tilespmem:s5+$0x800] =	vst v30;
	v24 =	vld [tilespmem:s4+$0xC800];
	v30 =	vadd.f32 v30, v23;
	v18 =	vadd.f32 v62, v18  }
0x2a8: {  	v34 =	vmul.f32 v31, v31;
	[tilespmem:s8+$0x800] =	vst v31;
	v23 =	vld [tilespmem:s31+$0x0];
	v19 =	vadd.f32 v27, v19;
	v33 =	vadd.f32 v33, v29  }
0x2a9: {  	[tilespmem:s10+$0x800] =	vst v28;
	v25 =	vld [tilespmem:s28+$0x800];
	v28 =	vadd.f32 v28, v30;
	v30 =	vmul.f32 v22, v22;
	v29 =	vadd.f32 v63, v18  }
0x2aa: {  	s8 =	sor.u32 s30, s15;
	[tilespmem:s9+$0x800] =	vst v22;
	s9 =	simm.s32 $0x400;
	v27 =	vld [tilespmem:s31+$0x80];
	v18 =	vadd.f32 v31, v19;
	v19 =	vadd.f32 v34, v33  }
.LBB2_15:
0x2ab: {  	s29 =	sadd.s32 $0x40, s29;
	s1 =	sand.u32 $0x7FFFFC00, s9;
	v31 =	vld [tilespmem:s8+$0x800];
	v28 =	vadd.f32 v22, v28;
	v29 =	vadd.f32 v30, v29  }
0x2ac: {  	s13 =	sor.u32 s30, s7;
	s5 =	sshrl.u32 s1, $0x2;
	v22 =	vld [tilespmem:s8+$0xC800];
	s30 =	sand.u32 $0x40, s29  }
0x2ad: {  	v32 =	vsub.f32 v7, v5;
	p0 =	slt.u32 s29, $0x2C0;
	s11 =	sadd.s32 $0x12800, s5;
	s12 =	sor.u32 $0x30, s30;
	v30 =	vld [tilespmem:s13+$0x800]  }
0x2ae: {  	v34 =	vadd.f32 v9, v8;
	v35 =	vadd.f32 v11, v10;
	s1 =	sadd.s32 s3, s1;
	s5 =	sor.u32 s12, s11;
	v33 =	vld [tilespmem:s13+$0xC800]  }
0x2af: {  	v13 =	vsub.f32 v13, v6;
	v14 =	vadd.f32 v15, v14;
	s10 =	sor.u32 s20, s1;
	v36 =	vld [tilespmem:s5+$0x0]  }
0x2b0: {  	v20 =	vsub.f32 v20, v12;
	v15 =	vadd.f32 v17, v16;
	v7 =	vld [tilespmem:s5+$0x80];
	s5 =	sor.u32 s12, s10  }
0x2b1: {  	v16 =	vadd.f32 v24, v21;
	s7 =	sor.u32 s21, s1;
	v17 =	vadd.f32 v26, v25;
	v8 =	vld [tilespmem:s5+$0x800]  }
0x2b2: {  	v21 =	vsub.f32 v27, v23;
	s12 =	sor.u32 s12, s7;
	v22 =	vadd.f32 v22, v31;
	v9 =	vld [tilespmem:s5+$0xC800]  }
0x2b3: {  	s1 =	sor.u32 $0x20, s30;
	v25 =	vadd.f32 v34, v5;
	v26 =	vmul.f32 v32, v3;
	v10 =	vld [tilespmem:s12+$0x800];
	v24 =	vadd.f32 v33, v30  }
0x2b4: {  	s14 =	sor.u32 s1, s11;
	v27 =	vadd.f32 v14, v6;
	v31 =	vmul.f32 v32, v4;
	v30 =	vadd.f32 v35, v5;
	v11 =	vld [tilespmem:s12+$0xC800];
	v5 =	vmovc v36  }
0x2b5: {  	v34 =	vmul.f32 v13, v4;
	v32 =	vmul.f32 v13, v3;
	v33 =	vadd.f32 v15, v6;
	v6 =	vld [tilespmem:s14+$0x0]  }
0x2b6: {  	v22 =	vadd.f32 v22, v23;
	v35 =	vmul.f32 v21, v3;
	v36 =	vadd.f32 v16, v12;
	v13 =	vld [tilespmem:s14+$0x80];
	s14 =	sor.u32 s1, s10  }
0x2b7: {  	v21 =	vmul.f32 v21, v4;
	v23 =	vadd.f32 v24, v23;
	v24 =	vadd.f32 v17, v12;
	v14 =	vld [tilespmem:s14+$0x800]  }
0x2b8: {  	v37 =	vadd.f32 v25, v26;
	v35 =	vadd.f32 v22, v35;
	v12 =	vmul.f32 v20, v3;
	s1 =	sor.u32 s1, s7;
	v15 =	vld [tilespmem:s14+$0xC800]  }
0x2b9: {  	s15 =	sor.u32 $0x10, s30;
	v20 =	vmul.f32 v20, v4;
	v22 =	vadd.f32 v30, v31;
	v23 =	vadd.f32 v23, v21;
	v16 =	vld [tilespmem:s1+$0x800]  }
0x2ba: {  	s16 =	sor.u32 s15, s11;
	v27 =	vadd.f32 v27, v32;
	v21 =	vmul.f32 v35, v35;
	v25 =	vadd.f32 v36, v12;
	v17 =	vld [tilespmem:s1+$0xC800];
	[tilespmem:s8+$0x800] =	vst v35  }
0x2bb: {  	v31 =	vadd.f32 v33, v34;
	v30 =	vadd.f32 v24, v20;
	v26 =	vmul.f32 v23, v23;
	v12 =	vld [tilespmem:s16+$0x0];
	[tilespmem:s13+$0x800] =	vst v23  }
0x2bc: {  	v18 =	vadd.f32 v35, v18;
	v19 =	vadd.f32 v21, v19;
	v32 =	vmul.f32 v25, v25;
	v20 =	vld [tilespmem:s16+$0x80];
	[tilespmem:s4+$0x800] =	vst v25;
	s4 =	sor.u32 s15, s10  }
0x2bd: {  	v23 =	vadd.f32 v23, v28;
	v26 =	vadd.f32 v26, v29;
	v28 =	vmul.f32 v30, v30;
	v21 =	vld [tilespmem:s4+$0x800];
	[tilespmem:s28+$0x800] =	vst v30  }
.Ltmp6:
0x2be: {  	v18 =	vadd.f32 v25, v18;
	v19 =	vadd.f32 v32, v19;
	v29 =	vmul.f32 v27, v27;
	s28 =	sor.u32 s15, s7;
	v24 =	vld [tilespmem:s4+$0xC800];
	[tilespmem:s0+$0x800] =	vst v27;
	s0 =	smov.u32 s14;
	(pc) =	sbr.rel @p0 .LBB2_15-.Ltmp6, $4  }
0x2bf: {  	v33 =	vmul.f32 v31, v31;
	v30 =	vadd.f32 v30, v23;
	v32 =	vadd.f32 v28, v26;
	v25 =	vld [tilespmem:s28+$0x800];
	[tilespmem:s2+$0x800] =	vst v31;
	s2 =	smov.u32 s1  }
0x2c0: {  	v34 =	vmul.f32 v37, v37;
	v18 =	vadd.f32 v27, v18;
	v19 =	vadd.f32 v29, v19;
	s1 =	sor.u32 s30, s11;
	v26 =	vld [tilespmem:s28+$0xC800];
	[tilespmem:s23+$0x800] =	vst v37;
	s23 =	smov.u32 s5  }
0x2c1: {  	v28 =	vadd.f32 v31, v30;
	v29 =	vadd.f32 v33, v32;
	v30 =	vmul.f32 v22, v22;
	v23 =	vld [tilespmem:s1+$0x0];
	[tilespmem:s25+$0x800] =	vst v22;
	s25 =	smov.u32 s12  }
0x2c2: {  	s9 =	sadd.s32 $0x200, s9;
	s8 =	sor.u32 s30, s10;
	v18 =	vadd.f32 v37, v18;
	v19 =	vadd.f32 v34, v19;
	v27 =	vld [tilespmem:s1+$0x80]  }
0x2c3: {  	v22 =	vadd.f32 v22, v28  }
0x2c4: {  	v59 =	vadd.f32 v30, v29;
	v7 =	vsub.f32 v7, v5  }
0x2c5: {  	v31 =	vld [tilespmem:s8+$0x800];
	v8 =	vadd.f32 v9, v8;
	v9 =	vadd.f32 v11, v10  }
0x2c6: {  	v32 =	vld [tilespmem:s8+$0xC800];
	v10 =	vsub.f32 v13, v6;
	v11 =	vadd.f32 v15, v14  }
0x2c7: {  	s3 =	sor.u32 s30, s7;
	v13 =	vsub.f32 v20, v12;
	v14 =	vadd.f32 v17, v16  }
0x2c8: {  	v15 =	vadd.f32 v24, v21;
	v60 =	vld [tilespmem:s3+$0x800];
	v16 =	vadd.f32 v26, v25  }
0x2c9: {  	v61 =	vld [tilespmem:s3+$0xC800];
	v8 =	vadd.f32 v8, v5;
	v11 =	vadd.f32 v11, v6  }
0x2ca: {  	v63 =	vmul.f32 v7, v3;
	v5 =	vadd.f32 v9, v5;
	v6 =	vadd.f32 v14, v6  }
0x2cb: {  	v7 =	vmul.f32 v7, v4;
	v17 =	vsub.f32 v27, v23;
	v20 =	vadd.f32 v32, v31  }
0x2cc: {  	v9 =	vmul.f32 v10, v3;
	v15 =	vadd.f32 v15, v12;
	v12 =	vadd.f32 v16, v12  }
0x2cd: {  	v5 =	vadd.f32 v5, v7;
	v14 =	vadd.f32 v20, v23;
	v20 =	vmul.f32 v17, v3  }
0x2ce: {  	v62 =	vadd.f32 v61, v60;
	v17 =	vmul.f32 v17, v4;
	v3 =	vmul.f32 v13, v3  }
0x2cf: {  	v13 =	vmul.f32 v13, v4;
	v4 =	vmul.f32 v10, v4;
	v14 =	vadd.f32 v14, v20  }
0x2d0: {  	v9 =	vadd.f32 v11, v9;
	v21 =	vadd.f32 v62, v23  }
0x2d1: {  	v3 =	vadd.f32 v15, v3;
	v4 =	vadd.f32 v6, v4;
	v7 =	vmul.f32 v14, v14  }
0x2d2: {  	v16 =	vadd.f32 v21, v17;
	v6 =	vadd.f32 v14, v18  }
0x2d3: {  	v10 =	vadd.f32 v12, v13;
	v12 =	vmul.f32 v3, v3;
	v7 =	vadd.f32 v7, v19  }
0x2d4: {  	v8 =	vadd.f32 v8, v63;
	v11 =	vmul.f32 v16, v16;
	v6 =	vadd.f32 v3, v6  }
0x2d5: {  	v13 =	vadd.f32 v16, v22;
	v7 =	vadd.f32 v12, v7;
	v12 =	vmul.f32 v9, v9  }
0x2d6: {  	v15 =	vmul.f32 v10, v10;
	v11 =	vadd.f32 v11, v59;
	v6 =	vadd.f32 v9, v6  }
0x2d7: {  	v13 =	vadd.f32 v10, v13;
	v7 =	vadd.f32 v12, v7;
	v12 =	vmul.f32 v8, v8  }
0x2d8: {  	v11 =	vadd.f32 v15, v11;
	v15 =	vmul.f32 v4, v4;
	v6 =	vadd.f32 v8, v6  }
0x2d9: {  	v13 =	vadd.f32 v4, v13;
	v7 =	vadd.f32 v12, v7  }
0x2da: {  	v11 =	vadd.f32 v15, v11;
	v15 =	vmul.f32 v5, v5;
	(xrf2) =	vadd.scan.msk.f32 $0xffff, v6  }
0x2db: {  	v12 =	vadd.f32 v5, v13;
	(xrf2) =	vadd.scan.msk.f32 $0xffff, v7  }
0x2dc: {  	v6 =	vadd.f32 v15, v11  }
0x2dd: {  	(xrf2) =	vadd.scan.msk.f32 $0xffff, v12  }
0x2de: {  	(xrf2) =	vadd.scan.msk.f32 $0xffff, v6;
	_ =	sdelay $0x5  }
0x2df: {  	v6, _, _ =	vpop (xrf2)  }
0x2e0: {  	(v2sf) =	vpush v6, $0xF;
	v7, _, _ =	vpop (xrf2)  }
0x2e1: {  	(v2sf) =	vpush v7, $0xF  }
0x2e2: {  	v6, _, _ =	vpop (xrf2)  }
0x2e3: {  	(v2sf) =	vpush v6, $0xF;
	v6, _, _ =	vpop (xrf2)  }
0x2e4: {  	(v2sf) =	vpush v6, $0xF;
	_ =	sdelay $0xa  }
0x2e5: {  	s1 =	spop (v2sf)  }
0x2e6: {  	s5 =	smul.f32 $1.302083370e-03, s1;
	s11 =	spop (v2sf)  }
0x2e7: {  	s7 =	smul.f32 $1.302083370e-03, s11  }
0x2e8: {  	s12 =	spop (v2sf);
	s11 =	smul.f32 s5, s5  }
0x2e9: {  	s9 =	smul.f32 $1.302083370e-03, s12;
	s13 =	spop (v2sf)  }
0x2ea: {  	s1 =	smul.f32 $1.302083370e-03, s13  }
0x2eb: {  	s10 =	smul.f32 s9, s9  }
0x2ec: {  	s7 =	ssub.f32 s7, s11  }
0x2ed: {  	s1 =	ssub.f32 s1, s10  }
0x2ee: {  	s7 =	sadd.f32 $9.999999740e-06, s7  }
0x2ef: {  	s1 =	sadd.f32 $9.999999740e-06, s1  }
0x2f0: {  	v7 =	vmov s7  }
0x2f1: {  	v12 =	vshra.s32 v7, $0x1;
	v6 =	vmov s1  }
0x2f2: {  	v7 =	vmul.f32 $5.000000000e-01, v7;
	v11 =	vshra.s32 v6, $0x1;
	v6 =	vmul.f32 $5.000000000e-01, v6  }
0x2f3: {  	v12 =	vsub.s32 $0x5F3759DF, v12;
	v11 =	vsub.s32 $0x5F3759DF, v11  }
0x2f4: {  	v15 =	vmul.f32 v12, v7;
	v13 =	vmul.f32 v11, v6;
	_ =	sdelay $0x1  }
0x2f5: {  	v15 =	vmul.f32 v12, v15;
	v13 =	vmul.f32 v11, v13;
	_ =	sdelay $0x1  }
0x2f6: {  	v15 =	vsub.f32 $1.500000000e+00, v15;
	v13 =	vsub.f32 $1.500000000e+00, v13;
	_ =	sdelay $0x1  }
0x2f7: {  	v12 =	vmul.f32 v12, v15;
	v11 =	vmul.f32 v11, v13;
	_ =	sdelay $0x1  }
0x2f8: {  	v15 =	vmul.f32 v12, v7;
	v13 =	vmul.f32 v11, v6;
	_ =	sdelay $0x1  }
0x2f9: {  	v15 =	vmul.f32 v15, v12;
	v13 =	vmul.f32 v13, v11;
	_ =	sdelay $0x1  }
0x2fa: {  	v15 =	vsub.f32 $1.500000000e+00, v15;
	v13 =	vsub.f32 $1.500000000e+00, v13;
	_ =	sdelay $0x1  }
0x2fb: {  	v12 =	vmul.f32 v15, v12;
	v11 =	vmul.f32 v13, v11  }
0x2fc: {  	[tilespmem:s0+$0x800] =	vst v9  }
0x2fd: {  	[tilespmem:s4+$0x800] =	vst v3;
	v3 =	vmul.f32 v12, v7;
	v13 =	vmul.f32 v11, v6  }
0x2fe: {  	s14 =	smul.u32 $0x6000, s22;
	[tilespmem:s23+$0x800] =	vst v8  }
0x2ff: {  	[tilespmem:s28+$0x800] =	vst v10;
	v3 =	vmul.f32 v3, v12;
	v10 =	vmul.f32 v13, v11  }
0x300: {  	s16 =	simm.s32 $0x0;
	s15 =	sshra.s32 s14, $0x2;
	[tilespmem:s25+$0x800] =	vst v5  }
0x301: {  	s0 =	sadd.s32 $0x800, s15;
	[tilespmem:s2+$0x800] =	vst v4;
	s2 =	simm.s32 $0x0;
	s1 =	sand.u32 $0x1C00, s16;
	v3 =	vsub.f32 $1.500000000e+00, v3;
	v4 =	vsub.f32 $1.500000000e+00, v10  }
0x302: {  	[tilespmem:s8+$0x800] =	vst v14;
	s23 =	sand.u32 $0x40, s2;
	s1 =	sadd.s32 s1, s0  }
0x303: {  	s4 =	simm.s32 $0x12E00;
	[tilespmem:s3+$0x800] =	vst v16;
	s30 =	sor.u32 $0x30, s23;
	s26 =	sadd.s32 s21, s1;
	v10 =	vmul.f32 v3, v12;
	v4 =	vmul.f32 v4, v11  }
0x304: {  	v16 =	vld [tilespmem:s4+$0x0];
	s12 =	sor.u32 $0x10, s23;
	s1 =	sadd.s32 s20, s1;
	s29 =	sadd.s32 s30, s26  }
0x305: {  	s7 =	sadd.s32 s12, s1;
	v5 =	vmul.f32 v4, v6;
	v6 =	vmul.f32 v10, v7;
	v7 =	vld [tilespmem:s29+$0x0]  }
0x306: {  	s25 =	sadd.s32 s23, s1;
	v13 =	vld [tilespmem:s7+$0x0]  }
0x307: {  	s3 =	sadd.s32 s23, s26;
	v11 =	vld [tilespmem:s25+$0x0];
	v5 =	vmul.f32 v5, v4;
	v6 =	vmul.f32 v6, v10  }
0x308: {  	s22 =	simm.s32 $0x13100;
	s13 =	sand.u32 $0x380, s2;
	v12 =	vld [tilespmem:s3+$0x0]  }
0x309: {  	s14 =	sor.u32 s13, s30;
	v8 =	vmov s9;
	v3 =	vld [tilespmem:s22+$0x0];
	v9 =	vsub.f32 $1.500000000e+00, v5;
	v14 =	vsub.f32 $1.500000000e+00, v6  }
0x30a: {  	s8 =	sadd.s32 s12, s26;
	v5 =	vld [tilespmem:s14+$0x12E00];
	v15 =	vsub.f32 v7, v8  }
0x30b: {  	s31 =	sor.u32 $0x20, s23;
	v4 =	vmul.f32 v9, v4;
	v9 =	vmov s5;
	v7 =	vmul.f32 v14, v10;
	v10 =	vld [tilespmem:s8+$0x0]  }
0x30c: {  	s22 =	sadd.s32 s31, s1;
	v6 =	vld [tilespmem:s14+$0x13100];
	v11 =	vsub.f32 v11, v9  }
0x30d: {  	s23 =	sadd.s32 s31, s26;
	v12 =	vsub.f32 v12, v8;
	v14 =	vld [tilespmem:s22+$0x0];
	v17 =	vmul.f32 v15, v4  }
0x30e: {  	s28 =	sadd.s32 s30, s1;
	v15 =	vld [tilespmem:s23+$0x0];
	v11 =	vmul.f32 v11, v7  }
0x30f: {  	s11 =	sor.u32 s13, s12;
	v13 =	vsub.f32 v13, v9;
	v20 =	vmul.f32 v12, v4;
	v12 =	vld [tilespmem:s28+$0x0];
	v17 =	vmul.f32 v17, v5  }
0x310: {  	s5 =	sor.u32 s13, s31;
	v18 =	vmul.f32 v11, v16;
	v11 =	vld [tilespmem:s11+$0x12E00];
	v19 =	vsub.f32 v10, v8  }
0x311: {  	s9 =	simm.s32 $0x200;
	s10 =	simm.s32 $0x13140;
	v13 =	vmul.f32 v13, v7;
	v16 =	vmul.f32 v20, v16;
	v10 =	vld [tilespmem:s5+$0x12E00];
	v17 =	vadd.f32 v17, v6  }
.LBB2_17:
0x312: {  	s2 =	sadd.s32 $0x40, s2;
	s1 =	sand.u32 $0x1C00, s9;
	v18 =	vadd.f32 v18, v3;
	v20 =	vld [tilespmem:s11+$0x13100];
	v19 =	vmul.f32 v19, v4;
	v14 =	vsub.f32 v14, v9;
	s4 =	sadd.s32 $0x40, s4  }
0x313: {  	s11 =	sand.u32 $0x40, s2;
	s1 =	sadd.s32 s1, s0;
	p0 =	slt.u32 s2, $0x2C0;
	v16 =	vadd.f32 v16, v3;
	v21 =	vld [tilespmem:s5+$0x13100];
	v15 =	vsub.f32 v15, v8;
	[tilespmem:s29+$0x0] =	vst v17  }
0x314: {  	v3 =	vld [tilespmem:s10+$0x0];
	s5 =	sadd.s32 s20, s1;
	s1 =	sadd.s32 s21, s1;
	s12 =	sor.u32 $0x30, s11;
	[tilespmem:s25+$0x0] =	vst v18;
	v14 =	vmul.f32 v14, v7;
	v12 =	vsub.f32 v12, v9  }
0x315: {  	s13 =	sor.u32 $0x10, s11;
	s14 =	sor.u32 $0x20, s11;
	v17 =	vld [tilespmem:s4+$0x0];
	s29 =	sadd.s32 s12, s1;
	[tilespmem:s3+$0x0] =	vst v16;
	v13 =	vmul.f32 v13, v11;
	v15 =	vmul.f32 v15, v4  }
0x316: {  	s25 =	sadd.s32 s11, s5;
	s3 =	sadd.s32 s11, s1;
	s15 =	sadd.s32 s13, s5;
	v11 =	vmul.f32 v19, v11;
	v16 =	vld [tilespmem:s29+$0x0];
	v12 =	vmul.f32 v12, v7  }
0x317: {  	s16 =	sadd.s32 s13, s1;
	s26 =	sadd.s32 s14, s5;
	s1 =	sadd.s32 s14, s1;
	v14 =	vmul.f32 v14, v10;
	v18 =	vld [tilespmem:s25+$0x0];
	v13 =	vadd.f32 v13, v20;
	v10 =	vmul.f32 v15, v10  }
0x318: {  	s30 =	sand.u32 $0x380, s2;
	s31 =	sadd.s32 s12, s5;
	v11 =	vadd.f32 v11, v20;
	v15 =	vld [tilespmem:s3+$0x0];
	v12 =	vmul.f32 v12, v5  }
0x319: {  	s11 =	sor.u32 s30, s13;
	s5 =	sor.u32 s30, s14;
	s12 =	sor.u32 s30, s12;
	v19 =	vld [tilespmem:s15+$0x0];
	[tilespmem:s7+$0x0] =	vst v13;
	v13 =	vadd.f32 v14, v21;
	v10 =	vadd.f32 v10, v21  }
0x31a: {  	s7 =	smov.u32 s15;
	v5 =	vld [tilespmem:s12+$0x12E00];
	[tilespmem:s8+$0x0] =	vst v11;
	v11 =	vadd.f32 v12, v6;
	s8 =	smov.u32 s16  }
0x31b: {  	v20 =	vld [tilespmem:s8+$0x0];
	v12 =	vsub.f32 v16, v8;
	[tilespmem:s22+$0x0] =	vst v13;
	s22 =	smov.u32 s26  }
0x31c: {  	v13 =	vsub.f32 v18, v9;
	v6 =	vld [tilespmem:s12+$0x13100];
	[tilespmem:s23+$0x0] =	vst v10;
	s23 =	smov.u32 s1  }
.Ltmp7:
0x31d: {  	v10 =	vsub.f32 v15, v8;
	v14 =	vld [tilespmem:s22+$0x0];
	v16 =	vmul.f32 v12, v4;
	[tilespmem:s28+$0x0] =	vst v11;
	s28 =	smov.u32 s31;
	(pc) =	sbr.rel @p0 .LBB2_17-.Ltmp7, $4  }
0x31e: {  	v11 =	vmul.f32 v13, v7;
	v13 =	vsub.f32 v19, v9;
	v15 =	vld [tilespmem:s23+$0x0]  }
0x31f: {  	v10 =	vmul.f32 v10, v4;
	v12 =	vld [tilespmem:s28+$0x0];
	v21 =	vmul.f32 v16, v5  }
0x320: {  	v18 =	vmul.f32 v11, v17;
	v11 =	vld [tilespmem:s11+$0x12E00];
	v13 =	vmul.f32 v13, v7;
	v19 =	vsub.f32 v20, v8  }
0x321: {  	s9 =	sadd.s32 $0x200, s9;
	s10 =	sadd.s32 $0x40, s10;
	v16 =	vmul.f32 v10, v17;
	v10 =	vld [tilespmem:s5+$0x12E00];
	v17 =	vadd.f32 v21, v6  }
0x322: {  	v20 =	vld [tilespmem:s11+$0x13100]  }
0x323: {  	v14 =	vsub.f32 v14, v9  }
0x324: {  	v18 =	vadd.f32 v18, v3;
	v19 =	vmul.f32 v19, v4;
	v53 =	vld [tilespmem:s5+$0x13100];
	v8 =	vsub.f32 v15, v8  }
0x325: {  	v14 =	vmul.f32 v14, v7;
	v54 =	vsub.f32 v12, v9;
	v55 =	vmul.f32 v13, v11  }
0x326: {  	v3 =	vadd.f32 v16, v3;
	[tilespmem:s29+$0x0] =	vst v17;
	v56 =	vmul.f32 v8, v4;
	v57 =	vmul.f32 v19, v11  }
0x327: {  	s19 =	sadd.s32 $0x1, s19;
	[tilespmem:s25+$0x0] =	vst v18;
	v58 =	vmul.f32 v54, v7;
	v60 =	vmul.f32 v14, v10;
	v59 =	vadd.f32 v55, v20  }
0x328: {  	p0 =	sne.s32 s19, $0x10;
	[tilespmem:s3+$0x0] =	vst v3;
	v3 =	vmul.f32 v56, v10;
	v61 =	vadd.f32 v57, v20  }
.Ltmp8:
0x329: {  	v5 =	vmul.f32 v58, v5;
	v62 =	vadd.f32 v60, v53;
	[tilespmem:s7+$0x0] =	vst v59;
	(pc) =	sbr.rel @p0 .LBB2_14-.Ltmp8, $4  }
0x32a: {  	v3 =	vadd.f32 v3, v53;
	[tilespmem:s8+$0x0] =	vst v61  }
0x32b: {  	v63 =	vadd.f32 v5, v6;
	[tilespmem:s22+$0x0] =	vst v62  }
0x32c: {  	[tilespmem:s23+$0x0] =	vst v3  }
0x32d: {  	[tilespmem:s28+$0x0] =	vst v63  }
0x32e: {  	s17 =	simm.s32 $0x0  }
0x32f: {  	s0 =	rddreg [dreg:$0x16];
	s1 =	simm.s32 $0x800;
	s15 =	simm.s32 $0x4  }
0x330: {  	[hbm4b:s0+s17] =	stream.linear.scatter [tilespmem:s1], [sflag:$0x4], $0x6000, $0x38;
	[tilespmem:$0x13400] =	vst v63  }
0x331: {  	_ =	swait.ge [sflag:s15], $0x6000  }
0x332: {  	[sflag:s15] =	ssyncset.done $0x0  }
0x333: {  	[sflag:s15] =	ssyncadd.s32 $0xFFFFA000  }
0x334: {  	v3 =	vld [tilespmem:$0x200];
	_ =	sdelay $0x4  }
0x335: {  	v4 =	vshrl.u32 v3, $0x3  }
0x336: {  	v4 =	vmul.u32 $0x30, v4  }
0x337: {  	v3 =	vand.u32 $0x7, v3  }
0x338: {  	v3 =	vor.u32 v3, v4  }
0x339: {  	v4 =	vperm.xlane v3, v0;
	_ =	sdelay $0x1  }
0x33a: {  	v4 =	vadd.s32 v1, v4;
	_ =	sdelay $0x3  }
0x33b: {  	s0 =	rddreg [dreg:$0x2];
	v3 =	vperm.xlane v3, v2  }
0x33c: {  	[tilespmem:s1], [sflag:$0x2] =	stream.indirect_vreg.gather [hbm4b:s0+s17], $0x80, v4, vm0, $0xb8;
	[tilespmem:$0x13400] =	vst v63  }
0x33d: {  	s16 =	simm.s32 $0x1000;
	v3 =	vadd.s32 v1, v3  }
0x33e: {  	[tilespmem:s16], [sflag:$0x2] =	stream.indirect_vreg.gather [hbm4b:s18+s17], $0x80, v4, vm0, $0xb8;
	[tilespmem:$0x13400] =	vst v63  }
0x33f: {  	s19 =	simm.s32 $0x1800  }
0x340: {  	[tilespmem:s19], [sflag:$0x2] =	stream.indirect_vreg.gather [hbm4b:s24+s17], $0x80, v4, vm0, $0xb8;
	[tilespmem:$0x13400] =	vst v63  }
0x341: {  	s20 =	simm.s32 $0x2000  }
0x342: {  	[tilespmem:s20], [sflag:$0x2] =	stream.indirect_vreg.gather [hbm4b:s0+s17], $0x80, v3, vm0, $0xb8;
	[tilespmem:$0x13400] =	vst v63  }
0x343: {  	s21 =	simm.s32 $0x2800  }
0x344: {  	[tilespmem:s21], [sflag:$0x2] =	stream.indirect_vreg.gather [hbm4b:s18+s17], $0x80, v3, vm0, $0xb8;
	[tilespmem:$0x13400] =	vst v63  }
0x345: {  	s22 =	simm.s32 $0x3000  }
0x346: {  	[tilespmem:s22], [sflag:$0x2] =	stream.indirect_vreg.gather [hbm4b:s24+s17], $0x80, v3, vm0, $0xb8;
	[tilespmem:$0x13400] =	vst v63  }
0x347: {  	v3 =	vld [tilespmem:$0x210];
	_ =	sdelay $0x4  }
0x348: {  	v63 =	vshrl.u32 v3, $0x3  }
0x349: {  	v4 =	vmul.u32 $0x30, v63  }
0x34a: {  	v3 =	vand.u32 $0x7, v3  }
0x34b: {  	v3 =	vor.u32 v3, v4  }
0x34c: {  	v4 =	vperm.xlane v3, v0;
	_ =	sdelay $0x1  }
0x34d: {  	v4 =	vadd.s32 v1, v4;
	_ =	sdelay $0x3  }
0x34e: {  	s23 =	simm.s32 $0x3800;
	v3 =	vperm.xlane v3, v2  }
0x34f: {  	[tilespmem:s23], [sflag:$0x2] =	stream.indirect_vreg.gather [hbm4b:s0+s17], $0x80, v4, vm0, $0xb8;
	[tilespmem:$0x13400] =	vst v63  }
0x350: {  	s25 =	simm.s32 $0x4000;
	v3 =	vadd.s32 v1, v3  }
0x351: {  	[tilespmem:s25], [sflag:$0x2] =	stream.indirect_vreg.gather [hbm4b:s18+s17], $0x80, v4, vm0, $0xb8;
	[tilespmem:$0x13400] =	vst v63  }
0x352: {  	s26 =	simm.s32 $0x4800  }
0x353: {  	[tilespmem:s26], [sflag:$0x2] =	stream.indirect_vreg.gather [hbm4b:s24+s17], $0x80, v4, vm0, $0xb8;
	[tilespmem:$0x13400] =	vst v63  }
0x354: {  	s28 =	simm.s32 $0x5000  }
0x355: {  	[tilespmem:s28], [sflag:$0x2] =	stream.indirect_vreg.gather [hbm4b:s0+s17], $0x80, v3, vm0, $0xb8;
	[tilespmem:$0x13400] =	vst v63  }
0x356: {  	s29 =	simm.s32 $0x5800  }
0x357: {  	[tilespmem:s29], [sflag:$0x2] =	stream.indirect_vreg.gather [hbm4b:s18+s17], $0x80, v3, vm0, $0xb8;
	[tilespmem:$0x13400] =	vst v63  }
0x358: {  	s30 =	simm.s32 $0x6000;
	s31 =	simm.s32 $0x3  }
0x359: {  	[tilespmem:s30], [sflag:$0x2] =	stream.indirect_vreg.gather [hbm4b:s24+s17], $0x80, v3, vm0, $0xb8;
	[tilespmem:$0x13400] =	vst v63  }
0x35a: {  	_ =	swait.ge [sflag:s31], $0x6000  }
0x35b: {  	[sflag:s31] =	ssyncset.done $0x0  }
0x35c: {  	s19 =	simm.s32 $0x0;
	[sflag:s31] =	ssyncadd.s32 $0xFFFFA000  }
.LBB2_20:
0x35d: {  	s1 =	simm.s32 $0x0;
	s2 =	sand.u32 $0x7FFFFC00, s17  }
0x35e: {  	s0 =	sshll.u32 s19, $0x3;
	s1 =	sand.u32 $0x40, s1;
	s4 =	sshrl.u32 s2, $0x2  }
0x35f: {  	s0 =	sshra.s32 s0, $0x2;
	s4 =	sadd.s32 $0x12800, s4;
	s7 =	sor.u32 $0x30, s1  }
0x360: {  	s22 =	sshrl.u32 s19, $0x2;
	v3 =	vld [tilespmem:s0+$0x580];
	s25 =	sor.u32 s7, s4  }
0x361: {  	s3 =	smul.u32 $0x1800, s22;
	s26 =	sor.u32 $0x20, s1;
	v6 =	vld [tilespmem:s25+$0x0]  }
0x362: {  	s5 =	sshll.u32 s19, $0x8;
	s31 =	sor.u32 s26, s4;
	v4 =	vld [tilespmem:s25+$0x80]  }
0x363: {  	s20 =	sand.u32 $0x300, s5;
	s23 =	sadd.s32 s3, s2;
	v12 =	vld [tilespmem:s31+$0x0]  }
0x364: {  	s14 =	sor.u32 s1, s4;
	s13 =	sor.u32 s20, s23;
	v10 =	vld [tilespmem:s31+$0x80]  }
0x365: {  	s21 =	sor.u32 $0x80, s20;
	v21 =	vld [tilespmem:s14+$0x0];
	s8 =	sor.u32 s7, s13  }
0x366: {  	s0 =	sor.u32 s21, s23;
	v5 =	vld [tilespmem:s8+$0x6800]  }
0x367: {  	s9 =	sor.u32 s7, s0;
	v7 =	vld [tilespmem:s8+$0xC800]  }
0x368: {  	v8 =	vld [tilespmem:s9+$0x6800]  }
0x369: {  	s11 =	sor.u32 s26, s13;
	v9 =	vld [tilespmem:s9+$0xC800];
	(v2sf) =	vpush v3, $0x0  }
0x36a: {  	s10 =	sor.u32 s26, s0;
	v11 =	vld [tilespmem:s11+$0xC800];
	(v2sf) =	vpush v3, $0x1  }
0x36b: {  	v13 =	vld [tilespmem:s10+$0x6800]  }
0x36c: {  	s28 =	sor.u32 s1, s0;
	v14 =	vld [tilespmem:s10+$0xC800]  }
0x36d: {  	s7 =	sor.u32 $0x10, s1;
	v25 =	vld [tilespmem:s28+$0x6800]  }
0x36e: {  	s12 =	sor.u32 s7, s4;
	v27 =	vld [tilespmem:s28+$0xC800]  }
0x36f: {  	v15 =	vld [tilespmem:s12+$0x0]  }
0x370: {  	s5 =	sor.u32 s7, s0;
	v16 =	vld [tilespmem:s12+$0x80]  }
0x371: {  	v19 =	vld [tilespmem:s5+$0x6800]  }
0x372: {  	s4 =	sor.u32 s1, s13;
	v20 =	vld [tilespmem:s5+$0xC800]  }
0x373: {  	v23 =	vld [tilespmem:s4+$0x6800]  }
0x374: {  	v24 =	vld [tilespmem:s4+$0xC800]  }
0x375: {  	s15 =	simm.s32 $0x200;
	s12 =	sor.u32 s7, s13;
	v3 =	vld [tilespmem:s11+$0x6800]  }
0x376: {  	s29 =	simm.s32 $0x40;
	s2 =	sand.u32 $0x7FFFFC00, s15;
	v17 =	vld [tilespmem:s12+$0x6800]  }
0x377: {  	s30 =	sand.u32 $0x40, s29;
	s23 =	sshrl.u32 s2, $0x2;
	v18 =	vld [tilespmem:s12+$0xC800];
	v26 =	vsub.f32 v4, v6  }
0x378: {  	v22 =	vld [tilespmem:s14+$0x80];
	s26 =	sor.u32 $0x30, s30;
	s13 =	sadd.s32 $0x12800, s23;
	v30 =	vsub.f32 v10, v12;
	v28 =	vadd.f32 v7, v5;
	s16 =	spop (v2sf)  }
0x379: {  	s2 =	sadd.s32 s3, s2;
	s14 =	sor.u32 s26, s13;
	v29 =	vadd.f32 v9, v8;
	v13 =	vadd.f32 v14, v13;
	s31 =	spop (v2sf)  }
0x37a: {  	s15 =	sor.u32 s20, s2;
	v5 =	vld [tilespmem:s14+$0x0];
	v32 =	vsub.f32 v16, v15;
	v16 =	vadd.f32 v20, v19;
	s7 =	scvt.s32.f32 s31  }
0x37b: {  	s23 =	sor.u32 s26, s15;
	v7 =	vld [tilespmem:s14+$0x80];
	v19 =	vadd.f32 v24, v23;
	v20 =	vadd.f32 v27, v25;
	s25 =	scvt.s32.f32 s16  }
0x37c: {  	v8 =	vld [tilespmem:s23+$0x6800];
	v31 =	vadd.f32 v11, v3;
	v14 =	vadd.f32 v18, v17;
	v4 =	vmov s7;
	s7 =	sor.u32 s21, s2  }
0x37d: {  	v9 =	vld [tilespmem:s23+$0xC800];
	v17 =	vsub.f32 v22, v21;
	v22 =	vadd.f32 v28, v6;
	v3 =	vmov s25;
	s25 =	sor.u32 s26, s7  }
0x37e: {  	v25 =	vadd.f32 v29, v6;
	v28 =	vadd.f32 v13, v12;
	s2 =	sor.u32 $0x20, s30;
	v10 =	vld [tilespmem:s25+$0x6800]  }
0x37f: {  	v18 =	vimm.f32 $0.0e+00;
	v20 =	vadd.f32 v20, v21;
	v24 =	vadd.f32 v31, v12;
	s14 =	sor.u32 s2, s13;
	v11 =	vld [tilespmem:s25+$0xC800]  }
0x380: {  	v12 =	vadd.f32 v19, v21;
	v23 =	vmul.f32 v26, v3;
	v27 =	vmul.f32 v30, v3;
	v6 =	vld [tilespmem:s14+$0x0]  }
0x381: {  	v21 =	vadd.f32 v16, v15;
	v19 =	vmul.f32 v17, v3;
	v26 =	vmul.f32 v26, v4;
	s0 =	sor.u32 s2, s15;
	v13 =	vld [tilespmem:s14+$0x80]  }
0x382: {  	v29 =	vmul.f32 v30, v4;
	v30 =	vadd.f32 v14, v15;
	v17 =	vmul.f32 v17, v4;
	v14 =	vld [tilespmem:s0+$0x6800]  }
0x383: {  	s2 =	sor.u32 s2, s7;
	v15 =	vld [tilespmem:s0+$0xC800];
	v19 =	vadd.f32 v12, v19;
	v12 =	vmul.f32 v32, v3;
	v31 =	vadd.f32 v22, v23  }
0x384: {  	s16 =	sor.u32 $0x10, s30;
	v16 =	vld [tilespmem:s2+$0x6800];
	v27 =	vadd.f32 v24, v27;
	v23 =	vadd.f32 v20, v17;
	v20 =	vmul.f32 v32, v4  }
0x385: {  	s26 =	sor.u32 s16, s13;
	v22 =	vadd.f32 v25, v26;
	v17 =	vld [tilespmem:s2+$0xC800];
	v25 =	vmul.f32 v19, v19;
	v26 =	vadd.f32 v30, v12  }
0x386: {  	v28 =	vadd.f32 v28, v29;
	[tilespmem:s4+$0x6800] =	vst v19;
	v12 =	vld [tilespmem:s26+$0x0];
	v24 =	vmul.f32 v23, v23;
	v30 =	vadd.f32 v21, v20  }
0x387: {  	s4 =	sor.u32 s16, s15;
	v19 =	vadd.f32 v19, v18;
	[tilespmem:s11+$0x6800] =	vst v27;
	v20 =	vld [tilespmem:s26+$0x80];
	v25 =	vadd.f32 v25, v18;
	v29 =	vmul.f32 v26, v26  }
0x388: {  	[tilespmem:s28+$0x6800] =	vst v23;
	v21 =	vld [tilespmem:s4+$0x6800];
	v23 =	vadd.f32 v23, v18;
	s28 =	sor.u32 s16, s7;
	v18 =	vadd.f32 v24, v18;
	v62 =	vmul.f32 v30, v30  }
0x389: {  	v33 =	vmul.f32 v27, v27;
	[tilespmem:s12+$0x6800] =	vst v26;
	v19 =	vadd.f32 v26, v19;
	v26 =	vld [tilespmem:s28+$0xC800];
	v29 =	vadd.f32 v29, v25  }
0x38a: {  	s31 =	sor.u32 s30, s13;
	v63 =	vmul.f32 v28, v28;
	[tilespmem:s5+$0x6800] =	vst v30;
	v24 =	vld [tilespmem:s4+$0xC800];
	v30 =	vadd.f32 v30, v23;
	v18 =	vadd.f32 v62, v18  }
0x38b: {  	v34 =	vmul.f32 v31, v31;
	[tilespmem:s8+$0x6800] =	vst v31;
	v23 =	vld [tilespmem:s31+$0x0];
	v19 =	vadd.f32 v27, v19;
	v33 =	vadd.f32 v33, v29  }
0x38c: {  	[tilespmem:s10+$0x6800] =	vst v28;
	v25 =	vld [tilespmem:s28+$0x6800];
	v28 =	vadd.f32 v28, v30;
	v30 =	vmul.f32 v22, v22;
	v29 =	vadd.f32 v63, v18  }
0x38d: {  	s8 =	sor.u32 s30, s15;
	[tilespmem:s9+$0x6800] =	vst v22;
	s9 =	simm.s32 $0x400;
	v27 =	vld [tilespmem:s31+$0x80];
	v18 =	vadd.f32 v31, v19;
	v19 =	vadd.f32 v34, v33  }
.LBB2_21:
0x38e: {  	s29 =	sadd.s32 $0x40, s29;
	s1 =	sand.u32 $0x7FFFFC00, s9;
	v31 =	vld [tilespmem:s8+$0x6800];
	v28 =	vadd.f32 v22, v28;
	v29 =	vadd.f32 v30, v29  }
0x38f: {  	s13 =	sor.u32 s30, s7;
	s5 =	sshrl.u32 s1, $0x2;
	v22 =	vld [tilespmem:s8+$0xC800];
	s30 =	sand.u32 $0x40, s29  }
0x390: {  	v32 =	vsub.f32 v7, v5;
	p0 =	slt.u32 s29, $0x2C0;
	s11 =	sadd.s32 $0x12800, s5;
	s12 =	sor.u32 $0x30, s30;
	v30 =	vld [tilespmem:s13+$0x6800]  }
0x391: {  	v34 =	vadd.f32 v9, v8;
	v35 =	vadd.f32 v11, v10;
	s1 =	sadd.s32 s3, s1;
	s5 =	sor.u32 s12, s11;
	v33 =	vld [tilespmem:s13+$0xC800]  }
0x392: {  	v13 =	vsub.f32 v13, v6;
	v14 =	vadd.f32 v15, v14;
	s10 =	sor.u32 s20, s1;
	v36 =	vld [tilespmem:s5+$0x0]  }
0x393: {  	v20 =	vsub.f32 v20, v12;
	v15 =	vadd.f32 v17, v16;
	v7 =	vld [tilespmem:s5+$0x80];
	s5 =	sor.u32 s12, s10  }
0x394: {  	v16 =	vadd.f32 v24, v21;
	s7 =	sor.u32 s21, s1;
	v17 =	vadd.f32 v26, v25;
	v8 =	vld [tilespmem:s5+$0x6800]  }
0x395: {  	v21 =	vsub.f32 v27, v23;
	s12 =	sor.u32 s12, s7;
	v22 =	vadd.f32 v22, v31;
	v9 =	vld [tilespmem:s5+$0xC800]  }
0x396: {  	s1 =	sor.u32 $0x20, s30;
	v25 =	vadd.f32 v34, v5;
	v26 =	vmul.f32 v32, v3;
	v10 =	vld [tilespmem:s12+$0x6800];
	v24 =	vadd.f32 v33, v30  }
0x397: {  	s14 =	sor.u32 s1, s11;
	v27 =	vadd.f32 v14, v6;
	v31 =	vmul.f32 v32, v4;
	v30 =	vadd.f32 v35, v5;
	v11 =	vld [tilespmem:s12+$0xC800];
	v5 =	vmovc v36  }
0x398: {  	v34 =	vmul.f32 v13, v4;
	v32 =	vmul.f32 v13, v3;
	v33 =	vadd.f32 v15, v6;
	v6 =	vld [tilespmem:s14+$0x0]  }
0x399: {  	v22 =	vadd.f32 v22, v23;
	v35 =	vmul.f32 v21, v3;
	v36 =	vadd.f32 v16, v12;
	v13 =	vld [tilespmem:s14+$0x80];
	s14 =	sor.u32 s1, s10  }
0x39a: {  	v21 =	vmul.f32 v21, v4;
	v23 =	vadd.f32 v24, v23;
	v24 =	vadd.f32 v17, v12;
	v14 =	vld [tilespmem:s14+$0x6800]  }
0x39b: {  	v37 =	vadd.f32 v25, v26;
	v35 =	vadd.f32 v22, v35;
	v12 =	vmul.f32 v20, v3;
	s1 =	sor.u32 s1, s7;
	v15 =	vld [tilespmem:s14+$0xC800]  }
0x39c: {  	s15 =	sor.u32 $0x10, s30;
	v20 =	vmul.f32 v20, v4;
	v22 =	vadd.f32 v30, v31;
	v23 =	vadd.f32 v23, v21;
	v16 =	vld [tilespmem:s1+$0x6800]  }
0x39d: {  	s16 =	sor.u32 s15, s11;
	v27 =	vadd.f32 v27, v32;
	v21 =	vmul.f32 v35, v35;
	v25 =	vadd.f32 v36, v12;
	v17 =	vld [tilespmem:s1+$0xC800];
	[tilespmem:s8+$0x6800] =	vst v35  }
0x39e: {  	v31 =	vadd.f32 v33, v34;
	v30 =	vadd.f32 v24, v20;
	v26 =	vmul.f32 v23, v23;
	v12 =	vld [tilespmem:s16+$0x0];
	[tilespmem:s13+$0x6800] =	vst v23  }
0x39f: {  	v18 =	vadd.f32 v35, v18;
	v19 =	vadd.f32 v21, v19;
	v32 =	vmul.f32 v25, v25;
	v20 =	vld [tilespmem:s16+$0x80];
	[tilespmem:s4+$0x6800] =	vst v25;
	s4 =	sor.u32 s15, s10  }
0x3a0: {  	v23 =	vadd.f32 v23, v28;
	v26 =	vadd.f32 v26, v29;
	v28 =	vmul.f32 v30, v30;
	v21 =	vld [tilespmem:s4+$0x6800];
	[tilespmem:s28+$0x6800] =	vst v30  }
.Ltmp9:
0x3a1: {  	v18 =	vadd.f32 v25, v18;
	v19 =	vadd.f32 v32, v19;
	v29 =	vmul.f32 v27, v27;
	s28 =	sor.u32 s15, s7;
	v24 =	vld [tilespmem:s4+$0xC800];
	[tilespmem:s0+$0x6800] =	vst v27;
	s0 =	smov.u32 s14;
	(pc) =	sbr.rel @p0 .LBB2_21-.Ltmp9, $4  }
0x3a2: {  	v33 =	vmul.f32 v31, v31;
	v30 =	vadd.f32 v30, v23;
	v32 =	vadd.f32 v28, v26;
	v25 =	vld [tilespmem:s28+$0x6800];
	[tilespmem:s2+$0x6800] =	vst v31;
	s2 =	smov.u32 s1  }
0x3a3: {  	v34 =	vmul.f32 v37, v37;
	v18 =	vadd.f32 v27, v18;
	v19 =	vadd.f32 v29, v19;
	s1 =	sor.u32 s30, s11;
	v26 =	vld [tilespmem:s28+$0xC800];
	[tilespmem:s23+$0x6800] =	vst v37;
	s23 =	smov.u32 s5  }
0x3a4: {  	v28 =	vadd.f32 v31, v30;
	v29 =	vadd.f32 v33, v32;
	v30 =	vmul.f32 v22, v22;
	v23 =	vld [tilespmem:s1+$0x0];
	[tilespmem:s25+$0x6800] =	vst v22;
	s25 =	smov.u32 s12  }
0x3a5: {  	s9 =	sadd.s32 $0x200, s9;
	s8 =	sor.u32 s30, s10;
	v18 =	vadd.f32 v37, v18;
	v19 =	vadd.f32 v34, v19;
	v27 =	vld [tilespmem:s1+$0x80]  }
0x3a6: {  	v22 =	vadd.f32 v22, v28  }
0x3a7: {  	v59 =	vadd.f32 v30, v29;
	v7 =	vsub.f32 v7, v5  }
0x3a8: {  	v31 =	vld [tilespmem:s8+$0x6800];
	v8 =	vadd.f32 v9, v8;
	v9 =	vadd.f32 v11, v10  }
0x3a9: {  	v32 =	vld [tilespmem:s8+$0xC800];
	v10 =	vsub.f32 v13, v6;
	v11 =	vadd.f32 v15, v14  }
0x3aa: {  	s3 =	sor.u32 s30, s7;
	v13 =	vsub.f32 v20, v12;
	v14 =	vadd.f32 v17, v16  }
0x3ab: {  	v15 =	vadd.f32 v24, v21;
	v60 =	vld [tilespmem:s3+$0x6800];
	v16 =	vadd.f32 v26, v25  }
0x3ac: {  	v61 =	vld [tilespmem:s3+$0xC800];
	v8 =	vadd.f32 v8, v5;
	v11 =	vadd.f32 v11, v6  }
0x3ad: {  	v63 =	vmul.f32 v7, v3;
	v5 =	vadd.f32 v9, v5;
	v6 =	vadd.f32 v14, v6  }
0x3ae: {  	v7 =	vmul.f32 v7, v4;
	v17 =	vsub.f32 v27, v23;
	v20 =	vadd.f32 v32, v31  }
0x3af: {  	v9 =	vmul.f32 v10, v3;
	v15 =	vadd.f32 v15, v12;
	v12 =	vadd.f32 v16, v12  }
0x3b0: {  	v5 =	vadd.f32 v5, v7;
	v14 =	vadd.f32 v20, v23;
	v20 =	vmul.f32 v17, v3  }
0x3b1: {  	v62 =	vadd.f32 v61, v60;
	v17 =	vmul.f32 v17, v4;
	v3 =	vmul.f32 v13, v3  }
0x3b2: {  	v13 =	vmul.f32 v13, v4;
	v4 =	vmul.f32 v10, v4;
	v14 =	vadd.f32 v14, v20  }
0x3b3: {  	v9 =	vadd.f32 v11, v9;
	v21 =	vadd.f32 v62, v23  }
0x3b4: {  	v3 =	vadd.f32 v15, v3;
	v4 =	vadd.f32 v6, v4;
	v7 =	vmul.f32 v14, v14  }
0x3b5: {  	v16 =	vadd.f32 v21, v17;
	v6 =	vadd.f32 v14, v18  }
0x3b6: {  	v10 =	vadd.f32 v12, v13;
	v12 =	vmul.f32 v3, v3;
	v7 =	vadd.f32 v7, v19  }
0x3b7: {  	v8 =	vadd.f32 v8, v63;
	v11 =	vmul.f32 v16, v16;
	v6 =	vadd.f32 v3, v6  }
0x3b8: {  	v13 =	vadd.f32 v16, v22;
	v7 =	vadd.f32 v12, v7;
	v12 =	vmul.f32 v9, v9  }
0x3b9: {  	v15 =	vmul.f32 v10, v10;
	v11 =	vadd.f32 v11, v59;
	v6 =	vadd.f32 v9, v6  }
0x3ba: {  	v13 =	vadd.f32 v10, v13;
	v7 =	vadd.f32 v12, v7;
	v12 =	vmul.f32 v8, v8  }
0x3bb: {  	v11 =	vadd.f32 v15, v11;
	v15 =	vmul.f32 v4, v4;
	v6 =	vadd.f32 v8, v6  }
0x3bc: {  	v13 =	vadd.f32 v4, v13;
	v7 =	vadd.f32 v12, v7  }
0x3bd: {  	v11 =	vadd.f32 v15, v11;
	v15 =	vmul.f32 v5, v5;
	(xrf2) =	vadd.scan.msk.f32 $0xffff, v6  }
0x3be: {  	v12 =	vadd.f32 v5, v13;
	(xrf2) =	vadd.scan.msk.f32 $0xffff, v7  }
0x3bf: {  	v6 =	vadd.f32 v15, v11  }
0x3c0: {  	(xrf2) =	vadd.scan.msk.f32 $0xffff, v12  }
0x3c1: {  	(xrf2) =	vadd.scan.msk.f32 $0xffff, v6;
	_ =	sdelay $0x5  }
0x3c2: {  	v6, _, _ =	vpop (xrf2)  }
0x3c3: {  	(v2sf) =	vpush v6, $0xF;
	v7, _, _ =	vpop (xrf2)  }
0x3c4: {  	(v2sf) =	vpush v7, $0xF  }
0x3c5: {  	v6, _, _ =	vpop (xrf2)  }
0x3c6: {  	(v2sf) =	vpush v6, $0xF;
	v6, _, _ =	vpop (xrf2)  }
0x3c7: {  	(v2sf) =	vpush v6, $0xF;
	_ =	sdelay $0xa  }
0x3c8: {  	s1 =	spop (v2sf)  }
0x3c9: {  	s5 =	smul.f32 $1.302083370e-03, s1;
	s11 =	spop (v2sf)  }
0x3ca: {  	s7 =	smul.f32 $1.302083370e-03, s11  }
0x3cb: {  	s12 =	spop (v2sf);
	s11 =	smul.f32 s5, s5  }
0x3cc: {  	s9 =	smul.f32 $1.302083370e-03, s12;
	s13 =	spop (v2sf)  }
0x3cd: {  	s1 =	smul.f32 $1.302083370e-03, s13  }
0x3ce: {  	s10 =	smul.f32 s9, s9  }
0x3cf: {  	s7 =	ssub.f32 s7, s11  }
0x3d0: {  	s1 =	ssub.f32 s1, s10  }
0x3d1: {  	s7 =	sadd.f32 $9.999999740e-06, s7  }
0x3d2: {  	s1 =	sadd.f32 $9.999999740e-06, s1  }
0x3d3: {  	v7 =	vmov s7  }
0x3d4: {  	v12 =	vshra.s32 v7, $0x1;
	v6 =	vmov s1  }
0x3d5: {  	v7 =	vmul.f32 $5.000000000e-01, v7;
	v11 =	vshra.s32 v6, $0x1;
	v6 =	vmul.f32 $5.000000000e-01, v6  }
0x3d6: {  	v12 =	vsub.s32 $0x5F3759DF, v12;
	v11 =	vsub.s32 $0x5F3759DF, v11  }
0x3d7: {  	v15 =	vmul.f32 v12, v7;
	v13 =	vmul.f32 v11, v6;
	_ =	sdelay $0x1  }
0x3d8: {  	v15 =	vmul.f32 v12, v15;
	v13 =	vmul.f32 v11, v13;
	_ =	sdelay $0x1  }
0x3d9: {  	v15 =	vsub.f32 $1.500000000e+00, v15;
	v13 =	vsub.f32 $1.500000000e+00, v13;
	_ =	sdelay $0x1  }
0x3da: {  	v12 =	vmul.f32 v12, v15;
	v11 =	vmul.f32 v11, v13;
	_ =	sdelay $0x1  }
0x3db: {  	v15 =	vmul.f32 v12, v7;
	v13 =	vmul.f32 v11, v6;
	_ =	sdelay $0x1  }
0x3dc: {  	v15 =	vmul.f32 v15, v12;
	v13 =	vmul.f32 v13, v11;
	_ =	sdelay $0x1  }
0x3dd: {  	v15 =	vsub.f32 $1.500000000e+00, v15;
	v13 =	vsub.f32 $1.500000000e+00, v13;
	_ =	sdelay $0x1  }
0x3de: {  	v12 =	vmul.f32 v15, v12;
	v11 =	vmul.f32 v13, v11  }
0x3df: {  	[tilespmem:s0+$0x6800] =	vst v9  }
0x3e0: {  	[tilespmem:s4+$0x6800] =	vst v3;
	v3 =	vmul.f32 v12, v7;
	v13 =	vmul.f32 v11, v6  }
0x3e1: {  	s14 =	smul.u32 $0x6000, s22;
	[tilespmem:s23+$0x6800] =	vst v8  }
0x3e2: {  	[tilespmem:s28+$0x6800] =	vst v10;
	v3 =	vmul.f32 v3, v12;
	v10 =	vmul.f32 v13, v11  }
0x3e3: {  	s16 =	simm.s32 $0x0;
	s15 =	sshra.s32 s14, $0x2;
	[tilespmem:s25+$0x6800] =	vst v5  }
0x3e4: {  	s0 =	sadd.s32 $0x6800, s15;
	[tilespmem:s2+$0x6800] =	vst v4;
	s2 =	simm.s32 $0x0;
	s1 =	sand.u32 $0x1C00, s16;
	v3 =	vsub.f32 $1.500000000e+00, v3;
	v4 =	vsub.f32 $1.500000000e+00, v10  }
0x3e5: {  	[tilespmem:s8+$0x6800] =	vst v14;
	s23 =	sand.u32 $0x40, s2;
	s1 =	sadd.s32 s1, s0  }
0x3e6: {  	s4 =	simm.s32 $0x12E00;
	[tilespmem:s3+$0x6800] =	vst v16;
	s30 =	sor.u32 $0x30, s23;
	s26 =	sadd.s32 s21, s1;
	v10 =	vmul.f32 v3, v12;
	v4 =	vmul.f32 v4, v11  }
0x3e7: {  	v16 =	vld [tilespmem:s4+$0x0];
	s12 =	sor.u32 $0x10, s23;
	s1 =	sadd.s32 s20, s1;
	s29 =	sadd.s32 s30, s26  }
0x3e8: {  	s7 =	sadd.s32 s12, s1;
	v5 =	vmul.f32 v4, v6;
	v6 =	vmul.f32 v10, v7;
	v7 =	vld [tilespmem:s29+$0x0]  }
0x3e9: {  	s25 =	sadd.s32 s23, s1;
	v13 =	vld [tilespmem:s7+$0x0]  }
0x3ea: {  	s3 =	sadd.s32 s23, s26;
	v11 =	vld [tilespmem:s25+$0x0];
	v5 =	vmul.f32 v5, v4;
	v6 =	vmul.f32 v6, v10  }
0x3eb: {  	s22 =	simm.s32 $0x13100;
	s13 =	sand.u32 $0x380, s2;
	v12 =	vld [tilespmem:s3+$0x0]  }
0x3ec: {  	s14 =	sor.u32 s13, s30;
	v8 =	vmov s9;
	v3 =	vld [tilespmem:s22+$0x0];
	v9 =	vsub.f32 $1.500000000e+00, v5;
	v14 =	vsub.f32 $1.500000000e+00, v6  }
0x3ed: {  	s8 =	sadd.s32 s12, s26;
	v5 =	vld [tilespmem:s14+$0x12E00];
	v15 =	vsub.f32 v7, v8  }
0x3ee: {  	s31 =	sor.u32 $0x20, s23;
	v4 =	vmul.f32 v9, v4;
	v9 =	vmov s5;
	v7 =	vmul.f32 v14, v10;
	v10 =	vld [tilespmem:s8+$0x0]  }
0x3ef: {  	s22 =	sadd.s32 s31, s1;
	v6 =	vld [tilespmem:s14+$0x13100];
	v11 =	vsub.f32 v11, v9  }
0x3f0: {  	s23 =	sadd.s32 s31, s26;
	v12 =	vsub.f32 v12, v8;
	v14 =	vld [tilespmem:s22+$0x0];
	v17 =	vmul.f32 v15, v4  }
0x3f1: {  	s28 =	sadd.s32 s30, s1;
	v15 =	vld [tilespmem:s23+$0x0];
	v11 =	vmul.f32 v11, v7  }
0x3f2: {  	s11 =	sor.u32 s13, s12;
	v13 =	vsub.f32 v13, v9;
	v20 =	vmul.f32 v12, v4;
	v12 =	vld [tilespmem:s28+$0x0];
	v17 =	vmul.f32 v17, v5  }
0x3f3: {  	s5 =	sor.u32 s13, s31;
	v18 =	vmul.f32 v11, v16;
	v11 =	vld [tilespmem:s11+$0x12E00];
	v19 =	vsub.f32 v10, v8  }
0x3f4: {  	s9 =	simm.s32 $0x200;
	s10 =	simm.s32 $0x13140;
	v13 =	vmul.f32 v13, v7;
	v16 =	vmul.f32 v20, v16;
	v10 =	vld [tilespmem:s5+$0x12E00];
	v17 =	vadd.f32 v17, v6  }
.LBB2_23:
0x3f5: {  	s2 =	sadd.s32 $0x40, s2;
	s1 =	sand.u32 $0x1C00, s9;
	v18 =	vadd.f32 v18, v3;
	v20 =	vld [tilespmem:s11+$0x13100];
	v19 =	vmul.f32 v19, v4;
	v14 =	vsub.f32 v14, v9;
	s4 =	sadd.s32 $0x40, s4  }
0x3f6: {  	s11 =	sand.u32 $0x40, s2;
	s1 =	sadd.s32 s1, s0;
	p0 =	slt.u32 s2, $0x2C0;
	v16 =	vadd.f32 v16, v3;
	v21 =	vld [tilespmem:s5+$0x13100];
	v15 =	vsub.f32 v15, v8;
	[tilespmem:s29+$0x0] =	vst v17  }
0x3f7: {  	v3 =	vld [tilespmem:s10+$0x0];
	s5 =	sadd.s32 s20, s1;
	s1 =	sadd.s32 s21, s1;
	s12 =	sor.u32 $0x30, s11;
	[tilespmem:s25+$0x0] =	vst v18;
	v14 =	vmul.f32 v14, v7;
	v12 =	vsub.f32 v12, v9  }
0x3f8: {  	s13 =	sor.u32 $0x10, s11;
	s14 =	sor.u32 $0x20, s11;
	v17 =	vld [tilespmem:s4+$0x0];
	s29 =	sadd.s32 s12, s1;
	[tilespmem:s3+$0x0] =	vst v16;
	v13 =	vmul.f32 v13, v11;
	v15 =	vmul.f32 v15, v4  }
0x3f9: {  	s25 =	sadd.s32 s11, s5;
	s3 =	sadd.s32 s11, s1;
	s15 =	sadd.s32 s13, s5;
	v11 =	vmul.f32 v19, v11;
	v16 =	vld [tilespmem:s29+$0x0];
	v12 =	vmul.f32 v12, v7  }
0x3fa: {  	s16 =	sadd.s32 s13, s1;
	s26 =	sadd.s32 s14, s5;
	s1 =	sadd.s32 s14, s1;
	v14 =	vmul.f32 v14, v10;
	v18 =	vld [tilespmem:s25+$0x0];
	v13 =	vadd.f32 v13, v20;
	v10 =	vmul.f32 v15, v10  }
0x3fb: {  	s30 =	sand.u32 $0x380, s2;
	s31 =	sadd.s32 s12, s5;
	v11 =	vadd.f32 v11, v20;
	v15 =	vld [tilespmem:s3+$0x0];
	v12 =	vmul.f32 v12, v5  }
0x3fc: {  	s11 =	sor.u32 s30, s13;
	s5 =	sor.u32 s30, s14;
	s12 =	sor.u32 s30, s12;
	v19 =	vld [tilespmem:s15+$0x0];
	[tilespmem:s7+$0x0] =	vst v13;
	v13 =	vadd.f32 v14, v21;
	v10 =	vadd.f32 v10, v21  }
0x3fd: {  	s7 =	smov.u32 s15;
	v5 =	vld [tilespmem:s12+$0x12E00];
	[tilespmem:s8+$0x0] =	vst v11;
	v11 =	vadd.f32 v12, v6;
	s8 =	smov.u32 s16  }
0x3fe: {  	v20 =	vld [tilespmem:s8+$0x0];
	v12 =	vsub.f32 v16, v8;
	[tilespmem:s22+$0x0] =	vst v13;
	s22 =	smov.u32 s26  }
0x3ff: {  	v13 =	vsub.f32 v18, v9;
	v6 =	vld [tilespmem:s12+$0x13100];
	[tilespmem:s23+$0x0] =	vst v10;
	s23 =	smov.u32 s1  }
.Ltmp10:
0x400: {  	v10 =	vsub.f32 v15, v8;
	v14 =	vld [tilespmem:s22+$0x0];
	v16 =	vmul.f32 v12, v4;
	[tilespmem:s28+$0x0] =	vst v11;
	s28 =	smov.u32 s31;
	(pc) =	sbr.rel @p0 .LBB2_23-.Ltmp10, $4  }
0x401: {  	v11 =	vmul.f32 v13, v7;
	v13 =	vsub.f32 v19, v9;
	v15 =	vld [tilespmem:s23+$0x0]  }
0x402: {  	v10 =	vmul.f32 v10, v4;
	v12 =	vld [tilespmem:s28+$0x0];
	v21 =	vmul.f32 v16, v5  }
0x403: {  	v18 =	vmul.f32 v11, v17;
	v11 =	vld [tilespmem:s11+$0x12E00];
	v13 =	vmul.f32 v13, v7;
	v19 =	vsub.f32 v20, v8  }
0x404: {  	s9 =	sadd.s32 $0x200, s9;
	s10 =	sadd.s32 $0x40, s10;
	v16 =	vmul.f32 v10, v17;
	v10 =	vld [tilespmem:s5+$0x12E00];
	v17 =	vadd.f32 v21, v6  }
0x405: {  	v20 =	vld [tilespmem:s11+$0x13100]  }
0x406: {  	v14 =	vsub.f32 v14, v9  }
0x407: {  	v18 =	vadd.f32 v18, v3;
	v19 =	vmul.f32 v19, v4;
	v53 =	vld [tilespmem:s5+$0x13100];
	v8 =	vsub.f32 v15, v8  }
0x408: {  	v14 =	vmul.f32 v14, v7;
	v54 =	vsub.f32 v12, v9;
	v55 =	vmul.f32 v13, v11  }
0x409: {  	v3 =	vadd.f32 v16, v3;
	[tilespmem:s29+$0x0] =	vst v17;
	v56 =	vmul.f32 v8, v4;
	v57 =	vmul.f32 v19, v11  }
0x40a: {  	s19 =	sadd.s32 $0x1, s19;
	[tilespmem:s25+$0x0] =	vst v18;
	v58 =	vmul.f32 v54, v7;
	v60 =	vmul.f32 v14, v10;
	v59 =	vadd.f32 v55, v20  }
0x40b: {  	p0 =	sne.s32 s19, $0x10;
	[tilespmem:s3+$0x0] =	vst v3;
	v3 =	vmul.f32 v56, v10;
	v61 =	vadd.f32 v57, v20  }
.Ltmp11:
0x40c: {  	v5 =	vmul.f32 v58, v5;
	v62 =	vadd.f32 v60, v53;
	[tilespmem:s7+$0x0] =	vst v59;
	(pc) =	sbr.rel @p0 .LBB2_20-.Ltmp11, $4  }
0x40d: {  	v3 =	vadd.f32 v3, v53;
	[tilespmem:s8+$0x0] =	vst v61  }
0x40e: {  	v63 =	vadd.f32 v5, v6;
	[tilespmem:s22+$0x0] =	vst v62  }
0x40f: {  	[tilespmem:s23+$0x0] =	vst v3  }
0x410: {  	[tilespmem:s28+$0x0] =	vst v63  }
0x411: {  	s17 =	simm.s32 $0x0  }
0x412: {  	s0 =	rddreg [dreg:$0x17];
	s1 =	simm.s32 $0x6800;
	s31 =	simm.s32 $0x2  }
0x413: {  	[hbm4b:s0+s17] =	stream.linear.scatter [tilespmem:s1], [sflag:$0x5], $0x6000, $0x38;
	[tilespmem:$0x13400] =	vst v63  }
0x414: {  	_ =	swait.ge [sflag:s31], $0x6000  }
0x415: {  	[sflag:s31] =	ssyncset.done $0x0  }
0x416: {  	s19 =	simm.s32 $0x0;
	[sflag:s31] =	ssyncadd.s32 $0xFFFFA000  }
.LBB2_26:
0x417: {  	s1 =	simm.s32 $0x0;
	s2 =	sand.u32 $0x7FFFFC00, s17  }
0x418: {  	s0 =	sshll.u32 s19, $0x3;
	s1 =	sand.u32 $0x40, s1;
	s4 =	sshrl.u32 s2, $0x2  }
0x419: {  	s0 =	sshra.s32 s0, $0x2;
	s4 =	sadd.s32 $0x12800, s4;
	s7 =	sor.u32 $0x30, s1  }
0x41a: {  	s22 =	sshrl.u32 s19, $0x2;
	v3 =	vld [tilespmem:s0+$0x600];
	s25 =	sor.u32 s7, s4  }
0x41b: {  	s3 =	smul.u32 $0x1800, s22;
	s26 =	sor.u32 $0x20, s1;
	v6 =	vld [tilespmem:s25+$0x0]  }
0x41c: {  	s5 =	sshll.u32 s19, $0x8;
	s31 =	sor.u32 s26, s4;
	v4 =	vld [tilespmem:s25+$0x80]  }
0x41d: {  	s20 =	sand.u32 $0x300, s5;
	s23 =	sadd.s32 s3, s2;
	v12 =	vld [tilespmem:s31+$0x0]  }
0x41e: {  	s14 =	sor.u32 s1, s4;
	s13 =	sor.u32 s20, s23;
	v10 =	vld [tilespmem:s31+$0x80]  }
0x41f: {  	s21 =	sor.u32 $0x80, s20;
	v21 =	vld [tilespmem:s14+$0x0];
	s8 =	sor.u32 s7, s13  }
0x420: {  	s0 =	sor.u32 s21, s23;
	v5 =	vld [tilespmem:s8+$0x800]  }
0x421: {  	s9 =	sor.u32 s7, s0;
	v7 =	vld [tilespmem:s8+$0xC800]  }
0x422: {  	v8 =	vld [tilespmem:s9+$0x800]  }
0x423: {  	s11 =	sor.u32 s26, s13;
	v9 =	vld [tilespmem:s9+$0xC800];
	(v2sf) =	vpush v3, $0x0  }
0x424: {  	s10 =	sor.u32 s26, s0;
	v11 =	vld [tilespmem:s11+$0xC800];
	(v2sf) =	vpush v3, $0x1  }
0x425: {  	v13 =	vld [tilespmem:s10+$0x800]  }
0x426: {  	s28 =	sor.u32 s1, s0;
	v14 =	vld [tilespmem:s10+$0xC800]  }
0x427: {  	s7 =	sor.u32 $0x10, s1;
	v25 =	vld [tilespmem:s28+$0x800]  }
0x428: {  	s12 =	sor.u32 s7, s4;
	v27 =	vld [tilespmem:s28+$0xC800]  }
0x429: {  	v15 =	vld [tilespmem:s12+$0x0]  }
0x42a: {  	s5 =	sor.u32 s7, s0;
	v16 =	vld [tilespmem:s12+$0x80]  }
0x42b: {  	v19 =	vld [tilespmem:s5+$0x800]  }
0x42c: {  	s4 =	sor.u32 s1, s13;
	v20 =	vld [tilespmem:s5+$0xC800]  }
0x42d: {  	v23 =	vld [tilespmem:s4+$0x800]  }
0x42e: {  	v24 =	vld [tilespmem:s4+$0xC800]  }
0x42f: {  	s15 =	simm.s32 $0x200;
	s12 =	sor.u32 s7, s13;
	v3 =	vld [tilespmem:s11+$0x800]  }
0x430: {  	s29 =	simm.s32 $0x40;
	s2 =	sand.u32 $0x7FFFFC00, s15;
	v17 =	vld [tilespmem:s12+$0x800]  }
0x431: {  	s30 =	sand.u32 $0x40, s29;
	s23 =	sshrl.u32 s2, $0x2;
	v18 =	vld [tilespmem:s12+$0xC800];
	v26 =	vsub.f32 v4, v6  }
0x432: {  	v22 =	vld [tilespmem:s14+$0x80];
	s26 =	sor.u32 $0x30, s30;
	s13 =	sadd.s32 $0x12800, s23;
	v30 =	vsub.f32 v10, v12;
	v28 =	vadd.f32 v7, v5;
	s16 =	spop (v2sf)  }
0x433: {  	s2 =	sadd.s32 s3, s2;
	s14 =	sor.u32 s26, s13;
	v29 =	vadd.f32 v9, v8;
	v13 =	vadd.f32 v14, v13;
	s31 =	spop (v2sf)  }
0x434: {  	s15 =	sor.u32 s20, s2;
	v5 =	vld [tilespmem:s14+$0x0];
	v32 =	vsub.f32 v16, v15;
	v16 =	vadd.f32 v20, v19;
	s7 =	scvt.s32.f32 s31  }
0x435: {  	s23 =	sor.u32 s26, s15;
	v7 =	vld [tilespmem:s14+$0x80];
	v19 =	vadd.f32 v24, v23;
	v20 =	vadd.f32 v27, v25;
	s25 =	scvt.s32.f32 s16  }
0x436: {  	v8 =	vld [tilespmem:s23+$0x800];
	v31 =	vadd.f32 v11, v3;
	v14 =	vadd.f32 v18, v17;
	v4 =	vmov s7;
	s7 =	sor.u32 s21, s2  }
0x437: {  	v9 =	vld [tilespmem:s23+$0xC800];
	v17 =	vsub.f32 v22, v21;
	v22 =	vadd.f32 v28, v6;
	v3 =	vmov s25;
	s25 =	sor.u32 s26, s7  }
0x438: {  	v25 =	vadd.f32 v29, v6;
	v28 =	vadd.f32 v13, v12;
	s2 =	sor.u32 $0x20, s30;
	v10 =	vld [tilespmem:s25+$0x800]  }
0x439: {  	v18 =	vimm.f32 $0.0e+00;
	v20 =	vadd.f32 v20, v21;
	v24 =	vadd.f32 v31, v12;
	s14 =	sor.u32 s2, s13;
	v11 =	vld [tilespmem:s25+$0xC800]  }
0x43a: {  	v12 =	vadd.f32 v19, v21;
	v23 =	vmul.f32 v26, v3;
	v27 =	vmul.f32 v30, v3;
	v6 =	vld [tilespmem:s14+$0x0]  }
0x43b: {  	v21 =	vadd.f32 v16, v15;
	v19 =	vmul.f32 v17, v3;
	v26 =	vmul.f32 v26, v4;
	s0 =	sor.u32 s2, s15;
	v13 =	vld [tilespmem:s14+$0x80]  }
0x43c: {  	v29 =	vmul.f32 v30, v4;
	v30 =	vadd.f32 v14, v15;
	v17 =	vmul.f32 v17, v4;
	v14 =	vld [tilespmem:s0+$0x800]  }
0x43d: {  	s2 =	sor.u32 s2, s7;
	v15 =	vld [tilespmem:s0+$0xC800];
	v19 =	vadd.f32 v12, v19;
	v12 =	vmul.f32 v32, v3;
	v31 =	vadd.f32 v22, v23  }
0x43e: {  	s16 =	sor.u32 $0x10, s30;
	v16 =	vld [tilespmem:s2+$0x800];
	v27 =	vadd.f32 v24, v27;
	v23 =	vadd.f32 v20, v17;
	v20 =	vmul.f32 v32, v4  }
0x43f: {  	s26 =	sor.u32 s16, s13;
	v22 =	vadd.f32 v25, v26;
	v17 =	vld [tilespmem:s2+$0xC800];
	v25 =	vmul.f32 v19, v19;
	v26 =	vadd.f32 v30, v12  }
0x440: {  	v28 =	vadd.f32 v28, v29;
	[tilespmem:s4+$0x800] =	vst v19;
	v12 =	vld [tilespmem:s26+$0x0];
	v24 =	vmul.f32 v23, v23;
	v30 =	vadd.f32 v21, v20  }
0x441: {  	s4 =	sor.u32 s16, s15;
	v19 =	vadd.f32 v19, v18;
	[tilespmem:s11+$0x800] =	vst v27;
	v20 =	vld [tilespmem:s26+$0x80];
	v25 =	vadd.f32 v25, v18;
	v29 =	vmul.f32 v26, v26  }
0x442: {  	[tilespmem:s28+$0x800] =	vst v23;
	v21 =	vld [tilespmem:s4+$0x800];
	v23 =	vadd.f32 v23, v18;
	s28 =	sor.u32 s16, s7;
	v18 =	vadd.f32 v24, v18;
	v62 =	vmul.f32 v30, v30  }
0x443: {  	v33 =	vmul.f32 v27, v27;
	[tilespmem:s12+$0x800] =	vst v26;
	v19 =	vadd.f32 v26, v19;
	v26 =	vld [tilespmem:s28+$0xC800];
	v29 =	vadd.f32 v29, v25  }
0x444: {  	s31 =	sor.u32 s30, s13;
	v63 =	vmul.f32 v28, v28;
	[tilespmem:s5+$0x800] =	vst v30;
	v24 =	vld [tilespmem:s4+$0xC800];
	v30 =	vadd.f32 v30, v23;
	v18 =	vadd.f32 v62, v18  }
0x445: {  	v34 =	vmul.f32 v31, v31;
	[tilespmem:s8+$0x800] =	vst v31;
	v23 =	vld [tilespmem:s31+$0x0];
	v19 =	vadd.f32 v27, v19;
	v33 =	vadd.f32 v33, v29  }
0x446: {  	[tilespmem:s10+$0x800] =	vst v28;
	v25 =	vld [tilespmem:s28+$0x800];
	v28 =	vadd.f32 v28, v30;
	v30 =	vmul.f32 v22, v22;
	v29 =	vadd.f32 v63, v18  }
0x447: {  	s8 =	sor.u32 s30, s15;
	[tilespmem:s9+$0x800] =	vst v22;
	s9 =	simm.s32 $0x400;
	v27 =	vld [tilespmem:s31+$0x80];
	v18 =	vadd.f32 v31, v19;
	v19 =	vadd.f32 v34, v33  }
.LBB2_27:
0x448: {  	s29 =	sadd.s32 $0x40, s29;
	s1 =	sand.u32 $0x7FFFFC00, s9;
	v31 =	vld [tilespmem:s8+$0x800];
	v28 =	vadd.f32 v22, v28;
	v29 =	vadd.f32 v30, v29  }
0x449: {  	s13 =	sor.u32 s30, s7;
	s5 =	sshrl.u32 s1, $0x2;
	v22 =	vld [tilespmem:s8+$0xC800];
	s30 =	sand.u32 $0x40, s29  }
0x44a: {  	v32 =	vsub.f32 v7, v5;
	p0 =	slt.u32 s29, $0x2C0;
	s11 =	sadd.s32 $0x12800, s5;
	s12 =	sor.u32 $0x30, s30;
	v30 =	vld [tilespmem:s13+$0x800]  }
0x44b: {  	v34 =	vadd.f32 v9, v8;
	v35 =	vadd.f32 v11, v10;
	s1 =	sadd.s32 s3, s1;
	s5 =	sor.u32 s12, s11;
	v33 =	vld [tilespmem:s13+$0xC800]  }
0x44c: {  	v13 =	vsub.f32 v13, v6;
	v14 =	vadd.f32 v15, v14;
	s10 =	sor.u32 s20, s1;
	v36 =	vld [tilespmem:s5+$0x0]  }
0x44d: {  	v20 =	vsub.f32 v20, v12;
	v15 =	vadd.f32 v17, v16;
	v7 =	vld [tilespmem:s5+$0x80];
	s5 =	sor.u32 s12, s10  }
0x44e: {  	v16 =	vadd.f32 v24, v21;
	s7 =	sor.u32 s21, s1;
	v17 =	vadd.f32 v26, v25;
	v8 =	vld [tilespmem:s5+$0x800]  }
0x44f: {  	v21 =	vsub.f32 v27, v23;
	s12 =	sor.u32 s12, s7;
	v22 =	vadd.f32 v22, v31;
	v9 =	vld [tilespmem:s5+$0xC800]  }
0x450: {  	s1 =	sor.u32 $0x20, s30;
	v25 =	vadd.f32 v34, v5;
	v26 =	vmul.f32 v32, v3;
	v10 =	vld [tilespmem:s12+$0x800];
	v24 =	vadd.f32 v33, v30  }
0x451: {  	s14 =	sor.u32 s1, s11;
	v27 =	vadd.f32 v14, v6;
	v31 =	vmul.f32 v32, v4;
	v30 =	vadd.f32 v35, v5;
	v11 =	vld [tilespmem:s12+$0xC800];
	v5 =	vmovc v36  }
0x452: {  	v34 =	vmul.f32 v13, v4;
	v32 =	vmul.f32 v13, v3;
	v33 =	vadd.f32 v15, v6;
	v6 =	vld [tilespmem:s14+$0x0]  }
0x453: {  	v22 =	vadd.f32 v22, v23;
	v35 =	vmul.f32 v21, v3;
	v36 =	vadd.f32 v16, v12;
	v13 =	vld [tilespmem:s14+$0x80];
	s14 =	sor.u32 s1, s10  }
0x454: {  	v21 =	vmul.f32 v21, v4;
	v23 =	vadd.f32 v24, v23;
	v24 =	vadd.f32 v17, v12;
	v14 =	vld [tilespmem:s14+$0x800]  }
0x455: {  	v37 =	vadd.f32 v25, v26;
	v35 =	vadd.f32 v22, v35;
	v12 =	vmul.f32 v20, v3;
	s1 =	sor.u32 s1, s7;
	v15 =	vld [tilespmem:s14+$0xC800]  }
0x456: {  	s15 =	sor.u32 $0x10, s30;
	v20 =	vmul.f32 v20, v4;
	v22 =	vadd.f32 v30, v31;
	v23 =	vadd.f32 v23, v21;
	v16 =	vld [tilespmem:s1+$0x800]  }
0x457: {  	s16 =	sor.u32 s15, s11;
	v27 =	vadd.f32 v27, v32;
	v21 =	vmul.f32 v35, v35;
	v25 =	vadd.f32 v36, v12;
	v17 =	vld [tilespmem:s1+$0xC800];
	[tilespmem:s8+$0x800] =	vst v35  }
0x458: {  	v31 =	vadd.f32 v33, v34;
	v30 =	vadd.f32 v24, v20;
	v26 =	vmul.f32 v23, v23;
	v12 =	vld [tilespmem:s16+$0x0];
	[tilespmem:s13+$0x800] =	vst v23  }
0x459: {  	v18 =	vadd.f32 v35, v18;
	v19 =	vadd.f32 v21, v19;
	v32 =	vmul.f32 v25, v25;
	v20 =	vld [tilespmem:s16+$0x80];
	[tilespmem:s4+$0x800] =	vst v25;
	s4 =	sor.u32 s15, s10  }
0x45a: {  	v23 =	vadd.f32 v23, v28;
	v26 =	vadd.f32 v26, v29;
	v28 =	vmul.f32 v30, v30;
	v21 =	vld [tilespmem:s4+$0x800];
	[tilespmem:s28+$0x800] =	vst v30  }
.Ltmp12:
0x45b: {  	v18 =	vadd.f32 v25, v18;
	v19 =	vadd.f32 v32, v19;
	v29 =	vmul.f32 v27, v27;
	s28 =	sor.u32 s15, s7;
	v24 =	vld [tilespmem:s4+$0xC800];
	[tilespmem:s0+$0x800] =	vst v27;
	s0 =	smov.u32 s14;
	(pc) =	sbr.rel @p0 .LBB2_27-.Ltmp12, $4  }
0x45c: {  	v33 =	vmul.f32 v31, v31;
	v30 =	vadd.f32 v30, v23;
	v32 =	vadd.f32 v28, v26;
	v25 =	vld [tilespmem:s28+$0x800];
	[tilespmem:s2+$0x800] =	vst v31;
	s2 =	smov.u32 s1  }
0x45d: {  	v34 =	vmul.f32 v37, v37;
	v18 =	vadd.f32 v27, v18;
	v19 =	vadd.f32 v29, v19;
	s1 =	sor.u32 s30, s11;
	v26 =	vld [tilespmem:s28+$0xC800];
	[tilespmem:s23+$0x800] =	vst v37;
	s23 =	smov.u32 s5  }
0x45e: {  	v28 =	vadd.f32 v31, v30;
	v29 =	vadd.f32 v33, v32;
	v30 =	vmul.f32 v22, v22;
	v23 =	vld [tilespmem:s1+$0x0];
	[tilespmem:s25+$0x800] =	vst v22;
	s25 =	smov.u32 s12  }
0x45f: {  	s9 =	sadd.s32 $0x200, s9;
	s8 =	sor.u32 s30, s10;
	v18 =	vadd.f32 v37, v18;
	v19 =	vadd.f32 v34, v19;
	v27 =	vld [tilespmem:s1+$0x80]  }
0x460: {  	v22 =	vadd.f32 v22, v28  }
0x461: {  	v59 =	vadd.f32 v30, v29;
	v7 =	vsub.f32 v7, v5  }
0x462: {  	v31 =	vld [tilespmem:s8+$0x800];
	v8 =	vadd.f32 v9, v8;
	v9 =	vadd.f32 v11, v10  }
0x463: {  	v32 =	vld [tilespmem:s8+$0xC800];
	v10 =	vsub.f32 v13, v6;
	v11 =	vadd.f32 v15, v14  }
0x464: {  	s3 =	sor.u32 s30, s7;
	v13 =	vsub.f32 v20, v12;
	v14 =	vadd.f32 v17, v16  }
0x465: {  	v15 =	vadd.f32 v24, v21;
	v60 =	vld [tilespmem:s3+$0x800];
	v16 =	vadd.f32 v26, v25  }
0x466: {  	v61 =	vld [tilespmem:s3+$0xC800];
	v8 =	vadd.f32 v8, v5;
	v11 =	vadd.f32 v11, v6  }
0x467: {  	v63 =	vmul.f32 v7, v3;
	v5 =	vadd.f32 v9, v5;
	v6 =	vadd.f32 v14, v6  }
0x468: {  	v7 =	vmul.f32 v7, v4;
	v17 =	vsub.f32 v27, v23;
	v20 =	vadd.f32 v32, v31  }
0x469: {  	v9 =	vmul.f32 v10, v3;
	v15 =	vadd.f32 v15, v12;
	v12 =	vadd.f32 v16, v12  }
0x46a: {  	v5 =	vadd.f32 v5, v7;
	v14 =	vadd.f32 v20, v23;
	v20 =	vmul.f32 v17, v3  }
0x46b: {  	v62 =	vadd.f32 v61, v60;
	v17 =	vmul.f32 v17, v4;
	v3 =	vmul.f32 v13, v3  }
0x46c: {  	v13 =	vmul.f32 v13, v4;
	v4 =	vmul.f32 v10, v4;
	v14 =	vadd.f32 v14, v20  }
0x46d: {  	v9 =	vadd.f32 v11, v9;
	v21 =	vadd.f32 v62, v23  }
0x46e: {  	v3 =	vadd.f32 v15, v3;
	v4 =	vadd.f32 v6, v4;
	v7 =	vmul.f32 v14, v14  }
0x46f: {  	v16 =	vadd.f32 v21, v17;
	v6 =	vadd.f32 v14, v18  }
0x470: {  	v10 =	vadd.f32 v12, v13;
	v12 =	vmul.f32 v3, v3;
	v7 =	vadd.f32 v7, v19  }
0x471: {  	v8 =	vadd.f32 v8, v63;
	v11 =	vmul.f32 v16, v16;
	v6 =	vadd.f32 v3, v6  }
0x472: {  	v13 =	vadd.f32 v16, v22;
	v7 =	vadd.f32 v12, v7;
	v12 =	vmul.f32 v9, v9  }
0x473: {  	v15 =	vmul.f32 v10, v10;
	v11 =	vadd.f32 v11, v59;
	v6 =	vadd.f32 v9, v6  }
0x474: {  	v13 =	vadd.f32 v10, v13;
	v7 =	vadd.f32 v12, v7;
	v12 =	vmul.f32 v8, v8  }
0x475: {  	v11 =	vadd.f32 v15, v11;
	v15 =	vmul.f32 v4, v4;
	v6 =	vadd.f32 v8, v6  }
0x476: {  	v13 =	vadd.f32 v4, v13;
	v7 =	vadd.f32 v12, v7  }
0x477: {  	v11 =	vadd.f32 v15, v11;
	v15 =	vmul.f32 v5, v5;
	(xrf2) =	vadd.scan.msk.f32 $0xffff, v6  }
0x478: {  	v12 =	vadd.f32 v5, v13;
	(xrf2) =	vadd.scan.msk.f32 $0xffff, v7  }
0x479: {  	v6 =	vadd.f32 v15, v11  }
0x47a: {  	(xrf2) =	vadd.scan.msk.f32 $0xffff, v12  }
0x47b: {  	(xrf2) =	vadd.scan.msk.f32 $0xffff, v6;
	_ =	sdelay $0x5  }
0x47c: {  	v6, _, _ =	vpop (xrf2)  }
0x47d: {  	(v2sf) =	vpush v6, $0xF;
	v7, _, _ =	vpop (xrf2)  }
0x47e: {  	(v2sf) =	vpush v7, $0xF  }
0x47f: {  	v6, _, _ =	vpop (xrf2)  }
0x480: {  	(v2sf) =	vpush v6, $0xF;
	v6, _, _ =	vpop (xrf2)  }
0x481: {  	(v2sf) =	vpush v6, $0xF;
	_ =	sdelay $0xa  }
0x482: {  	s1 =	spop (v2sf)  }
0x483: {  	s5 =	smul.f32 $1.302083370e-03, s1;
	s11 =	spop (v2sf)  }
0x484: {  	s7 =	smul.f32 $1.302083370e-03, s11  }
0x485: {  	s12 =	spop (v2sf);
	s11 =	smul.f32 s5, s5  }
0x486: {  	s9 =	smul.f32 $1.302083370e-03, s12;
	s13 =	spop (v2sf)  }
0x487: {  	s1 =	smul.f32 $1.302083370e-03, s13  }
0x488: {  	s10 =	smul.f32 s9, s9  }
0x489: {  	s7 =	ssub.f32 s7, s11  }
0x48a: {  	s1 =	ssub.f32 s1, s10  }
0x48b: {  	s7 =	sadd.f32 $9.999999740e-06, s7  }
0x48c: {  	s1 =	sadd.f32 $9.999999740e-06, s1  }
0x48d: {  	v7 =	vmov s7  }
0x48e: {  	v12 =	vshra.s32 v7, $0x1;
	v6 =	vmov s1  }
0x48f: {  	v7 =	vmul.f32 $5.000000000e-01, v7;
	v11 =	vshra.s32 v6, $0x1;
	v6 =	vmul.f32 $5.000000000e-01, v6  }
0x490: {  	v12 =	vsub.s32 $0x5F3759DF, v12;
	v11 =	vsub.s32 $0x5F3759DF, v11  }
0x491: {  	v15 =	vmul.f32 v12, v7;
	v13 =	vmul.f32 v11, v6;
	_ =	sdelay $0x1  }
0x492: {  	v15 =	vmul.f32 v12, v15;
	v13 =	vmul.f32 v11, v13;
	_ =	sdelay $0x1  }
0x493: {  	v15 =	vsub.f32 $1.500000000e+00, v15;
	v13 =	vsub.f32 $1.500000000e+00, v13;
	_ =	sdelay $0x1  }
0x494: {  	v12 =	vmul.f32 v12, v15;
	v11 =	vmul.f32 v11, v13;
	_ =	sdelay $0x1  }
0x495: {  	v15 =	vmul.f32 v12, v7;
	v13 =	vmul.f32 v11, v6;
	_ =	sdelay $0x1  }
0x496: {  	v15 =	vmul.f32 v15, v12;
	v13 =	vmul.f32 v13, v11;
	_ =	sdelay $0x1  }
0x497: {  	v15 =	vsub.f32 $1.500000000e+00, v15;
	v13 =	vsub.f32 $1.500000000e+00, v13;
	_ =	sdelay $0x1  }
0x498: {  	v12 =	vmul.f32 v15, v12;
	v11 =	vmul.f32 v13, v11  }
0x499: {  	[tilespmem:s0+$0x800] =	vst v9  }
0x49a: {  	[tilespmem:s4+$0x800] =	vst v3;
	v3 =	vmul.f32 v12, v7;
	v13 =	vmul.f32 v11, v6  }
0x49b: {  	s14 =	smul.u32 $0x6000, s22;
	[tilespmem:s23+$0x800] =	vst v8  }
0x49c: {  	[tilespmem:s28+$0x800] =	vst v10;
	v3 =	vmul.f32 v3, v12;
	v10 =	vmul.f32 v13, v11  }
0x49d: {  	s16 =	simm.s32 $0x0;
	s15 =	sshra.s32 s14, $0x2;
	[tilespmem:s25+$0x800] =	vst v5  }
0x49e: {  	s0 =	sadd.s32 $0x800, s15;
	[tilespmem:s2+$0x800] =	vst v4;
	s2 =	simm.s32 $0x0;
	s1 =	sand.u32 $0x1C00, s16;
	v3 =	vsub.f32 $1.500000000e+00, v3;
	v4 =	vsub.f32 $1.500000000e+00, v10  }
0x49f: {  	[tilespmem:s8+$0x800] =	vst v14;
	s23 =	sand.u32 $0x40, s2;
	s1 =	sadd.s32 s1, s0  }
0x4a0: {  	s4 =	simm.s32 $0x12E00;
	[tilespmem:s3+$0x800] =	vst v16;
	s30 =	sor.u32 $0x30, s23;
	s26 =	sadd.s32 s21, s1;
	v10 =	vmul.f32 v3, v12;
	v4 =	vmul.f32 v4, v11  }
0x4a1: {  	v16 =	vld [tilespmem:s4+$0x0];
	s12 =	sor.u32 $0x10, s23;
	s1 =	sadd.s32 s20, s1;
	s29 =	sadd.s32 s30, s26  }
0x4a2: {  	s7 =	sadd.s32 s12, s1;
	v5 =	vmul.f32 v4, v6;
	v6 =	vmul.f32 v10, v7;
	v7 =	vld [tilespmem:s29+$0x0]  }
0x4a3: {  	s25 =	sadd.s32 s23, s1;
	v13 =	vld [tilespmem:s7+$0x0]  }
0x4a4: {  	s3 =	sadd.s32 s23, s26;
	v11 =	vld [tilespmem:s25+$0x0];
	v5 =	vmul.f32 v5, v4;
	v6 =	vmul.f32 v6, v10  }
0x4a5: {  	s22 =	simm.s32 $0x13100;
	s13 =	sand.u32 $0x380, s2;
	v12 =	vld [tilespmem:s3+$0x0]  }
0x4a6: {  	s14 =	sor.u32 s13, s30;
	v8 =	vmov s9;
	v3 =	vld [tilespmem:s22+$0x0];
	v9 =	vsub.f32 $1.500000000e+00, v5;
	v14 =	vsub.f32 $1.500000000e+00, v6  }
0x4a7: {  	s8 =	sadd.s32 s12, s26;
	v5 =	vld [tilespmem:s14+$0x12E00];
	v15 =	vsub.f32 v7, v8  }
0x4a8: {  	s31 =	sor.u32 $0x20, s23;
	v4 =	vmul.f32 v9, v4;
	v9 =	vmov s5;
	v7 =	vmul.f32 v14, v10;
	v10 =	vld [tilespmem:s8+$0x0]  }
0x4a9: {  	s22 =	sadd.s32 s31, s1;
	v6 =	vld [tilespmem:s14+$0x13100];
	v11 =	vsub.f32 v11, v9  }
0x4aa: {  	s23 =	sadd.s32 s31, s26;
	v12 =	vsub.f32 v12, v8;
	v14 =	vld [tilespmem:s22+$0x0];
	v17 =	vmul.f32 v15, v4  }
0x4ab: {  	s28 =	sadd.s32 s30, s1;
	v15 =	vld [tilespmem:s23+$0x0];
	v11 =	vmul.f32 v11, v7  }
0x4ac: {  	s11 =	sor.u32 s13, s12;
	v13 =	vsub.f32 v13, v9;
	v20 =	vmul.f32 v12, v4;
	v12 =	vld [tilespmem:s28+$0x0];
	v17 =	vmul.f32 v17, v5  }
0x4ad: {  	s5 =	sor.u32 s13, s31;
	v18 =	vmul.f32 v11, v16;
	v11 =	vld [tilespmem:s11+$0x12E00];
	v19 =	vsub.f32 v10, v8  }
0x4ae: {  	s9 =	simm.s32 $0x200;
	s10 =	simm.s32 $0x13140;
	v13 =	vmul.f32 v13, v7;
	v16 =	vmul.f32 v20, v16;
	v10 =	vld [tilespmem:s5+$0x12E00];
	v17 =	vadd.f32 v17, v6  }
.LBB2_29:
0x4af: {  	s2 =	sadd.s32 $0x40, s2;
	s1 =	sand.u32 $0x1C00, s9;
	v18 =	vadd.f32 v18, v3;
	v20 =	vld [tilespmem:s11+$0x13100];
	v19 =	vmul.f32 v19, v4;
	v14 =	vsub.f32 v14, v9;
	s4 =	sadd.s32 $0x40, s4  }
0x4b0: {  	s11 =	sand.u32 $0x40, s2;
	s1 =	sadd.s32 s1, s0;
	p0 =	slt.u32 s2, $0x2C0;
	v16 =	vadd.f32 v16, v3;
	v21 =	vld [tilespmem:s5+$0x13100];
	v15 =	vsub.f32 v15, v8;
	[tilespmem:s29+$0x0] =	vst v17  }
0x4b1: {  	v3 =	vld [tilespmem:s10+$0x0];
	s5 =	sadd.s32 s20, s1;
	s1 =	sadd.s32 s21, s1;
	s12 =	sor.u32 $0x30, s11;
	[tilespmem:s25+$0x0] =	vst v18;
	v14 =	vmul.f32 v14, v7;
	v12 =	vsub.f32 v12, v9  }
0x4b2: {  	s13 =	sor.u32 $0x10, s11;
	s14 =	sor.u32 $0x20, s11;
	v17 =	vld [tilespmem:s4+$0x0];
	s29 =	sadd.s32 s12, s1;
	[tilespmem:s3+$0x0] =	vst v16;
	v13 =	vmul.f32 v13, v11;
	v15 =	vmul.f32 v15, v4  }
0x4b3: {  	s25 =	sadd.s32 s11, s5;
	s3 =	sadd.s32 s11, s1;
	s15 =	sadd.s32 s13, s5;
	v11 =	vmul.f32 v19, v11;
	v16 =	vld [tilespmem:s29+$0x0];
	v12 =	vmul.f32 v12, v7  }
0x4b4: {  	s16 =	sadd.s32 s13, s1;
	s26 =	sadd.s32 s14, s5;
	s1 =	sadd.s32 s14, s1;
	v14 =	vmul.f32 v14, v10;
	v18 =	vld [tilespmem:s25+$0x0];
	v13 =	vadd.f32 v13, v20;
	v10 =	vmul.f32 v15, v10  }
0x4b5: {  	s30 =	sand.u32 $0x380, s2;
	s31 =	sadd.s32 s12, s5;
	v11 =	vadd.f32 v11, v20;
	v15 =	vld [tilespmem:s3+$0x0];
	v12 =	vmul.f32 v12, v5  }
0x4b6: {  	s11 =	sor.u32 s30, s13;
	s5 =	sor.u32 s30, s14;
	s12 =	sor.u32 s30, s12;
	v19 =	vld [tilespmem:s15+$0x0];
	[tilespmem:s7+$0x0] =	vst v13;
	v13 =	vadd.f32 v14, v21;
	v10 =	vadd.f32 v10, v21  }
0x4b7: {  	s7 =	smov.u32 s15;
	v5 =	vld [tilespmem:s12+$0x12E00];
	[tilespmem:s8+$0x0] =	vst v11;
	v11 =	vadd.f32 v12, v6;
	s8 =	smov.u32 s16  }
0x4b8: {  	v20 =	vld [tilespmem:s8+$0x0];
	v12 =	vsub.f32 v16, v8;
	[tilespmem:s22+$0x0] =	vst v13;
	s22 =	smov.u32 s26  }
0x4b9: {  	v13 =	vsub.f32 v18, v9;
	v6 =	vld [tilespmem:s12+$0x13100];
	[tilespmem:s23+$0x0] =	vst v10;
	s23 =	smov.u32 s1  }
.Ltmp13:
0x4ba: {  	v10 =	vsub.f32 v15, v8;
	v14 =	vld [tilespmem:s22+$0x0];
	v16 =	vmul.f32 v12, v4;
	[tilespmem:s28+$0x0] =	vst v11;
	s28 =	smov.u32 s31;
	(pc) =	sbr.rel @p0 .LBB2_29-.Ltmp13, $4  }
0x4bb: {  	v11 =	vmul.f32 v13, v7;
	v13 =	vsub.f32 v19, v9;
	v15 =	vld [tilespmem:s23+$0x0]  }
0x4bc: {  	v10 =	vmul.f32 v10, v4;
	v12 =	vld [tilespmem:s28+$0x0];
	v21 =	vmul.f32 v16, v5  }
0x4bd: {  	v18 =	vmul.f32 v11, v17;
	v11 =	vld [tilespmem:s11+$0x12E00];
	v13 =	vmul.f32 v13, v7;
	v19 =	vsub.f32 v20, v8  }
0x4be: {  	s9 =	sadd.s32 $0x200, s9;
	s10 =	sadd.s32 $0x40, s10;
	v16 =	vmul.f32 v10, v17;
	v10 =	vld [tilespmem:s5+$0x12E00];
	v17 =	vadd.f32 v21, v6  }
0x4bf: {  	v20 =	vld [tilespmem:s11+$0x13100]  }
0x4c0: {  	v14 =	vsub.f32 v14, v9  }
0x4c1: {  	v18 =	vadd.f32 v18, v3;
	v19 =	vmul.f32 v19, v4;
	v53 =	vld [tilespmem:s5+$0x13100];
	v8 =	vsub.f32 v15, v8  }
0x4c2: {  	v14 =	vmul.f32 v14, v7;
	v54 =	vsub.f32 v12, v9;
	v55 =	vmul.f32 v13, v11  }
0x4c3: {  	v3 =	vadd.f32 v16, v3;
	[tilespmem:s29+$0x0] =	vst v17;
	v56 =	vmul.f32 v8, v4;
	v57 =	vmul.f32 v19, v11  }
0x4c4: {  	s19 =	sadd.s32 $0x1, s19;
	[tilespmem:s25+$0x0] =	vst v18;
	v58 =	vmul.f32 v54, v7;
	v60 =	vmul.f32 v14, v10;
	v59 =	vadd.f32 v55, v20  }
0x4c5: {  	p0 =	sne.s32 s19, $0x10;
	[tilespmem:s3+$0x0] =	vst v3;
	v3 =	vmul.f32 v56, v10;
	v61 =	vadd.f32 v57, v20  }
.Ltmp14:
0x4c6: {  	v5 =	vmul.f32 v58, v5;
	v62 =	vadd.f32 v60, v53;
	[tilespmem:s7+$0x0] =	vst v59;
	(pc) =	sbr.rel @p0 .LBB2_26-.Ltmp14, $4  }
0x4c7: {  	v3 =	vadd.f32 v3, v53;
	[tilespmem:s8+$0x0] =	vst v61  }
0x4c8: {  	v63 =	vadd.f32 v5, v6;
	[tilespmem:s22+$0x0] =	vst v62  }
0x4c9: {  	[tilespmem:s23+$0x0] =	vst v3  }
0x4ca: {  	[tilespmem:s28+$0x0] =	vst v63  }
0x4cb: {  	s0 =	rddreg [dreg:$0x18];
	s31 =	simm.s32 $0x800;
	s29 =	simm.s32 $0x5  }
0x4cc: {  	[hbm4b:s0+s6] =	stream.linear.scatter [tilespmem:s31], [sflag:$0x4], $0x6000, $0x38;
	[tilespmem:$0x13400] =	vst v63  }
0x4cd: {  	_ =	swait.ge [sflag:s29], $0x6000  }
0x4ce: {  	[sflag:s29] =	ssyncset.done $0x0  }
0x4cf: {  	s1 =	simm.s32 $0x4;
	[sflag:s29] =	ssyncadd.s32 $0xFFFFA000  }
0x4d0: {  	_ =	swait.ge [sflag:s1], $0x6000  }
0x4d1: {  	s2 =	rddreg [dreg:$0x1a]  }
0x4d2: {  	s30 =	rddreg [dreg:$0x19];
	s2 =	sadd.s32 $0x1, s2  }
0x4d3: {  	p0 =	sne.s32 s2, s30  }
.Ltmp15:
0x4d4: {  	_ = 	snop;
	(pc) =	sbr.rel @p0 .LBB2_1-.Ltmp15, $3  }
0x4d5: {  	_ =	sdelay $0x1  }
0x4d6: {  	[sflag:s1] =	ssyncset.done $0x0  }
0x4d7: {  	[sflag:s1] =	ssyncadd.s32 $0xFFFFA000  }
0x4d8: {  	_ =	sfence.sel $0x180000  }
0x4d9: {  	[bflag:$0x0] =	sbarrier.arrive $0xFFFF  }
0x4da: {  	_ =	strace $0x90000047  }
0x4db: {  	s0 =	stileid.u32;
	[bflag:$0x2] =	sbarrier.arrive $0xFFFF  }
0x4dc: {  	p0 =	sne.s32 s0, $0x0;
	s0 =	rddreg [dreg:$0x8]  }
0x4dd: {  	s0 =	sadd.s32 @!p0 $0x100000, s0  }
0x4de: {  	[sflag:s0] =	ssyncadd.tile.s32 @!p0 $0x1;
	_ =	shalt  }
.Lfunc_end2:
_tile_overlayer_lowered:
.L_overlay_start_2:
0x4df: {  	(tag) =	ssettag $0x2  }
0x4e0: {  	s0 =	rddreg [dreg:$0x0];
	s2 =	stileid.u32  }
0x4e1: {  	s1 =	rddreg [dreg:$0x1];
	p0 =	sne.s32 s2, $0x0  }
0x4e2: {  	s3 =	rddreg [dreg:$0x2];
	[bflag:$0x3] =	sbarrier.arrive $0xFFFF;
	s2 =	simm.s32 @!p0 $0x1C06  }
0x4e3: {  	[timem:s3], [sflag:s2] =	dma.local @!p0 [hbm:s0], s1  }
0x4e4: {  	s0 =	simm.s32 @!p0 $0x6  }
0x4e5: {  	_ =	swait.ge @!p0 [sflag:s0], s1  }
0x4e6: {  	s1 =	ssub.s32 @!p0 $0x0, s1;
	[sflag:s0] =	ssyncset.done @!p0 $0x0  }
0x4e7: {  	[sflag:s0] =	ssyncadd.s32 @!p0 s1  }
0x4e8: {  	[bflag:$0x3] =	sbarrier.arrive $0xFFFF  }
0x4e9: {  	_ =	shalt  }

</sc_bundles>
